<compile_context>
chip_gen: v7x
topology: tpu7x:2x2x1
jax: 0.10.2.dev20260603
libtpu: 0.0.44.dev20260713+nightly
codegen_flags: <defaults>
</compile_context>

<pallas_src>
import functools

import jax
import jax.numpy as jnp
from jax import lax
from jax.experimental import pallas as pl
from jax.experimental.pallas import tpu as pltpu
from jax.experimental.pallas import tpu_sc as plsc

N = 10000
E = 320000
D = 128
H = 8
DH = D // H
AW = D + 32
AF = D + H

_PERM = [0] * AF
for _t in range(4):
    for _k in range(DH):
        _PERM[32 * _t + _k] = 32 * _t + 2 * _k
        _PERM[32 * _t + DH + _k] = 32 * _t + 2 * _k + 1
for _h in range(H):
    _PERM[D + _h] = D + 2 * _h

NC = 2
NS = 16
NW = NC * NS
EPC = E // NC
EPT = EPC // NS
C = 80
NCH = EPT // C
NP = 10240
RPT = NP // NS



def _prep_body(x_ref, w_ref, asf_ref, adf_ref, h_ref, ts_ref, td_ref,
               init_ref):
    xb = x_ref[...]
    h = jnp.dot(xb, w_ref[...], preferred_element_type=jnp.float32)
    h_ref[...] = h
    b = h.shape[0]
    a_s = (h * asf_ref[...]).reshape(b, H, DH).sum(-1)
    a_d = (h * adf_ref[...]).reshape(b, H, DH).sum(-1)
    ts_ref[...] = jnp.concatenate([a_s, a_s], axis=-1)
    td_ref[...] = jnp.concatenate([a_d, a_d], axis=-1)
    el = a_s + a_d
    el = jnp.maximum(el, 0.2 * el)
    exl = jnp.exp(el)
    exl128 = jnp.broadcast_to(exl[:, :, None], (b, H, DH)).reshape(b, D)
    init_ref[...] = jnp.concatenate([exl128 * h, exl], axis=-1)


def _prep_call(x, W, a_src, a_dst):
    bl = 1000
    grid = (N // bl,)
    return pl.pallas_call(
        _prep_body,
        grid=grid,
        in_specs=[
            pl.BlockSpec((bl, D), lambda i: (i, 0)),
            pl.BlockSpec((D, D), lambda i: (0, 0)),
            pl.BlockSpec((1, D), lambda i: (0, 0)),
            pl.BlockSpec((1, D), lambda i: (0, 0)),
        ],
        out_specs=[
            pl.BlockSpec((bl, D), lambda i: (i, 0)),
            pl.BlockSpec((bl, 2 * H), lambda i: (i, 0)),
            pl.BlockSpec((bl, 2 * H), lambda i: (i, 0)),
            pl.BlockSpec((bl, AF), lambda i: (i, 0)),
        ],
        out_shape=[
            jax.ShapeDtypeStruct((N, D), jnp.float32),
            jax.ShapeDtypeStruct((N, 2 * H), jnp.float32),
            jax.ShapeDtypeStruct((N, 2 * H), jnp.float32),
            jax.ShapeDtypeStruct((N, AF), jnp.float32),
        ],
    )(x, W, a_src.reshape(1, D), a_dst.reshape(1, D))



def _edge_body(zeros_hbm, src3_hbm, dst3_hbm, ts_hbm, td_hbm, h_hbm, out_hbm,
               acc, sall, dall, asb0, adb0, hb0, asb1, adb1, hb1, mb,
               sg0, sg1):
    cid = lax.axis_index("c")
    sid = lax.axis_index("s")
    rbase = sid * RPT
    w = cid * NS + sid
    pltpu.sync_copy(zeros_hbm, acc.at[pl.ds(rbase, RPT)])
    pltpu.sync_copy(src3_hbm.at[w], sall)
    pltpu.sync_copy(dst3_hbm.at[w], dall)
    plsc.subcore_barrier()

    def issue(j, asb, adb, hb, sg):
        pltpu.async_copy(ts_hbm.at[sall.at[j]], asb, sg)
        pltpu.async_copy(td_hbm.at[dall.at[j]], adb, sg)
        pltpu.async_copy(h_hbm.at[sall.at[j]], hb, sg)

    def compute(j, asb, adb, hb, sg):
        pltpu.make_async_copy(ts_hbm.at[sall.at[j]], asb, sg).wait()
        pltpu.make_async_copy(td_hbm.at[dall.at[j]], adb, sg).wait()
        pltpu.make_async_copy(h_hbm.at[sall.at[j]], hb, sg).wait()

        @plsc.parallel_loop(0, C, unroll=8)
        def edge_one(i):
            e = asb[i] + adb[i]
            e = jnp.maximum(e, 0.2 * e)
            ex = jnp.exp(e)
            mb[i, pl.ds(D, 32)] = plsc.pack(
                ex, ex, format=plsc.PackFormat.INTERLEAVED)
            for t in range(4):
                m0 = jnp.full((16,), ex[2 * t], jnp.float32)
                m1 = jnp.full((16,), ex[2 * t + 1], jnp.float32)
                off = 32 * t
                p0 = hb[i, pl.ds(off, 16)] * m0
                p1 = hb[i, pl.ds(off + 16, 16)] * m1
                mb[i, pl.ds(off, 32)] = plsc.pack(
                    p0, p1, format=plsc.PackFormat.INTERLEAVED)

        pltpu.sync_copy(mb, acc.at[dall.at[j]], add=True)

    issue(0, asb0, adb0, hb0, sg0)

    def pair(g, _):
        j0 = 2 * g
        issue(j0 + 1, asb1, adb1, hb1, sg1)
        compute(j0, asb0, adb0, hb0, sg0)
        issue(j0 + 2, asb0, adb0, hb0, sg0)
        compute(j0 + 1, asb1, adb1, hb1, sg1)
        return 0

    lax.fori_loop(0, (NCH - 1) // 2, pair, 0)
    compute(NCH - 1, asb0, adb0, hb0, sg0)

    plsc.subcore_barrier()
    pltpu.sync_copy(acc.at[pl.ds(rbase, RPT)],
                    out_hbm.at[pl.ds(cid * NP + rbase, RPT)])


def _edge_call(edge_index, ts, td, h):
    mesh = plsc.VectorSubcoreMesh(core_axis_name="c", subcore_axis_name="s")
    zeros = jnp.zeros((RPT, AW), jnp.bfloat16)
    kern = pl.kernel(
        _edge_body,
        out_type=jax.ShapeDtypeStruct((NC * NP, AW), jnp.bfloat16),
        mesh=mesh,
        scratch_types=[
            pltpu.VMEM_SHARED((NP, AW), jnp.bfloat16),
            pltpu.VMEM((NCH, C), jnp.int32),
            pltpu.VMEM((NCH, C), jnp.int32),
            pltpu.VMEM((C, 2 * H), jnp.float32),
            pltpu.VMEM((C, 2 * H), jnp.float32),
            pltpu.VMEM((C, D), jnp.float32),
            pltpu.VMEM((C, 2 * H), jnp.float32),
            pltpu.VMEM((C, 2 * H), jnp.float32),
            pltpu.VMEM((C, D), jnp.float32),
            pltpu.VMEM((C, AW), jnp.bfloat16),
            pltpu.SemaphoreType.DMA,
            pltpu.SemaphoreType.DMA,
        ],
        compiler_params=pltpu.CompilerParams(use_tc_tiling_on_sc=False,
                                             needs_layout_passes=False),
    )
    src3 = edge_index[0].reshape(NW, NCH, C)
    dst3 = edge_index[1].reshape(NW, NCH, C)
    return kern(zeros, src3, dst3, ts, td, h)



def _final_body(p0_ref, p1_ref, init_ref, x_ref, bias_ref, gamma_ref,
                beta_ref, y_ref):
    u = p0_ref[...] + p1_ref[...] + init_ref[...]
    b = u.shape[0]
    num = u[:, :D]
    den8 = u[:, D:D + H]
    den = jnp.broadcast_to(den8[:, :, None], (b, H, DH)).reshape(b, D)
    out = num / (den + 1e-16) + bias_ref[...]
    y = out + x_ref[...]
    mean = jnp.mean(y, axis=-1, keepdims=True)
    var = jnp.mean((y - mean) ** 2, axis=-1, keepdims=True)
    y = (y - mean) * lax.rsqrt(var + 1e-5)
    y_ref[...] = y * gamma_ref[...] + beta_ref[...]


def _final_call(p, init, x, bias, gamma, beta):
    bl = 1000
    grid = (N // bl,)
    return pl.pallas_call(
        _final_body,
        grid=grid,
        in_specs=[
            pl.BlockSpec((bl, AF), lambda i: (i, 0)),
            pl.BlockSpec((bl, AF), lambda i: (i, 0)),
            pl.BlockSpec((bl, AF), lambda i: (i, 0)),
            pl.BlockSpec((bl, D), lambda i: (i, 0)),
            pl.BlockSpec((1, D), lambda i: (0, 0)),
            pl.BlockSpec((1, D), lambda i: (0, 0)),
            pl.BlockSpec((1, D), lambda i: (0, 0)),
        ],
        out_specs=pl.BlockSpec((bl, D), lambda i: (i, 0)),
        out_shape=jax.ShapeDtypeStruct((N, D), jnp.float32),
    )(p[:N], p[NP:NP + N], init, x, bias.reshape(1, D), gamma.reshape(1, D),
      beta.reshape(1, D))


def kernel(x, edge_index, W, a_src, a_dst, bias, gamma, beta):
    h, ts, td, init = _prep_call(x, W, a_src, a_dst)
    p = _edge_call(edge_index, ts, td, h)
    pf = p.astype(jnp.float32)[:, jnp.array(_PERM, dtype=jnp.int32)]
    return _final_call(pf, init, x, bias, gamma, beta)

# --- scband reference (transcript-rebuilt; emitter-appended) ---
"""Pipeline reference for scband-particle-attention-layer-55972013802027 (READ-ONLY COPY).

The authoritative reference and input builder live on the scoring server;
editing this copy changes nothing except your own understanding.
"""

import jax, jax.numpy as jnp
import numpy as np

N = 10000
E = 320000
D = 128
H = 8
DH = D // H


def setup_inputs(seed: int = 0) -> dict:
    key = jax.random.key(seed)
    ks = jax.random.split(key, 8)
    x = jax.random.normal(ks[0], (N, D), dtype=jnp.float32)
    edge_index = jax.random.randint(ks[1], (2, E), 0, N, dtype=jnp.int32)
    W = jax.random.normal(ks[2], (D, D), dtype=jnp.float32) * (1.0 / np.sqrt(D))
    a_src = jax.random.normal(ks[3], (H, DH), dtype=jnp.float32) * 0.1
    a_dst = jax.random.normal(ks[4], (H, DH), dtype=jnp.float32) * 0.1
    bias = jnp.zeros((D,), dtype=jnp.float32)
    gamma = jnp.ones((D,), dtype=jnp.float32)
    beta = jnp.zeros((D,), dtype=jnp.float32)
    return {"x": x, "edge_index": edge_index, "W": W, "a_src": a_src,
            "a_dst": a_dst, "bias": bias, "gamma": gamma, "beta": beta}


def reference(x, edge_index, W, a_src, a_dst, bias, gamma, beta):
    # GATConv (PyG-style, heads=8, concat=True, add_self_loops=True,
    # negative_slope=0.2, dropout inactive at inference)
    loop = jnp.arange(N, dtype=edge_index.dtype)
    src = jnp.concatenate([edge_index[0], loop])
    dst = jnp.concatenate([edge_index[1], loop])

    h = (x @ W).reshape(N, H, DH)                      # [N, H, DH]
    alpha_s = jnp.sum(h * a_src[None, :, :], axis=-1)  # [N, H]
    alpha_d = jnp.sum(h * a_dst[None, :, :], axis=-1)  # [N, H]

    e = alpha_s[src] + alpha_d[dst]                    # [E+N, H]
    e = jax.nn.leaky_relu(e, negative_slope=0.2)

    seg_max = jax.ops.segment_max(e, dst, num_segments=N)
    seg_max = jnp.where(jnp.isfinite(seg_max), seg_max, 0.0)
    ex = jnp.exp(e - seg_max[dst])
    denom = jax.ops.segment_sum(ex, dst, num_segments=N)
    alpha = ex / (denom[dst] + 1e-16)                  # softmax over incoming edges

    msg = alpha[:, :, None] * h[src]                   # [E+N, H, DH]
    out = jax.ops.segment_sum(msg, dst, num_segments=N).reshape(N, D) + bias

    # residual + LayerNorm
    y = out + x
    mean = jnp.mean(y, axis=-1, keepdims=True)
    var = jnp.var(y, axis=-1, keepdims=True)
    y = (y - mean) / jnp.sqrt(var + 1e-5)
    return y * gamma + beta

if __name__ == "__main__":
    import jax
    _d = setup_inputs()
    print(jax.jit(kernel)(*tuple(_d.values())))

</pallas_src>

<mosaic_0001>
#map = affine_map<(d0, d1) -> (0, 0)>
#map1 = affine_map<(d0, d1) -> (0, 0, 0)>
module attributes {stable_mosaic.version = 14 : i64} {
  func.func @_edge_body(%arg0: i32, %arg1: i32, %arg2: memref<640x160xbf16, #tpu.memory_space<hbm>>, %arg3: memref<32x125x80xi32, #tpu.memory_space<hbm>>, %arg4: memref<32x125x80xi32, #tpu.memory_space<hbm>>, %arg5: memref<10000x16xf32, #tpu.memory_space<hbm>>, %arg6: memref<10000x16xf32, #tpu.memory_space<hbm>>, %arg7: memref<10000x128xf32, #tpu.memory_space<hbm>>, %arg8: memref<20480x160xbf16, #tpu.memory_space<hbm>>, %arg9: memref<10240x160xbf16, #tpu.memory_space<vmem_shared>>, %arg10: memref<125x80xi32, #tpu.memory_space<vmem>>, %arg11: memref<125x80xi32, #tpu.memory_space<vmem>>, %arg12: memref<80x16xf32, #tpu.memory_space<vmem>>, %arg13: memref<80x16xf32, #tpu.memory_space<vmem>>, %arg14: memref<80x128xf32, #tpu.memory_space<vmem>>, %arg15: memref<80x16xf32, #tpu.memory_space<vmem>>, %arg16: memref<80x16xf32, #tpu.memory_space<vmem>>, %arg17: memref<80x128xf32, #tpu.memory_space<vmem>>, %arg18: memref<80x160xbf16, #tpu.memory_space<vmem>>, %arg19: memref<!tpu.dma_semaphore, #tpu.memory_space<semaphore_mem>>, %arg20: memref<!tpu.dma_semaphore, #tpu.memory_space<semaphore_mem>>) attributes {dimension_semantics = [#tpu.dimension_semantics<core_parallel>, #tpu.dimension_semantics<subcore_parallel>], iteration_bounds = array<i64: 2, 16>, scalar_prefetch = 0 : i64, scratch_operands = 12 : i64, tpu.core_type = #tpu.core_type<sc_vector_subcore>, window_params = [{transform_indices = #map}, {transform_indices = #map1}, {transform_indices = #map1}, {transform_indices = #map}, {transform_indices = #map}, {transform_indices = #map}, {transform_indices = #map}]} {
    %mul3A = arith.constant 640 : i32
    %mul3A_0 = arith.muli %arg1, %mul3A : i32
    %mul3A_1 = arith.constant 16 : i32
    %mul3A_2 = arith.muli %arg0, %mul3A_1 : i32
    %add3A = arith.addi %mul3A_2, %arg1 : i32
    "tpu.region"() ({
      %run_scoped3A_55 = tpu.sem_alloc : memref<!tpu.dma_semaphore, #tpu.memory_space<semaphore_mem>>
      %dma_start3A_56 = arith.constant 0 : i32
      %dma_start3A_57 = tpu.memref_slice %arg9[%mul3A_0, %dma_start3A_56] : memref<10240x160xbf16, #tpu.memory_space<vmem_shared>> -> memref<640x160xbf16, #tpu.memory_space<vmem_shared>>
      tpu.enqueue_dma source(%arg2 : memref<640x160xbf16, #tpu.memory_space<hbm>>) target(%dma_start3A_57 : memref<640x160xbf16, #tpu.memory_space<vmem_shared>>) target_semaphore(%run_scoped3A_55 : memref<!tpu.dma_semaphore, #tpu.memory_space<semaphore_mem>>)
      %dma_wait3A_58 = arith.constant 0 : i32
      %dma_wait3A_59 = tpu.memref_slice %arg9[%mul3A_0, %dma_wait3A_58] : memref<10240x160xbf16, #tpu.memory_space<vmem_shared>> -> memref<640x160xbf16, #tpu.memory_space<vmem_shared>>
      tpu.wait_dma2 semaphore(%run_scoped3A_55 : memref<!tpu.dma_semaphore, #tpu.memory_space<semaphore_mem>>) src(%arg2 : memref<640x160xbf16, #tpu.memory_space<hbm>>) dst(%dma_wait3A_59 : memref<640x160xbf16, #tpu.memory_space<vmem_shared>>)
      tpu.yield
    }) : () -> ()
    "tpu.region"() ({
      %run_scoped3A_55 = tpu.sem_alloc : memref<!tpu.dma_semaphore, #tpu.memory_space<semaphore_mem>>
      %dma_start3A_56 = arith.constant 0 : i32
      %dma_start3A_57 = arith.constant 0 : i32
      %dma_start3A_58 = tpu.memref_slice %arg3[%add3A, %dma_start3A_56, %dma_start3A_57] : memref<32x125x80xi32, #tpu.memory_space<hbm>> -> memref<1x125x80xi32, #tpu.memory_space<hbm>>
      %dma_start3A_59 = tpu.memref_squeeze %dma_start3A_58 : memref<1x125x80xi32, #tpu.memory_space<hbm>> -> memref<125x80xi32, #tpu.memory_space<hbm>>
      %dma_start3A_60 = arith.constant 0 : i32
      %dma_start3A_61 = arith.constant 0 : i32
      %dma_start3A_62 = tpu.memref_slice %arg3[%add3A, %dma_start3A_60, %dma_start3A_61] : memref<32x125x80xi32, #tpu.memory_space<hbm>> -> memref<1x125x80xi32, #tpu.memory_space<hbm>>
      %dma_start3A_63 = tpu.memref_squeeze %dma_start3A_62 : memref<1x125x80xi32, #tpu.memory_space<hbm>> -> memref<125x80xi32, #tpu.memory_space<hbm>>
      tpu.enqueue_dma source(%dma_start3A_63 : memref<125x80xi32, #tpu.memory_space<hbm>>) target(%arg10 : memref<125x80xi32, #tpu.memory_space<vmem>>) target_semaphore(%run_scoped3A_55 : memref<!tpu.dma_semaphore, #tpu.memory_space<semaphore_mem>>)
      %dma_wait3A_64 = arith.constant 0 : i32
      %dma_wait3A_65 = arith.constant 0 : i32
      %dma_wait3A_66 = tpu.memref_slice %arg3[%add3A, %dma_wait3A_64, %dma_wait3A_65] : memref<32x125x80xi32, #tpu.memory_space<hbm>> -> memref<1x125x80xi32, #tpu.memory_space<hbm>>
      %dma_wait3A_67 = tpu.memref_squeeze %dma_wait3A_66 : memref<1x125x80xi32, #tpu.memory_space<hbm>> -> memref<125x80xi32, #tpu.memory_space<hbm>>
      %dma_wait3A_68 = arith.constant 0 : i32
      %dma_wait3A_69 = arith.constant 0 : i32
      %dma_wait3A_70 = tpu.memref_slice %arg3[%add3A, %dma_wait3A_68, %dma_wait3A_69] : memref<32x125x80xi32, #tpu.memory_space<hbm>> -> memref<1x125x80xi32, #tpu.memory_space<hbm>>
      %dma_wait3A_71 = tpu.memref_squeeze %dma_wait3A_70 : memref<1x125x80xi32, #tpu.memory_space<hbm>> -> memref<125x80xi32, #tpu.memory_space<hbm>>
      tpu.wait_dma2 semaphore(%run_scoped3A_55 : memref<!tpu.dma_semaphore, #tpu.memory_space<semaphore_mem>>) src(%dma_wait3A_71 : memref<125x80xi32, #tpu.memory_space<hbm>>) dst(%arg10 : memref<125x80xi32, #tpu.memory_space<vmem>>)
      tpu.yield
    }) : () -> ()
    "tpu.region"() ({
      %run_scoped3A_55 = tpu.sem_alloc : memref<!tpu.dma_semaphore, #tpu.memory_space<semaphore_mem>>
      %dma_start3A_56 = arith.constant 0 : i32
      %dma_start3A_57 = arith.constant 0 : i32
      %dma_start3A_58 = tpu.memref_slice %arg4[%add3A, %dma_start3A_56, %dma_start3A_57] : memref<32x125x80xi32, #tpu.memory_space<hbm>> -> memref<1x125x80xi32, #tpu.memory_space<hbm>>
      %dma_start3A_59 = tpu.memref_squeeze %dma_start3A_58 : memref<1x125x80xi32, #tpu.memory_space<hbm>> -> memref<125x80xi32, #tpu.memory_space<hbm>>
      %dma_start3A_60 = arith.constant 0 : i32
      %dma_start3A_61 = arith.constant 0 : i32
      %dma_start3A_62 = tpu.memref_slice %arg4[%add3A, %dma_start3A_60, %dma_start3A_61] : memref<32x125x80xi32, #tpu.memory_space<hbm>> -> memref<1x125x80xi32, #tpu.memory_space<hbm>>
      %dma_start3A_63 = tpu.memref_squeeze %dma_start3A_62 : memref<1x125x80xi32, #tpu.memory_space<hbm>> -> memref<125x80xi32, #tpu.memory_space<hbm>>
      tpu.enqueue_dma source(%dma_start3A_63 : memref<125x80xi32, #tpu.memory_space<hbm>>) target(%arg11 : memref<125x80xi32, #tpu.memory_space<vmem>>) target_semaphore(%run_scoped3A_55 : memref<!tpu.dma_semaphore, #tpu.memory_space<semaphore_mem>>)
      %dma_wait3A_64 = arith.constant 0 : i32
      %dma_wait3A_65 = arith.constant 0 : i32
      %dma_wait3A_66 = tpu.memref_slice %arg4[%add3A, %dma_wait3A_64, %dma_wait3A_65] : memref<32x125x80xi32, #tpu.memory_space<hbm>> -> memref<1x125x80xi32, #tpu.memory_space<hbm>>
      %dma_wait3A_67 = tpu.memref_squeeze %dma_wait3A_66 : memref<1x125x80xi32, #tpu.memory_space<hbm>> -> memref<125x80xi32, #tpu.memory_space<hbm>>
      %dma_wait3A_68 = arith.constant 0 : i32
      %dma_wait3A_69 = arith.constant 0 : i32
      %dma_wait3A_70 = tpu.memref_slice %arg4[%add3A, %dma_wait3A_68, %dma_wait3A_69] : memref<32x125x80xi32, #tpu.memory_space<hbm>> -> memref<1x125x80xi32, #tpu.memory_space<hbm>>
      %dma_wait3A_71 = tpu.memref_squeeze %dma_wait3A_70 : memref<1x125x80xi32, #tpu.memory_space<hbm>> -> memref<125x80xi32, #tpu.memory_space<hbm>>
      tpu.wait_dma2 semaphore(%run_scoped3A_55 : memref<!tpu.dma_semaphore, #tpu.memory_space<semaphore_mem>>) src(%dma_wait3A_71 : memref<125x80xi32, #tpu.memory_space<hbm>>) dst(%arg11 : memref<125x80xi32, #tpu.memory_space<vmem>>)
      tpu.yield
    }) : () -> ()
    %barrier3A = arith.constant 0 : index
    tpu.barrier barrier_id(%barrier3A)
    %dma_start3A = arith.constant 0 : i32
    %dma_start3A_3 = arith.constant 0 : i32
    %dma_start3A_4 = tpu.memref_slice %arg10[%dma_start3A, %dma_start3A_3] : memref<125x80xi32, #tpu.memory_space<vmem>> -> memref<1x80xi32, #tpu.memory_space<vmem>>
    %dma_start3A_5 = tpu.memref_squeeze %dma_start3A_4 : memref<1x80xi32, #tpu.memory_space<vmem>> -> memref<80xi32, #tpu.memory_space<vmem>>
    %dma_start3A_6 = arith.constant 0 : i32
    %dma_start3A_7 = arith.constant 0 : i32
    %dma_start3A_8 = tpu.memref_slice %arg5[%dma_start3A_6, %dma_start3A_7] : memref<10000x16xf32, #tpu.memory_space<hbm>> -> memref<10000x16xf32, #tpu.memory_space<hbm>>
    tpu.enqueue_indirect_dma source(%dma_start3A_8 : memref<10000x16xf32, #tpu.memory_space<hbm>>) target(%arg12 : memref<80x16xf32, #tpu.memory_space<vmem>>) offsets(%dma_start3A_5 : memref<80xi32, #tpu.memory_space<vmem>>) semaphore(%arg19 : memref<!tpu.dma_semaphore, #tpu.memory_space<semaphore_mem>>)
    %dma_start3A_9 = arith.constant 0 : i32
    %dma_start3A_10 = arith.constant 0 : i32
    %dma_start3A_11 = tpu.memref_slice %arg11[%dma_start3A_9, %dma_start3A_10] : memref<125x80xi32, #tpu.memory_space<vmem>> -> memref<1x80xi32, #tpu.memory_space<vmem>>
    %dma_start3A_12 = tpu.memref_squeeze %dma_start3A_11 : memref<1x80xi32, #tpu.memory_space<vmem>> -> memref<80xi32, #tpu.memory_space<vmem>>
    %dma_start3A_13 = arith.constant 0 : i32
    %dma_start3A_14 = arith.constant 0 : i32
    %dma_start3A_15 = tpu.memref_slice %arg6[%dma_start3A_13, %dma_start3A_14] : memref<10000x16xf32, #tpu.memory_space<hbm>> -> memref<10000x16xf32, #tpu.memory_space<hbm>>
    tpu.enqueue_indirect_dma source(%dma_start3A_15 : memref<10000x16xf32, #tpu.memory_space<hbm>>) target(%arg13 : memref<80x16xf32, #tpu.memory_space<vmem>>) offsets(%dma_start3A_12 : memref<80xi32, #tpu.memory_space<vmem>>) semaphore(%arg19 : memref<!tpu.dma_semaphore, #tpu.memory_space<semaphore_mem>>)
    %dma_start3A_16 = arith.constant 0 : i32
    %dma_start3A_17 = arith.constant 0 : i32
    %dma_start3A_18 = tpu.memref_slice %arg10[%dma_start3A_16, %dma_start3A_17] : memref<125x80xi32, #tpu.memory_space<vmem>> -> memref<1x80xi32, #tpu.memory_space<vmem>>
    %dma_start3A_19 = tpu.memref_squeeze %dma_start3A_18 : memref<1x80xi32, #tpu.memory_space<vmem>> -> memref<80xi32, #tpu.memory_space<vmem>>
    %dma_start3A_20 = arith.constant 0 : i32
    %dma_start3A_21 = arith.constant 0 : i32
    %dma_start3A_22 = tpu.memref_slice %arg7[%dma_start3A_20, %dma_start3A_21] : memref<10000x128xf32, #tpu.memory_space<hbm>> -> memref<10000x128xf32, #tpu.memory_space<hbm>>
    tpu.enqueue_indirect_dma source(%dma_start3A_22 : memref<10000x128xf32, #tpu.memory_space<hbm>>) target(%arg14 : memref<80x128xf32, #tpu.memory_space<vmem>>) offsets(%dma_start3A_19 : memref<80xi32, #tpu.memory_space<vmem>>) semaphore(%arg19 : memref<!tpu.dma_semaphore, #tpu.memory_space<semaphore_mem>>)
    %scan3A = arith.constant 0 : i32
    %scan3A_23 = arith.constant 0 : i32
    %scan3A_24 = arith.constant 62 : i32
    %scan3A_25 = arith.addi %scan3A_23, %scan3A_24 : i32
    %scan3A_26 = arith.constant 1 : i32
    %scan3A_27 = scf.for %scan3A_55 = %scan3A_23 to %scan3A_25 step %scan3A_26 iter_args(%scan3A_56 = %scan3A) -> (i32)  : i32 {
      %mul3A_57 = arith.constant 2 : i32
      %mul3A_58 = arith.muli %mul3A_57, %scan3A_55 : i32
      %add3A_59 = arith.constant 1 : i32
      %add3A_60 = arith.addi %mul3A_58, %add3A_59 : i32
      %dma_start3A_61 = arith.constant 0 : i32
      %dma_start3A_62 = tpu.memref_slice %arg10[%add3A_60, %dma_start3A_61] : memref<125x80xi32, #tpu.memory_space<vmem>> -> memref<1x80xi32, #tpu.memory_space<vmem>>
      %dma_start3A_63 = tpu.memref_squeeze %dma_start3A_62 : memref<1x80xi32, #tpu.memory_space<vmem>> -> memref<80xi32, #tpu.memory_space<vmem>>
      %dma_start3A_64 = arith.constant 0 : i32
      %dma_start3A_65 = arith.constant 0 : i32
      %dma_start3A_66 = tpu.memref_slice %arg5[%dma_start3A_64, %dma_start3A_65] : memref<10000x16xf32, #tpu.memory_space<hbm>> -> memref<10000x16xf32, #tpu.memory_space<hbm>>
      tpu.enqueue_indirect_dma source(%dma_start3A_66 : memref<10000x16xf32, #tpu.memory_space<hbm>>) target(%arg15 : memref<80x16xf32, #tpu.memory_space<vmem>>) offsets(%dma_start3A_63 : memref<80xi32, #tpu.memory_space<vmem>>) semaphore(%arg20 : memref<!tpu.dma_semaphore, #tpu.memory_space<semaphore_mem>>)
      %dma_start3A_67 = arith.constant 0 : i32
      %dma_start3A_68 = tpu.memref_slice %arg11[%add3A_60, %dma_start3A_67] : memref<125x80xi32, #tpu.memory_space<vmem>> -> memref<1x80xi32, #tpu.memory_space<vmem>>
      %dma_start3A_69 = tpu.memref_squeeze %dma_start3A_68 : memref<1x80xi32, #tpu.memory_space<vmem>> -> memref<80xi32, #tpu.memory_space<vmem>>
      %dma_start3A_70 = arith.constant 0 : i32
      %dma_start3A_71 = arith.constant 0 : i32
      %dma_start3A_72 = tpu.memref_slice %arg6[%dma_start3A_70, %dma_start3A_71] : memref<10000x16xf32, #tpu.memory_space<hbm>> -> memref<10000x16xf32, #tpu.memory_space<hbm>>
      tpu.enqueue_indirect_dma source(%dma_start3A_72 : memref<10000x16xf32, #tpu.memory_space<hbm>>) target(%arg16 : memref<80x16xf32, #tpu.memory_space<vmem>>) offsets(%dma_start3A_69 : memref<80xi32, #tpu.memory_space<vmem>>) semaphore(%arg20 : memref<!tpu.dma_semaphore, #tpu.memory_space<semaphore_mem>>)
      %dma_start3A_73 = arith.constant 0 : i32
      %dma_start3A_74 = tpu.memref_slice %arg10[%add3A_60, %dma_start3A_73] : memref<125x80xi32, #tpu.memory_space<vmem>> -> memref<1x80xi32, #tpu.memory_space<vmem>>
      %dma_start3A_75 = tpu.memref_squeeze %dma_start3A_74 : memref<1x80xi32, #tpu.memory_space<vmem>> -> memref<80xi32, #tpu.memory_space<vmem>>
      %dma_start3A_76 = arith.constant 0 : i32
      %dma_start3A_77 = arith.constant 0 : i32
      %dma_start3A_78 = tpu.memref_slice %arg7[%dma_start3A_76, %dma_start3A_77] : memref<10000x128xf32, #tpu.memory_space<hbm>> -> memref<10000x128xf32, #tpu.memory_space<hbm>>
      tpu.enqueue_indirect_dma source(%dma_start3A_78 : memref<10000x128xf32, #tpu.memory_space<hbm>>) target(%arg17 : memref<80x128xf32, #tpu.memory_space<vmem>>) offsets(%dma_start3A_75 : memref<80xi32, #tpu.memory_space<vmem>>) semaphore(%arg20 : memref<!tpu.dma_semaphore, #tpu.memory_space<semaphore_mem>>)
      %dma_wait3A_79 = arith.constant 0 : i32
      %dma_wait3A_80 = tpu.memref_slice %arg10[%mul3A_58, %dma_wait3A_79] : memref<125x80xi32, #tpu.memory_space<vmem>> -> memref<1x80xi32, #tpu.memory_space<vmem>>
      %dma_wait3A_81 = tpu.memref_squeeze %dma_wait3A_80 : memref<1x80xi32, #tpu.memory_space<vmem>> -> memref<80xi32, #tpu.memory_space<vmem>>
      %dma_wait3A_82 = arith.constant 0 : i32
      %dma_wait3A_83 = arith.constant 0 : i32
      %dma_wait3A_84 = tpu.memref_slice %arg5[%dma_wait3A_82, %dma_wait3A_83] : memref<10000x16xf32, #tpu.memory_space<hbm>> -> memref<10000x16xf32, #tpu.memory_space<hbm>>
      tpu.wait_indirect_dma semaphore(%arg19 : memref<!tpu.dma_semaphore, #tpu.memory_space<semaphore_mem>>) src(%dma_wait3A_84 : memref<10000x16xf32, #tpu.memory_space<hbm>>) dst(%arg12 : memref<80x16xf32, #tpu.memory_space<vmem>>)
      %dma_wait3A_85 = arith.constant 0 : i32
      %dma_wait3A_86 = tpu.memref_slice %arg11[%mul3A_58, %dma_wait3A_85] : memref<125x80xi32, #tpu.memory_space<vmem>> -> memref<1x80xi32, #tpu.memory_space<vmem>>
      %dma_wait3A_87 = tpu.memref_squeeze %dma_wait3A_86 : memref<1x80xi32, #tpu.memory_space<vmem>> -> memref<80xi32, #tpu.memory_space<vmem>>
      %dma_wait3A_88 = arith.constant 0 : i32
      %dma_wait3A_89 = arith.constant 0 : i32
      %dma_wait3A_90 = tpu.memref_slice %arg6[%dma_wait3A_88, %dma_wait3A_89] : memref<10000x16xf32, #tpu.memory_space<hbm>> -> memref<10000x16xf32, #tpu.memory_space<hbm>>
      tpu.wait_indirect_dma semaphore(%arg19 : memref<!tpu.dma_semaphore, #tpu.memory_space<semaphore_mem>>) src(%dma_wait3A_90 : memref<10000x16xf32, #tpu.memory_space<hbm>>) dst(%arg13 : memref<80x16xf32, #tpu.memory_space<vmem>>)
      %dma_wait3A_91 = arith.constant 0 : i32
      %dma_wait3A_92 = tpu.memref_slice %arg10[%mul3A_58, %dma_wait3A_91] : memref<125x80xi32, #tpu.memory_space<vmem>> -> memref<1x80xi32, #tpu.memory_space<vmem>>
      %dma_wait3A_93 = tpu.memref_squeeze %dma_wait3A_92 : memref<1x80xi32, #tpu.memory_space<vmem>> -> memref<80xi32, #tpu.memory_space<vmem>>
      %dma_wait3A_94 = arith.constant 0 : i32
      %dma_wait3A_95 = arith.constant 0 : i32
      %dma_wait3A_96 = tpu.memref_slice %arg7[%dma_wait3A_94, %dma_wait3A_95] : memref<10000x128xf32, #tpu.memory_space<hbm>> -> memref<10000x128xf32, #tpu.memory_space<hbm>>
      tpu.wait_indirect_dma semaphore(%arg19 : memref<!tpu.dma_semaphore, #tpu.memory_space<semaphore_mem>>) src(%dma_wait3A_96 : memref<10000x128xf32, #tpu.memory_space<hbm>>) dst(%arg14 : memref<80x128xf32, #tpu.memory_space<vmem>>)
      %parallel_loop3A_97 = arith.constant 0 : i32
      %parallel_loop3A_98 = arith.constant 80 : i32
      %parallel_loop3A_99 = arith.constant 1 : i32
      scf.for %parallel_loop3A_144 = %parallel_loop3A_97 to %parallel_loop3A_98 step %parallel_loop3A_99  : i32 {
        %parallel_loop3A_145 = arith.index_cast %parallel_loop3A_144 : i32 to index
        %parallel_loop3A_146 = arith.constant 0 : index
        %parallel_loop3A_147 = tpu.vector_load %arg12[%parallel_loop3A_145, %parallel_loop3A_146] {strides = array<i32>} : memref<80x16xf32, #tpu.memory_space<vmem>>, vector<16xf32>,
        %parallel_loop3A_148 = arith.index_cast %parallel_loop3A_144 : i32 to index
        %parallel_loop3A_149 = arith.constant 0 : index
        %parallel_loop3A_150 = tpu.vector_load %arg13[%parallel_loop3A_148, %parallel_loop3A_149] {strides = array<i32>} : memref<80x16xf32, #tpu.memory_space<vmem>>, vector<16xf32>,
        %parallel_loop3A_151 = arith.addf %parallel_loop3A_147, %parallel_loop3A_150 : vector<16xf32>
        %parallel_loop3A_152 = arith.constant 2.000000e-01 : f32
        %parallel_loop3A_153 = vector.broadcast %parallel_loop3A_152 : f32 to vector<16xf32>
        %parallel_loop3A_154 = arith.mulf %parallel_loop3A_153, %parallel_loop3A_151 : vector<16xf32>
        %parallel_loop3A_155 = arith.maximumf %parallel_loop3A_151, %parallel_loop3A_154 : vector<16xf32>
        %parallel_loop3A_156 = math.exp %parallel_loop3A_155 : vector<16xf32>
        %parallel_loop3A_157 = tpu.pack_subelements %parallel_loop3A_156, %parallel_loop3A_156 {pack_format = #tpu.pack_format<interleaved>, positions = array<i32: 0, 1>} : vector<16xf32>, vector<16xf32> -> vector<32xbf16>
        %parallel_loop3A_158 = arith.index_cast %parallel_loop3A_144 : i32 to index
        %parallel_loop3A_159 = arith.constant 128 : index
        %parallel_loop3A_160 = tpu.vector_load %arg18[%parallel_loop3A_158, %parallel_loop3A_159] {strides = array<i32>} : memref<80x160xbf16, #tpu.memory_space<vmem>>, vector<32xbf16>,
        tpu.vector_store %arg18[%parallel_loop3A_158, %parallel_loop3A_159], %parallel_loop3A_157 {strides = array<i32>} : memref<80x160xbf16, #tpu.memory_space<vmem>>, vector<32xbf16>,
        %parallel_loop3A_161 = vector.extract_strided_slice %parallel_loop3A_156 {offsets = [0], sizes = [1], strides = [1]} : vector<16xf32> to vector<1xf32>
        %parallel_loop3A_162 = vector.extract %parallel_loop3A_161[0] : f32 from vector<1xf32>
        %parallel_loop3A_163 = vector.broadcast %parallel_loop3A_162 : f32 to vector<16xf32>
        %parallel_loop3A_164 = vector.extract_strided_slice %parallel_loop3A_156 {offsets = [1], sizes = [1], strides = [1]} : vector<16xf32> to vector<1xf32>
        %parallel_loop3A_165 = vector.extract %parallel_loop3A_164[0] : f32 from vector<1xf32>
        %parallel_loop3A_166 = vector.broadcast %parallel_loop3A_165 : f32 to vector<16xf32>
        %parallel_loop3A_167 = arith.index_cast %parallel_loop3A_144 : i32 to index
        %parallel_loop3A_168 = arith.constant 0 : index
        %parallel_loop3A_169 = tpu.vector_load %arg14[%parallel_loop3A_167, %parallel_loop3A_168] {strides = array<i32>} : memref<80x128xf32, #tpu.memory_space<vmem>>, vector<16xf32>,
        %parallel_loop3A_170 = arith.mulf %parallel_loop3A_169, %parallel_loop3A_163 : vector<16xf32>
        %parallel_loop3A_171 = arith.index_cast %parallel_loop3A_144 : i32 to index
        %parallel_loop3A_172 = arith.constant 16 : index
        %parallel_loop3A_173 = tpu.vector_load %arg14[%parallel_loop3A_171, %parallel_loop3A_172] {strides = array<i32>} : memref<80x128xf32, #tpu.memory_space<vmem>>, vector<16xf32>,
        %parallel_loop3A_174 = arith.mulf %parallel_loop3A_173, %parallel_loop3A_166 : vector<16xf32>
        %parallel_loop3A_175 = tpu.pack_subelements %parallel_loop3A_170, %parallel_loop3A_174 {pack_format = #tpu.pack_format<interleaved>, positions = array<i32: 0, 1>} : vector<16xf32>, vector<16xf32> -> vector<32xbf16>
        %parallel_loop3A_176 = arith.index_cast %parallel_loop3A_144 : i32 to index
        %parallel_loop3A_177 = arith.constant 0 : index
        %parallel_loop3A_178 = tpu.vector_load %arg18[%parallel_loop3A_176, %parallel_loop3A_177] {strides = array<i32>} : memref<80x160xbf16, #tpu.memory_space<vmem>>, vector<32xbf16>,
        tpu.vector_store %arg18[%parallel_loop3A_176, %parallel_loop3A_177], %parallel_loop3A_175 {strides = array<i32>} : memref<80x160xbf16, #tpu.memory_space<vmem>>, vector<32xbf16>,
        %parallel_loop3A_179 = vector.extract_strided_slice %parallel_loop3A_156 {offsets = [2], sizes = [1], strides = [1]} : vector<16xf32> to vector<1xf32>
        %parallel_loop3A_180 = vector.extract %parallel_loop3A_179[0] : f32 from vector<1xf32>
        %parallel_loop3A_181 = vector.broadcast %parallel_loop3A_180 : f32 to vector<16xf32>
        %parallel_loop3A_182 = vector.extract_strided_slice %parallel_loop3A_156 {offsets = [3], sizes = [1], strides = [1]} : vector<16xf32> to vector<1xf32>
        %parallel_loop3A_183 = vector.extract %parallel_loop3A_182[0] : f32 from vector<1xf32>
        %parallel_loop3A_184 = vector.broadcast %parallel_loop3A_183 : f32 to vector<16xf32>
        %parallel_loop3A_185 = arith.index_cast %parallel_loop3A_144 : i32 to index
        %parallel_loop3A_186 = arith.constant 32 : index
        %parallel_loop3A_187 = tpu.vector_load %arg14[%parallel_loop3A_185, %parallel_loop3A_186] {strides = array<i32>} : memref<80x128xf32, #tpu.memory_space<vmem>>, vector<16xf32>,
        %parallel_loop3A_188 = arith.mulf %parallel_loop3A_187, %parallel_loop3A_181 : vector<16xf32>
        %parallel_loop3A_189 = arith.index_cast %parallel_loop3A_144 : i32 to index
        %parallel_loop3A_190 = arith.constant 48 : index
        %parallel_loop3A_191 = tpu.vector_load %arg14[%parallel_loop3A_189, %parallel_loop3A_190] {strides = array<i32>} : memref<80x128xf32, #tpu.memory_space<vmem>>, vector<16xf32>,
        %parallel_loop3A_192 = arith.mulf %parallel_loop3A_191, %parallel_loop3A_184 : vector<16xf32>
        %parallel_loop3A_193 = tpu.pack_subelements %parallel_loop3A_188, %parallel_loop3A_192 {pack_format = #tpu.pack_format<interleaved>, positions = array<i32: 0, 1>} : vector<16xf32>, vector<16xf32> -> vector<32xbf16>
        %parallel_loop3A_194 = arith.index_cast %parallel_loop3A_144 : i32 to index
        %parallel_loop3A_195 = arith.constant 32 : index
        %parallel_loop3A_196 = tpu.vector_load %arg18[%parallel_loop3A_194, %parallel_loop3A_195] {strides = array<i32>} : memref<80x160xbf16, #tpu.memory_space<vmem>>, vector<32xbf16>,
        tpu.vector_store %arg18[%parallel_loop3A_194, %parallel_loop3A_195], %parallel_loop3A_193 {strides = array<i32>} : memref<80x160xbf16, #tpu.memory_space<vmem>>, vector<32xbf16>,
        %parallel_loop3A_197 = vector.extract_strided_slice %parallel_loop3A_156 {offsets = [4], sizes = [1], strides = [1]} : vector<16xf32> to vector<1xf32>
        %parallel_loop3A_198 = vector.extract %parallel_loop3A_197[0] : f32 from vector<1xf32>
        %parallel_loop3A_199 = vector.broadcast %parallel_loop3A_198 : f32 to vector<16xf32>
        %parallel_loop3A_200 = vector.extract_strided_slice %parallel_loop3A_156 {offsets = [5], sizes = [1], strides = [1]} : vector<16xf32> to vector<1xf32>
        %parallel_loop3A_201 = vector.extract %parallel_loop3A_200[0] : f32 from vector<1xf32>
        %parallel_loop3A_202 = vector.broadcast %parallel_loop3A_201 : f32 to vector<16xf32>
        %parallel_loop3A_203 = arith.index_cast %parallel_loop3A_144 : i32 to index
        %parallel_loop3A_204 = arith.constant 64 : index
        %parallel_loop3A_205 = tpu.vector_load %arg14[%parallel_loop3A_203, %parallel_loop3A_204] {strides = array<i32>} : memref<80x128xf32, #tpu.memory_space<vmem>>, vector<16xf32>,
        %parallel_loop3A_206 = arith.mulf %parallel_loop3A_205, %parallel_loop3A_199 : vector<16xf32>
        %parallel_loop3A_207 = arith.index_cast %parallel_loop3A_144 : i32 to index
        %parallel_loop3A_208 = arith.constant 80 : index
        %parallel_loop3A_209 = tpu.vector_load %arg14[%parallel_loop3A_207, %parallel_loop3A_208] {strides = array<i32>} : memref<80x128xf32, #tpu.memory_space<vmem>>, vector<16xf32>,
        %parallel_loop3A_210 = arith.mulf %parallel_loop3A_209, %parallel_loop3A_202 : vector<16xf32>
        %parallel_loop3A_211 = tpu.pack_subelements %parallel_loop3A_206, %parallel_loop3A_210 {pack_format = #tpu.pack_format<interleaved>, positions = array<i32: 0, 1>} : vector<16xf32>, vector<16xf32> -> vector<32xbf16>
        %parallel_loop3A_212 = arith.index_cast %parallel_loop3A_144 : i32 to index
        %parallel_loop3A_213 = arith.constant 64 : index
        %parallel_loop3A_214 = tpu.vector_load %arg18[%parallel_loop3A_212, %parallel_loop3A_213] {strides = array<i32>} : memref<80x160xbf16, #tpu.memory_space<vmem>>, vector<32xbf16>,
        tpu.vector_store %arg18[%parallel_loop3A_212, %parallel_loop3A_213], %parallel_loop3A_211 {strides = array<i32>} : memref<80x160xbf16, #tpu.memory_space<vmem>>, vector<32xbf16>,
        %parallel_loop3A_215 = vector.extract_strided_slice %parallel_loop3A_156 {offsets = [6], sizes = [1], strides = [1]} : vector<16xf32> to vector<1xf32>
        %parallel_loop3A_216 = vector.extract %parallel_loop3A_215[0] : f32 from vector<1xf32>
        %parallel_loop3A_217 = vector.broadcast %parallel_loop3A_216 : f32 to vector<16xf32>
        %parallel_loop3A_218 = vector.extract_strided_slice %parallel_loop3A_156 {offsets = [7], sizes = [1], strides = [1]} : vector<16xf32> to vector<1xf32>
        %parallel_loop3A_219 = vector.extract %parallel_loop3A_218[0] : f32 from vector<1xf32>
        %parallel_loop3A_220 = vector.broadcast %parallel_loop3A_219 : f32 to vector<16xf32>
        %parallel_loop3A_221 = arith.index_cast %parallel_loop3A_144 : i32 to index
        %parallel_loop3A_222 = arith.constant 96 : index
        %parallel_loop3A_223 = tpu.vector_load %arg14[%parallel_loop3A_221, %parallel_loop3A_222] {strides = array<i32>} : memref<80x128xf32, #tpu.memory_space<vmem>>, vector<16xf32>,
        %parallel_loop3A_224 = arith.mulf %parallel_loop3A_223, %parallel_loop3A_217 : vector<16xf32>
        %parallel_loop3A_225 = arith.index_cast %parallel_loop3A_144 : i32 to index
        %parallel_loop3A_226 = arith.constant 112 : index
        %parallel_loop3A_227 = tpu.vector_load %arg14[%parallel_loop3A_225, %parallel_loop3A_226] {strides = array<i32>} : memref<80x128xf32, #tpu.memory_space<vmem>>, vector<16xf32>,
        %parallel_loop3A_228 = arith.mulf %parallel_loop3A_227, %parallel_loop3A_220 : vector<16xf32>
        %parallel_loop3A_229 = tpu.pack_subelements %parallel_loop3A_224, %parallel_loop3A_228 {pack_format = #tpu.pack_format<interleaved>, positions = array<i32: 0, 1>} : vector<16xf32>, vector<16xf32> -> vector<32xbf16>
        %parallel_loop3A_230 = arith.index_cast %parallel_loop3A_144 : i32 to index
        %parallel_loop3A_231 = arith.constant 96 : index
        %parallel_loop3A_232 = tpu.vector_load %arg18[%parallel_loop3A_230, %parallel_loop3A_231] {strides = array<i32>} : memref<80x160xbf16, #tpu.memory_space<vmem>>, vector<32xbf16>,
        tpu.vector_store %arg18[%parallel_loop3A_230, %parallel_loop3A_231], %parallel_loop3A_229 {strides = array<i32>} : memref<80x160xbf16, #tpu.memory_space<vmem>>, vector<32xbf16>,
      } {sc.loop_unroll_factor = 8 : i64, sc.parallel_access}
      "tpu.region"() ({
        %run_scoped3A_144 = tpu.sem_alloc : memref<!tpu.dma_semaphore, #tpu.memory_space<semaphore_mem>>
        %dma_start3A_145 = arith.constant 0 : i32
        %dma_start3A_146 = tpu.memref_slice %arg11[%mul3A_58, %dma_start3A_145] : memref<125x80xi32, #tpu.memory_space<vmem>> -> memref<1x80xi32, #tpu.memory_space<vmem>>
        %dma_start3A_147 = tpu.memref_squeeze %dma_start3A_146 : memref<1x80xi32, #tpu.memory_space<vmem>> -> memref<80xi32, #tpu.memory_space<vmem>>
        %dma_start3A_148 = arith.constant 0 : i32
        %dma_start3A_149 = arith.constant 0 : i32
        %dma_start3A_150 = tpu.memref_slice %arg9[%dma_start3A_148, %dma_start3A_149] : memref<10240x160xbf16, #tpu.memory_space<vmem_shared>> -> memref<10240x160xbf16, #tpu.memory_space<vmem_shared>>
        tpu.enqueue_indirect_dma source(%arg18 : memref<80x160xbf16, #tpu.memory_space<vmem>>) target(%dma_start3A_150 : memref<10240x160xbf16, #tpu.memory_space<vmem_shared>>) offsets(%dma_start3A_147 : memref<80xi32, #tpu.memory_space<vmem>>) semaphore(%run_scoped3A_144 : memref<!tpu.dma_semaphore, #tpu.memory_space<semaphore_mem>>) {add = true}
        %dma_wait3A_151 = arith.constant 0 : i32
        %dma_wait3A_152 = tpu.memref_slice %arg11[%mul3A_58, %dma_wait3A_151] : memref<125x80xi32, #tpu.memory_space<vmem>> -> memref<1x80xi32, #tpu.memory_space<vmem>>
        %dma_wait3A_153 = tpu.memref_squeeze %dma_wait3A_152 : memref<1x80xi32, #tpu.memory_space<vmem>> -> memref<80xi32, #tpu.memory_space<vmem>>
        %dma_wait3A_154 = arith.constant 0 : i32
        %dma_wait3A_155 = arith.constant 0 : i32
        %dma_wait3A_156 = tpu.memref_slice %arg9[%dma_wait3A_154, %dma_wait3A_155] : memref<10240x160xbf16, #tpu.memory_space<vmem_shared>> -> memref<10240x160xbf16, #tpu.memory_space<vmem_shared>>
        tpu.wait_indirect_dma semaphore(%run_scoped3A_144 : memref<!tpu.dma_semaphore, #tpu.memory_space<semaphore_mem>>) src(%arg18 : memref<80x160xbf16, #tpu.memory_space<vmem>>) dst(%dma_wait3A_156 : memref<10240x160xbf16, #tpu.memory_space<vmem_shared>>)
        tpu.yield
      }) : () -> ()
      %add3A_100 = arith.constant 2 : i32
      %add3A_101 = arith.addi %mul3A_58, %add3A_100 : i32
      %dma_start3A_102 = arith.constant 0 : i32
      %dma_start3A_103 = tpu.memref_slice %arg10[%add3A_101, %dma_start3A_102] : memref<125x80xi32, #tpu.memory_space<vmem>> -> memref<1x80xi32, #tpu.memory_space<vmem>>
      %dma_start3A_104 = tpu.memref_squeeze %dma_start3A_103 : memref<1x80xi32, #tpu.memory_space<vmem>> -> memref<80xi32, #tpu.memory_space<vmem>>
      %dma_start3A_105 = arith.constant 0 : i32
      %dma_start3A_106 = arith.constant 0 : i32
      %dma_start3A_107 = tpu.memref_slice %arg5[%dma_start3A_105, %dma_start3A_106] : memref<10000x16xf32, #tpu.memory_space<hbm>> -> memref<10000x16xf32, #tpu.memory_space<hbm>>
      tpu.enqueue_indirect_dma source(%dma_start3A_107 : memref<10000x16xf32, #tpu.memory_space<hbm>>) target(%arg12 : memref<80x16xf32, #tpu.memory_space<vmem>>) offsets(%dma_start3A_104 : memref<80xi32, #tpu.memory_space<vmem>>) semaphore(%arg19 : memref<!tpu.dma_semaphore, #tpu.memory_space<semaphore_mem>>)
      %dma_start3A_108 = arith.constant 0 : i32
      %dma_start3A_109 = tpu.memref_slice %arg11[%add3A_101, %dma_start3A_108] : memref<125x80xi32, #tpu.memory_space<vmem>> -> memref<1x80xi32, #tpu.memory_space<vmem>>
      %dma_start3A_110 = tpu.memref_squeeze %dma_start3A_109 : memref<1x80xi32, #tpu.memory_space<vmem>> -> memref<80xi32, #tpu.memory_space<vmem>>
      %dma_start3A_111 = arith.constant 0 : i32
      %dma_start3A_112 = arith.constant 0 : i32
      %dma_start3A_113 = tpu.memref_slice %arg6[%dma_start3A_111, %dma_start3A_112] : memref<10000x16xf32, #tpu.memory_space<hbm>> -> memref<10000x16xf32, #tpu.memory_space<hbm>>
      tpu.enqueue_indirect_dma source(%dma_start3A_113 : memref<10000x16xf32, #tpu.memory_space<hbm>>) target(%arg13 : memref<80x16xf32, #tpu.memory_space<vmem>>) offsets(%dma_start3A_110 : memref<80xi32, #tpu.memory_space<vmem>>) semaphore(%arg19 : memref<!tpu.dma_semaphore, #tpu.memory_space<semaphore_mem>>)
      %dma_start3A_114 = arith.constant 0 : i32
      %dma_start3A_115 = tpu.memref_slice %arg10[%add3A_101, %dma_start3A_114] : memref<125x80xi32, #tpu.memory_space<vmem>> -> memref<1x80xi32, #tpu.memory_space<vmem>>
      %dma_start3A_116 = tpu.memref_squeeze %dma_start3A_115 : memref<1x80xi32, #tpu.memory_space<vmem>> -> memref<80xi32, #tpu.memory_space<vmem>>
      %dma_start3A_117 = arith.constant 0 : i32
      %dma_start3A_118 = arith.constant 0 : i32
      %dma_start3A_119 = tpu.memref_slice %arg7[%dma_start3A_117, %dma_start3A_118] : memref<10000x128xf32, #tpu.memory_space<hbm>> -> memref<10000x128xf32, #tpu.memory_space<hbm>>
      tpu.enqueue_indirect_dma source(%dma_start3A_119 : memref<10000x128xf32, #tpu.memory_space<hbm>>) target(%arg14 : memref<80x128xf32, #tpu.memory_space<vmem>>) offsets(%dma_start3A_116 : memref<80xi32, #tpu.memory_space<vmem>>) semaphore(%arg19 : memref<!tpu.dma_semaphore, #tpu.memory_space<semaphore_mem>>)
      %add3A_120 = arith.constant 1 : i32
      %add3A_121 = arith.addi %mul3A_58, %add3A_120 : i32
      %dma_wait3A_122 = arith.constant 0 : i32
      %dma_wait3A_123 = tpu.memref_slice %arg10[%add3A_121, %dma_wait3A_122] : memref<125x80xi32, #tpu.memory_space<vmem>> -> memref<1x80xi32, #tpu.memory_space<vmem>>
      %dma_wait3A_124 = tpu.memref_squeeze %dma_wait3A_123 : memref<1x80xi32, #tpu.memory_space<vmem>> -> memref<80xi32, #tpu.memory_space<vmem>>
      %dma_wait3A_125 = arith.constant 0 : i32
      %dma_wait3A_126 = arith.constant 0 : i32
      %dma_wait3A_127 = tpu.memref_slice %arg5[%dma_wait3A_125, %dma_wait3A_126] : memref<10000x16xf32, #tpu.memory_space<hbm>> -> memref<10000x16xf32, #tpu.memory_space<hbm>>
      tpu.wait_indirect_dma semaphore(%arg20 : memref<!tpu.dma_semaphore, #tpu.memory_space<semaphore_mem>>) src(%dma_wait3A_127 : memref<10000x16xf32, #tpu.memory_space<hbm>>) dst(%arg15 : memref<80x16xf32, #tpu.memory_space<vmem>>)
      %dma_wait3A_128 = arith.constant 0 : i32
      %dma_wait3A_129 = tpu.memref_slice %arg11[%add3A_121, %dma_wait3A_128] : memref<125x80xi32, #tpu.memory_space<vmem>> -> memref<1x80xi32, #tpu.memory_space<vmem>>
      %dma_wait3A_130 = tpu.memref_squeeze %dma_wait3A_129 : memref<1x80xi32, #tpu.memory_space<vmem>> -> memref<80xi32, #tpu.memory_space<vmem>>
      %dma_wait3A_131 = arith.constant 0 : i32
      %dma_wait3A_132 = arith.constant 0 : i32
      %dma_wait3A_133 = tpu.memref_slice %arg6[%dma_wait3A_131, %dma_wait3A_132] : memref<10000x16xf32, #tpu.memory_space<hbm>> -> memref<10000x16xf32, #tpu.memory_space<hbm>>
      tpu.wait_indirect_dma semaphore(%arg20 : memref<!tpu.dma_semaphore, #tpu.memory_space<semaphore_mem>>) src(%dma_wait3A_133 : memref<10000x16xf32, #tpu.memory_space<hbm>>) dst(%arg16 : memref<80x16xf32, #tpu.memory_space<vmem>>)
      %dma_wait3A_134 = arith.constant 0 : i32
      %dma_wait3A_135 = tpu.memref_slice %arg10[%add3A_121, %dma_wait3A_134] : memref<125x80xi32, #tpu.memory_space<vmem>> -> memref<1x80xi32, #tpu.memory_space<vmem>>
      %dma_wait3A_136 = tpu.memref_squeeze %dma_wait3A_135 : memref<1x80xi32, #tpu.memory_space<vmem>> -> memref<80xi32, #tpu.memory_space<vmem>>
      %dma_wait3A_137 = arith.constant 0 : i32
      %dma_wait3A_138 = arith.constant 0 : i32
      %dma_wait3A_139 = tpu.memref_slice %arg7[%dma_wait3A_137, %dma_wait3A_138] : memref<10000x128xf32, #tpu.memory_space<hbm>> -> memref<10000x128xf32, #tpu.memory_space<hbm>>
      tpu.wait_indirect_dma semaphore(%arg20 : memref<!tpu.dma_semaphore, #tpu.memory_space<semaphore_mem>>) src(%dma_wait3A_139 : memref<10000x128xf32, #tpu.memory_space<hbm>>) dst(%arg17 : memref<80x128xf32, #tpu.memory_space<vmem>>)
      %parallel_loop3A_140 = arith.constant 0 : i32
      %parallel_loop3A_141 = arith.constant 80 : i32
      %parallel_loop3A_142 = arith.constant 1 : i32
      scf.for %parallel_loop3A_144 = %parallel_loop3A_140 to %parallel_loop3A_141 step %parallel_loop3A_142  : i32 {
        %parallel_loop3A_145 = arith.index_cast %parallel_loop3A_144 : i32 to index
        %parallel_loop3A_146 = arith.constant 0 : index
        %parallel_loop3A_147 = tpu.vector_load %arg15[%parallel_loop3A_145, %parallel_loop3A_146] {strides = array<i32>} : memref<80x16xf32, #tpu.memory_space<vmem>>, vector<16xf32>,
        %parallel_loop3A_148 = arith.index_cast %parallel_loop3A_144 : i32 to index
        %parallel_loop3A_149 = arith.constant 0 : index
        %parallel_loop3A_150 = tpu.vector_load %arg16[%parallel_loop3A_148, %parallel_loop3A_149] {strides = array<i32>} : memref<80x16xf32, #tpu.memory_space<vmem>>, vector<16xf32>,
        %parallel_loop3A_151 = arith.addf %parallel_loop3A_147, %parallel_loop3A_150 : vector<16xf32>
        %parallel_loop3A_152 = arith.constant 2.000000e-01 : f32
        %parallel_loop3A_153 = vector.broadcast %parallel_loop3A_152 : f32 to vector<16xf32>
        %parallel_loop3A_154 = arith.mulf %parallel_loop3A_153, %parallel_loop3A_151 : vector<16xf32>
        %parallel_loop3A_155 = arith.maximumf %parallel_loop3A_151, %parallel_loop3A_154 : vector<16xf32>
        %parallel_loop3A_156 = math.exp %parallel_loop3A_155 : vector<16xf32>
        %parallel_loop3A_157 = tpu.pack_subelements %parallel_loop3A_156, %parallel_loop3A_156 {pack_format = #tpu.pack_format<interleaved>, positions = array<i32: 0, 1>} : vector<16xf32>, vector<16xf32> -> vector<32xbf16>
        %parallel_loop3A_158 = arith.index_cast %parallel_loop3A_144 : i32 to index
        %parallel_loop3A_159 = arith.constant 128 : index
        %parallel_loop3A_160 = tpu.vector_load %arg18[%parallel_loop3A_158, %parallel_loop3A_159] {strides = array<i32>} : memref<80x160xbf16, #tpu.memory_space<vmem>>, vector<32xbf16>,
        tpu.vector_store %arg18[%parallel_loop3A_158, %parallel_loop3A_159], %parallel_loop3A_157 {strides = array<i32>} : memref<80x160xbf16, #tpu.memory_space<vmem>>, vector<32xbf16>,
        %parallel_loop3A_161 = vector.extract_strided_slice %parallel_loop3A_156 {offsets = [0], sizes = [1], strides = [1]} : vector<16xf32> to vector<1xf32>
        %parallel_loop3A_162 = vector.extract %parallel_loop3A_161[0] : f32 from vector<1xf32>
        %parallel_loop3A_163 = vector.broadcast %parallel_loop3A_162 : f32 to vector<16xf32>
        %parallel_loop3A_164 = vector.extract_strided_slice %parallel_loop3A_156 {offsets = [1], sizes = [1], strides = [1]} : vector<16xf32> to vector<1xf32>
        %parallel_loop3A_165 = vector.extract %parallel_loop3A_164[0] : f32 from vector<1xf32>
        %parallel_loop3A_166 = vector.broadcast %parallel_loop3A_165 : f32 to vector<16xf32>
        %parallel_loop3A_167 = arith.index_cast %parallel_loop3A_144 : i32 to index
        %parallel_loop3A_168 = arith.constant 0 : index
        %parallel_loop3A_169 = tpu.vector_load %arg17[%parallel_loop3A_167, %parallel_loop3A_168] {strides = array<i32>} : memref<80x128xf32, #tpu.memory_space<vmem>>, vector<16xf32>,
        %parallel_loop3A_170 = arith.mulf %parallel_loop3A_169, %parallel_loop3A_163 : vector<16xf32>
        %parallel_loop3A_171 = arith.index_cast %parallel_loop3A_144 : i32 to index
        %parallel_loop3A_172 = arith.constant 16 : index
        %parallel_loop3A_173 = tpu.vector_load %arg17[%parallel_loop3A_171, %parallel_loop3A_172] {strides = array<i32>} : memref<80x128xf32, #tpu.memory_space<vmem>>, vector<16xf32>,
        %parallel_loop3A_174 = arith.mulf %parallel_loop3A_173, %parallel_loop3A_166 : vector<16xf32>
        %parallel_loop3A_175 = tpu.pack_subelements %parallel_loop3A_170, %parallel_loop3A_174 {pack_format = #tpu.pack_format<interleaved>, positions = array<i32: 0, 1>} : vector<16xf32>, vector<16xf32> -> vector<32xbf16>
        %parallel_loop3A_176 = arith.index_cast %parallel_loop3A_144 : i32 to index
        %parallel_loop3A_177 = arith.constant 0 : index
        %parallel_loop3A_178 = tpu.vector_load %arg18[%parallel_loop3A_176, %parallel_loop3A_177] {strides = array<i32>} : memref<80x160xbf16, #tpu.memory_space<vmem>>, vector<32xbf16>,
        tpu.vector_store %arg18[%parallel_loop3A_176, %parallel_loop3A_177], %parallel_loop3A_175 {strides = array<i32>} : memref<80x160xbf16, #tpu.memory_space<vmem>>, vector<32xbf16>,
        %parallel_loop3A_179 = vector.extract_strided_slice %parallel_loop3A_156 {offsets = [2], sizes = [1], strides = [1]} : vector<16xf32> to vector<1xf32>
        %parallel_loop3A_180 = vector.extract %parallel_loop3A_179[0] : f32 from vector<1xf32>
        %parallel_loop3A_181 = vector.broadcast %parallel_loop3A_180 : f32 to vector<16xf32>
        %parallel_loop3A_182 = vector.extract_strided_slice %parallel_loop3A_156 {offsets = [3], sizes = [1], strides = [1]} : vector<16xf32> to vector<1xf32>
        %parallel_loop3A_183 = vector.extract %parallel_loop3A_182[0] : f32 from vector<1xf32>
        %parallel_loop3A_184 = vector.broadcast %parallel_loop3A_183 : f32 to vector<16xf32>
        %parallel_loop3A_185 = arith.index_cast %parallel_loop3A_144 : i32 to index
        %parallel_loop3A_186 = arith.constant 32 : index
        %parallel_loop3A_187 = tpu.vector_load %arg17[%parallel_loop3A_185, %parallel_loop3A_186] {strides = array<i32>} : memref<80x128xf32, #tpu.memory_space<vmem>>, vector<16xf32>,
        %parallel_loop3A_188 = arith.mulf %parallel_loop3A_187, %parallel_loop3A_181 : vector<16xf32>
        %parallel_loop3A_189 = arith.index_cast %parallel_loop3A_144 : i32 to index
        %parallel_loop3A_190 = arith.constant 48 : index
        %parallel_loop3A_191 = tpu.vector_load %arg17[%parallel_loop3A_189, %parallel_loop3A_190] {strides = array<i32>} : memref<80x128xf32, #tpu.memory_space<vmem>>, vector<16xf32>,
        %parallel_loop3A_192 = arith.mulf %parallel_loop3A_191, %parallel_loop3A_184 : vector<16xf32>
        %parallel_loop3A_193 = tpu.pack_subelements %parallel_loop3A_188, %parallel_loop3A_192 {pack_format = #tpu.pack_format<interleaved>, positions = array<i32: 0, 1>} : vector<16xf32>, vector<16xf32> -> vector<32xbf16>
        %parallel_loop3A_194 = arith.index_cast %parallel_loop3A_144 : i32 to index
        %parallel_loop3A_195 = arith.constant 32 : index
        %parallel_loop3A_196 = tpu.vector_load %arg18[%parallel_loop3A_194, %parallel_loop3A_195] {strides = array<i32>} : memref<80x160xbf16, #tpu.memory_space<vmem>>, vector<32xbf16>,
        tpu.vector_store %arg18[%parallel_loop3A_194, %parallel_loop3A_195], %parallel_loop3A_193 {strides = array<i32>} : memref<80x160xbf16, #tpu.memory_space<vmem>>, vector<32xbf16>,
        %parallel_loop3A_197 = vector.extract_strided_slice %parallel_loop3A_156 {offsets = [4], sizes = [1], strides = [1]} : vector<16xf32> to vector<1xf32>
        %parallel_loop3A_198 = vector.extract %parallel_loop3A_197[0] : f32 from vector<1xf32>
        %parallel_loop3A_199 = vector.broadcast %parallel_loop3A_198 : f32 to vector<16xf32>
        %parallel_loop3A_200 = vector.extract_strided_slice %parallel_loop3A_156 {offsets = [5], sizes = [1], strides = [1]} : vector<16xf32> to vector<1xf32>
        %parallel_loop3A_201 = vector.extract %parallel_loop3A_200[0] : f32 from vector<1xf32>
        %parallel_loop3A_202 = vector.broadcast %parallel_loop3A_201 : f32 to vector<16xf32>
        %parallel_loop3A_203 = arith.index_cast %parallel_loop3A_144 : i32 to index
        %parallel_loop3A_204 = arith.constant 64 : index
        %parallel_loop3A_205 = tpu.vector_load %arg17[%parallel_loop3A_203, %parallel_loop3A_204] {strides = array<i32>} : memref<80x128xf32, #tpu.memory_space<vmem>>, vector<16xf32>,
        %parallel_loop3A_206 = arith.mulf %parallel_loop3A_205, %parallel_loop3A_199 : vector<16xf32>
        %parallel_loop3A_207 = arith.index_cast %parallel_loop3A_144 : i32 to index
        %parallel_loop3A_208 = arith.constant 80 : index
        %parallel_loop3A_209 = tpu.vector_load %arg17[%parallel_loop3A_207, %parallel_loop3A_208] {strides = array<i32>} : memref<80x128xf32, #tpu.memory_space<vmem>>, vector<16xf32>,
        %parallel_loop3A_210 = arith.mulf %parallel_loop3A_209, %parallel_loop3A_202 : vector<16xf32>
        %parallel_loop3A_211 = tpu.pack_subelements %parallel_loop3A_206, %parallel_loop3A_210 {pack_format = #tpu.pack_format<interleaved>, positions = array<i32: 0, 1>} : vector<16xf32>, vector<16xf32> -> vector<32xbf16>
        %parallel_loop3A_212 = arith.index_cast %parallel_loop3A_144 : i32 to index
        %parallel_loop3A_213 = arith.constant 64 : index
        %parallel_loop3A_214 = tpu.vector_load %arg18[%parallel_loop3A_212, %parallel_loop3A_213] {strides = array<i32>} : memref<80x160xbf16, #tpu.memory_space<vmem>>, vector<32xbf16>,
        tpu.vector_store %arg18[%parallel_loop3A_212, %parallel_loop3A_213], %parallel_loop3A_211 {strides = array<i32>} : memref<80x160xbf16, #tpu.memory_space<vmem>>, vector<32xbf16>,
        %parallel_loop3A_215 = vector.extract_strided_slice %parallel_loop3A_156 {offsets = [6], sizes = [1], strides = [1]} : vector<16xf32> to vector<1xf32>
        %parallel_loop3A_216 = vector.extract %parallel_loop3A_215[0] : f32 from vector<1xf32>
        %parallel_loop3A_217 = vector.broadcast %parallel_loop3A_216 : f32 to vector<16xf32>
        %parallel_loop3A_218 = vector.extract_strided_slice %parallel_loop3A_156 {offsets = [7], sizes = [1], strides = [1]} : vector<16xf32> to vector<1xf32>
        %parallel_loop3A_219 = vector.extract %parallel_loop3A_218[0] : f32 from vector<1xf32>
        %parallel_loop3A_220 = vector.broadcast %parallel_loop3A_219 : f32 to vector<16xf32>
        %parallel_loop3A_221 = arith.index_cast %parallel_loop3A_144 : i32 to index
        %parallel_loop3A_222 = arith.constant 96 : index
        %parallel_loop3A_223 = tpu.vector_load %arg17[%parallel_loop3A_221, %parallel_loop3A_222] {strides = array<i32>} : memref<80x128xf32, #tpu.memory_space<vmem>>, vector<16xf32>,
        %parallel_loop3A_224 = arith.mulf %parallel_loop3A_223, %parallel_loop3A_217 : vector<16xf32>
        %parallel_loop3A_225 = arith.index_cast %parallel_loop3A_144 : i32 to index
        %parallel_loop3A_226 = arith.constant 112 : index
        %parallel_loop3A_227 = tpu.vector_load %arg17[%parallel_loop3A_225, %parallel_loop3A_226] {strides = array<i32>} : memref<80x128xf32, #tpu.memory_space<vmem>>, vector<16xf32>,
        %parallel_loop3A_228 = arith.mulf %parallel_loop3A_227, %parallel_loop3A_220 : vector<16xf32>
        %parallel_loop3A_229 = tpu.pack_subelements %parallel_loop3A_224, %parallel_loop3A_228 {pack_format = #tpu.pack_format<interleaved>, positions = array<i32: 0, 1>} : vector<16xf32>, vector<16xf32> -> vector<32xbf16>
        %parallel_loop3A_230 = arith.index_cast %parallel_loop3A_144 : i32 to index
        %parallel_loop3A_231 = arith.constant 96 : index
        %parallel_loop3A_232 = tpu.vector_load %arg18[%parallel_loop3A_230, %parallel_loop3A_231] {strides = array<i32>} : memref<80x160xbf16, #tpu.memory_space<vmem>>, vector<32xbf16>,
        tpu.vector_store %arg18[%parallel_loop3A_230, %parallel_loop3A_231], %parallel_loop3A_229 {strides = array<i32>} : memref<80x160xbf16, #tpu.memory_space<vmem>>, vector<32xbf16>,
      } {sc.loop_unroll_factor = 8 : i64, sc.parallel_access}
      "tpu.region"() ({
        %run_scoped3A_144 = tpu.sem_alloc : memref<!tpu.dma_semaphore, #tpu.memory_space<semaphore_mem>>
        %dma_start3A_145 = arith.constant 0 : i32
        %dma_start3A_146 = tpu.memref_slice %arg11[%add3A_121, %dma_start3A_145] : memref<125x80xi32, #tpu.memory_space<vmem>> -> memref<1x80xi32, #tpu.memory_space<vmem>>
        %dma_start3A_147 = tpu.memref_squeeze %dma_start3A_146 : memref<1x80xi32, #tpu.memory_space<vmem>> -> memref<80xi32, #tpu.memory_space<vmem>>
        %dma_start3A_148 = arith.constant 0 : i32
        %dma_start3A_149 = arith.constant 0 : i32
        %dma_start3A_150 = tpu.memref_slice %arg9[%dma_start3A_148, %dma_start3A_149] : memref<10240x160xbf16, #tpu.memory_space<vmem_shared>> -> memref<10240x160xbf16, #tpu.memory_space<vmem_shared>>
        tpu.enqueue_indirect_dma source(%arg18 : memref<80x160xbf16, #tpu.memory_space<vmem>>) target(%dma_start3A_150 : memref<10240x160xbf16, #tpu.memory_space<vmem_shared>>) offsets(%dma_start3A_147 : memref<80xi32, #tpu.memory_space<vmem>>) semaphore(%run_scoped3A_144 : memref<!tpu.dma_semaphore, #tpu.memory_space<semaphore_mem>>) {add = true}
        %dma_wait3A_151 = arith.constant 0 : i32
        %dma_wait3A_152 = tpu.memref_slice %arg11[%add3A_121, %dma_wait3A_151] : memref<125x80xi32, #tpu.memory_space<vmem>> -> memref<1x80xi32, #tpu.memory_space<vmem>>
        %dma_wait3A_153 = tpu.memref_squeeze %dma_wait3A_152 : memref<1x80xi32, #tpu.memory_space<vmem>> -> memref<80xi32, #tpu.memory_space<vmem>>
        %dma_wait3A_154 = arith.constant 0 : i32
        %dma_wait3A_155 = arith.constant 0 : i32
        %dma_wait3A_156 = tpu.memref_slice %arg9[%dma_wait3A_154, %dma_wait3A_155] : memref<10240x160xbf16, #tpu.memory_space<vmem_shared>> -> memref<10240x160xbf16, #tpu.memory_space<vmem_shared>>
        tpu.wait_indirect_dma semaphore(%run_scoped3A_144 : memref<!tpu.dma_semaphore, #tpu.memory_space<semaphore_mem>>) src(%arg18 : memref<80x160xbf16, #tpu.memory_space<vmem>>) dst(%dma_wait3A_156 : memref<10240x160xbf16, #tpu.memory_space<vmem_shared>>)
        tpu.yield
      }) : () -> ()
      %scan3A_143 = arith.constant 0 : i32
      scf.yield %scan3A_143 : i32
    }
    %scan3A_28 = arith.constant 62 : i32
    %dma_wait3A = arith.constant 124 : i32
    %dma_wait3A_29 = arith.constant 0 : i32
    %dma_wait3A_30 = tpu.memref_slice %arg10[%dma_wait3A, %dma_wait3A_29] : memref<125x80xi32, #tpu.memory_space<vmem>> -> memref<1x80xi32, #tpu.memory_space<vmem>>
    %dma_wait3A_31 = tpu.memref_squeeze %dma_wait3A_30 : memref<1x80xi32, #tpu.memory_space<vmem>> -> memref<80xi32, #tpu.memory_space<vmem>>
    %dma_wait3A_32 = arith.constant 0 : i32
    %dma_wait3A_33 = arith.constant 0 : i32
    %dma_wait3A_34 = tpu.memref_slice %arg5[%dma_wait3A_32, %dma_wait3A_33] : memref<10000x16xf32, #tpu.memory_space<hbm>> -> memref<10000x16xf32, #tpu.memory_space<hbm>>
    tpu.wait_indirect_dma semaphore(%arg19 : memref<!tpu.dma_semaphore, #tpu.memory_space<semaphore_mem>>) src(%dma_wait3A_34 : memref<10000x16xf32, #tpu.memory_space<hbm>>) dst(%arg12 : memref<80x16xf32, #tpu.memory_space<vmem>>)
    %dma_wait3A_35 = arith.constant 124 : i32
    %dma_wait3A_36 = arith.constant 0 : i32
    %dma_wait3A_37 = tpu.memref_slice %arg11[%dma_wait3A_35, %dma_wait3A_36] : memref<125x80xi32, #tpu.memory_space<vmem>> -> memref<1x80xi32, #tpu.memory_space<vmem>>
    %dma_wait3A_38 = tpu.memref_squeeze %dma_wait3A_37 : memref<1x80xi32, #tpu.memory_space<vmem>> -> memref<80xi32, #tpu.memory_space<vmem>>
    %dma_wait3A_39 = arith.constant 0 : i32
    %dma_wait3A_40 = arith.constant 0 : i32
    %dma_wait3A_41 = tpu.memref_slice %arg6[%dma_wait3A_39, %dma_wait3A_40] : memref<10000x16xf32, #tpu.memory_space<hbm>> -> memref<10000x16xf32, #tpu.memory_space<hbm>>
    tpu.wait_indirect_dma semaphore(%arg19 : memref<!tpu.dma_semaphore, #tpu.memory_space<semaphore_mem>>) src(%dma_wait3A_41 : memref<10000x16xf32, #tpu.memory_space<hbm>>) dst(%arg13 : memref<80x16xf32, #tpu.memory_space<vmem>>)
    %dma_wait3A_42 = arith.constant 124 : i32
    %dma_wait3A_43 = arith.constant 0 : i32
    %dma_wait3A_44 = tpu.memref_slice %arg10[%dma_wait3A_42, %dma_wait3A_43] : memref<125x80xi32, #tpu.memory_space<vmem>> -> memref<1x80xi32, #tpu.memory_space<vmem>>
    %dma_wait3A_45 = tpu.memref_squeeze %dma_wait3A_44 : memref<1x80xi32, #tpu.memory_space<vmem>> -> memref<80xi32, #tpu.memory_space<vmem>>
    %dma_wait3A_46 = arith.constant 0 : i32
    %dma_wait3A_47 = arith.constant 0 : i32
    %dma_wait3A_48 = tpu.memref_slice %arg7[%dma_wait3A_46, %dma_wait3A_47] : memref<10000x128xf32, #tpu.memory_space<hbm>> -> memref<10000x128xf32, #tpu.memory_space<hbm>>
    tpu.wait_indirect_dma semaphore(%arg19 : memref<!tpu.dma_semaphore, #tpu.memory_space<semaphore_mem>>) src(%dma_wait3A_48 : memref<10000x128xf32, #tpu.memory_space<hbm>>) dst(%arg14 : memref<80x128xf32, #tpu.memory_space<vmem>>)
    %parallel_loop3A = arith.constant 0 : i32
    %parallel_loop3A_49 = arith.constant 80 : i32
    %parallel_loop3A_50 = arith.constant 1 : i32
    scf.for %parallel_loop3A_55 = %parallel_loop3A to %parallel_loop3A_49 step %parallel_loop3A_50  : i32 {
      %parallel_loop3A_56 = arith.index_cast %parallel_loop3A_55 : i32 to index
      %parallel_loop3A_57 = arith.constant 0 : index
      %parallel_loop3A_58 = tpu.vector_load %arg12[%parallel_loop3A_56, %parallel_loop3A_57] {strides = array<i32>} : memref<80x16xf32, #tpu.memory_space<vmem>>, vector<16xf32>,
      %parallel_loop3A_59 = arith.index_cast %parallel_loop3A_55 : i32 to index
      %parallel_loop3A_60 = arith.constant 0 : index
      %parallel_loop3A_61 = tpu.vector_load %arg13[%parallel_loop3A_59, %parallel_loop3A_60] {strides = array<i32>} : memref<80x16xf32, #tpu.memory_space<vmem>>, vector<16xf32>,
      %parallel_loop3A_62 = arith.addf %parallel_loop3A_58, %parallel_loop3A_61 : vector<16xf32>
      %parallel_loop3A_63 = arith.constant 2.000000e-01 : f32
      %parallel_loop3A_64 = vector.broadcast %parallel_loop3A_63 : f32 to vector<16xf32>
      %parallel_loop3A_65 = arith.mulf %parallel_loop3A_64, %parallel_loop3A_62 : vector<16xf32>
      %parallel_loop3A_66 = arith.maximumf %parallel_loop3A_62, %parallel_loop3A_65 : vector<16xf32>
      %parallel_loop3A_67 = math.exp %parallel_loop3A_66 : vector<16xf32>
      %parallel_loop3A_68 = tpu.pack_subelements %parallel_loop3A_67, %parallel_loop3A_67 {pack_format = #tpu.pack_format<interleaved>, positions = array<i32: 0, 1>} : vector<16xf32>, vector<16xf32> -> vector<32xbf16>
      %parallel_loop3A_69 = arith.index_cast %parallel_loop3A_55 : i32 to index
      %parallel_loop3A_70 = arith.constant 128 : index
      %parallel_loop3A_71 = tpu.vector_load %arg18[%parallel_loop3A_69, %parallel_loop3A_70] {strides = array<i32>} : memref<80x160xbf16, #tpu.memory_space<vmem>>, vector<32xbf16>,
      tpu.vector_store %arg18[%parallel_loop3A_69, %parallel_loop3A_70], %parallel_loop3A_68 {strides = array<i32>} : memref<80x160xbf16, #tpu.memory_space<vmem>>, vector<32xbf16>,
      %parallel_loop3A_72 = vector.extract_strided_slice %parallel_loop3A_67 {offsets = [0], sizes = [1], strides = [1]} : vector<16xf32> to vector<1xf32>
      %parallel_loop3A_73 = vector.extract %parallel_loop3A_72[0] : f32 from vector<1xf32>
      %parallel_loop3A_74 = vector.broadcast %parallel_loop3A_73 : f32 to vector<16xf32>
      %parallel_loop3A_75 = vector.extract_strided_slice %parallel_loop3A_67 {offsets = [1], sizes = [1], strides = [1]} : vector<16xf32> to vector<1xf32>
      %parallel_loop3A_76 = vector.extract %parallel_loop3A_75[0] : f32 from vector<1xf32>
      %parallel_loop3A_77 = vector.broadcast %parallel_loop3A_76 : f32 to vector<16xf32>
      %parallel_loop3A_78 = arith.index_cast %parallel_loop3A_55 : i32 to index
      %parallel_loop3A_79 = arith.constant 0 : index
      %parallel_loop3A_80 = tpu.vector_load %arg14[%parallel_loop3A_78, %parallel_loop3A_79] {strides = array<i32>} : memref<80x128xf32, #tpu.memory_space<vmem>>, vector<16xf32>,
      %parallel_loop3A_81 = arith.mulf %parallel_loop3A_80, %parallel_loop3A_74 : vector<16xf32>
      %parallel_loop3A_82 = arith.index_cast %parallel_loop3A_55 : i32 to index
      %parallel_loop3A_83 = arith.constant 16 : index
      %parallel_loop3A_84 = tpu.vector_load %arg14[%parallel_loop3A_82, %parallel_loop3A_83] {strides = array<i32>} : memref<80x128xf32, #tpu.memory_space<vmem>>, vector<16xf32>,
      %parallel_loop3A_85 = arith.mulf %parallel_loop3A_84, %parallel_loop3A_77 : vector<16xf32>
      %parallel_loop3A_86 = tpu.pack_subelements %parallel_loop3A_81, %parallel_loop3A_85 {pack_format = #tpu.pack_format<interleaved>, positions = array<i32: 0, 1>} : vector<16xf32>, vector<16xf32> -> vector<32xbf16>
      %parallel_loop3A_87 = arith.index_cast %parallel_loop3A_55 : i32 to index
      %parallel_loop3A_88 = arith.constant 0 : index
      %parallel_loop3A_89 = tpu.vector_load %arg18[%parallel_loop3A_87, %parallel_loop3A_88] {strides = array<i32>} : memref<80x160xbf16, #tpu.memory_space<vmem>>, vector<32xbf16>,
      tpu.vector_store %arg18[%parallel_loop3A_87, %parallel_loop3A_88], %parallel_loop3A_86 {strides = array<i32>} : memref<80x160xbf16, #tpu.memory_space<vmem>>, vector<32xbf16>,
      %parallel_loop3A_90 = vector.extract_strided_slice %parallel_loop3A_67 {offsets = [2], sizes = [1], strides = [1]} : vector<16xf32> to vector<1xf32>
      %parallel_loop3A_91 = vector.extract %parallel_loop3A_90[0] : f32 from vector<1xf32>
      %parallel_loop3A_92 = vector.broadcast %parallel_loop3A_91 : f32 to vector<16xf32>
      %parallel_loop3A_93 = vector.extract_strided_slice %parallel_loop3A_67 {offsets = [3], sizes = [1], strides = [1]} : vector<16xf32> to vector<1xf32>
      %parallel_loop3A_94 = vector.extract %parallel_loop3A_93[0] : f32 from vector<1xf32>
      %parallel_loop3A_95 = vector.broadcast %parallel_loop3A_94 : f32 to vector<16xf32>
      %parallel_loop3A_96 = arith.index_cast %parallel_loop3A_55 : i32 to index
      %parallel_loop3A_97 = arith.constant 32 : index
      %parallel_loop3A_98 = tpu.vector_load %arg14[%parallel_loop3A_96, %parallel_loop3A_97] {strides = array<i32>} : memref<80x128xf32, #tpu.memory_space<vmem>>, vector<16xf32>,
      %parallel_loop3A_99 = arith.mulf %parallel_loop3A_98, %parallel_loop3A_92 : vector<16xf32>
      %parallel_loop3A_100 = arith.index_cast %parallel_loop3A_55 : i32 to index
      %parallel_loop3A_101 = arith.constant 48 : index
      %parallel_loop3A_102 = tpu.vector_load %arg14[%parallel_loop3A_100, %parallel_loop3A_101] {strides = array<i32>} : memref<80x128xf32, #tpu.memory_space<vmem>>, vector<16xf32>,
      %parallel_loop3A_103 = arith.mulf %parallel_loop3A_102, %parallel_loop3A_95 : vector<16xf32>
      %parallel_loop3A_104 = tpu.pack_subelements %parallel_loop3A_99, %parallel_loop3A_103 {pack_format = #tpu.pack_format<interleaved>, positions = array<i32: 0, 1>} : vector<16xf32>, vector<16xf32> -> vector<32xbf16>
      %parallel_loop3A_105 = arith.index_cast %parallel_loop3A_55 : i32 to index
      %parallel_loop3A_106 = arith.constant 32 : index
      %parallel_loop3A_107 = tpu.vector_load %arg18[%parallel_loop3A_105, %parallel_loop3A_106] {strides = array<i32>} : memref<80x160xbf16, #tpu.memory_space<vmem>>, vector<32xbf16>,
      tpu.vector_store %arg18[%parallel_loop3A_105, %parallel_loop3A_106], %parallel_loop3A_104 {strides = array<i32>} : memref<80x160xbf16, #tpu.memory_space<vmem>>, vector<32xbf16>,
      %parallel_loop3A_108 = vector.extract_strided_slice %parallel_loop3A_67 {offsets = [4], sizes = [1], strides = [1]} : vector<16xf32> to vector<1xf32>
      %parallel_loop3A_109 = vector.extract %parallel_loop3A_108[0] : f32 from vector<1xf32>
      %parallel_loop3A_110 = vector.broadcast %parallel_loop3A_109 : f32 to vector<16xf32>
      %parallel_loop3A_111 = vector.extract_strided_slice %parallel_loop3A_67 {offsets = [5], sizes = [1], strides = [1]} : vector<16xf32> to vector<1xf32>
      %parallel_loop3A_112 = vector.extract %parallel_loop3A_111[0] : f32 from vector<1xf32>
      %parallel_loop3A_113 = vector.broadcast %parallel_loop3A_112 : f32 to vector<16xf32>
      %parallel_loop3A_114 = arith.index_cast %parallel_loop3A_55 : i32 to index
      %parallel_loop3A_115 = arith.constant 64 : index
      %parallel_loop3A_116 = tpu.vector_load %arg14[%parallel_loop3A_114, %parallel_loop3A_115] {strides = array<i32>} : memref<80x128xf32, #tpu.memory_space<vmem>>, vector<16xf32>,
      %parallel_loop3A_117 = arith.mulf %parallel_loop3A_116, %parallel_loop3A_110 : vector<16xf32>
      %parallel_loop3A_118 = arith.index_cast %parallel_loop3A_55 : i32 to index
      %parallel_loop3A_119 = arith.constant 80 : index
      %parallel_loop3A_120 = tpu.vector_load %arg14[%parallel_loop3A_118, %parallel_loop3A_119] {strides = array<i32>} : memref<80x128xf32, #tpu.memory_space<vmem>>, vector<16xf32>,
      %parallel_loop3A_121 = arith.mulf %parallel_loop3A_120, %parallel_loop3A_113 : vector<16xf32>
      %parallel_loop3A_122 = tpu.pack_subelements %parallel_loop3A_117, %parallel_loop3A_121 {pack_format = #tpu.pack_format<interleaved>, positions = array<i32: 0, 1>} : vector<16xf32>, vector<16xf32> -> vector<32xbf16>
      %parallel_loop3A_123 = arith.index_cast %parallel_loop3A_55 : i32 to index
      %parallel_loop3A_124 = arith.constant 64 : index
      %parallel_loop3A_125 = tpu.vector_load %arg18[%parallel_loop3A_123, %parallel_loop3A_124] {strides = array<i32>} : memref<80x160xbf16, #tpu.memory_space<vmem>>, vector<32xbf16>,
      tpu.vector_store %arg18[%parallel_loop3A_123, %parallel_loop3A_124], %parallel_loop3A_122 {strides = array<i32>} : memref<80x160xbf16, #tpu.memory_space<vmem>>, vector<32xbf16>,
      %parallel_loop3A_126 = vector.extract_strided_slice %parallel_loop3A_67 {offsets = [6], sizes = [1], strides = [1]} : vector<16xf32> to vector<1xf32>
      %parallel_loop3A_127 = vector.extract %parallel_loop3A_126[0] : f32 from vector<1xf32>
      %parallel_loop3A_128 = vector.broadcast %parallel_loop3A_127 : f32 to vector<16xf32>
      %parallel_loop3A_129 = vector.extract_strided_slice %parallel_loop3A_67 {offsets = [7], sizes = [1], strides = [1]} : vector<16xf32> to vector<1xf32>
      %parallel_loop3A_130 = vector.extract %parallel_loop3A_129[0] : f32 from vector<1xf32>
      %parallel_loop3A_131 = vector.broadcast %parallel_loop3A_130 : f32 to vector<16xf32>
      %parallel_loop3A_132 = arith.index_cast %parallel_loop3A_55 : i32 to index
      %parallel_loop3A_133 = arith.constant 96 : index
      %parallel_loop3A_134 = tpu.vector_load %arg14[%parallel_loop3A_132, %parallel_loop3A_133] {strides = array<i32>} : memref<80x128xf32, #tpu.memory_space<vmem>>, vector<16xf32>,
      %parallel_loop3A_135 = arith.mulf %parallel_loop3A_134, %parallel_loop3A_128 : vector<16xf32>
      %parallel_loop3A_136 = arith.index_cast %parallel_loop3A_55 : i32 to index
      %parallel_loop3A_137 = arith.constant 112 : index
      %parallel_loop3A_138 = tpu.vector_load %arg14[%parallel_loop3A_136, %parallel_loop3A_137] {strides = array<i32>} : memref<80x128xf32, #tpu.memory_space<vmem>>, vector<16xf32>,
      %parallel_loop3A_139 = arith.mulf %parallel_loop3A_138, %parallel_loop3A_131 : vector<16xf32>
      %parallel_loop3A_140 = tpu.pack_subelements %parallel_loop3A_135, %parallel_loop3A_139 {pack_format = #tpu.pack_format<interleaved>, positions = array<i32: 0, 1>} : vector<16xf32>, vector<16xf32> -> vector<32xbf16>
      %parallel_loop3A_141 = arith.index_cast %parallel_loop3A_55 : i32 to index
      %parallel_loop3A_142 = arith.constant 96 : index
      %parallel_loop3A_143 = tpu.vector_load %arg18[%parallel_loop3A_141, %parallel_loop3A_142] {strides = array<i32>} : memref<80x160xbf16, #tpu.memory_space<vmem>>, vector<32xbf16>,
      tpu.vector_store %arg18[%parallel_loop3A_141, %parallel_loop3A_142], %parallel_loop3A_140 {strides = array<i32>} : memref<80x160xbf16, #tpu.memory_space<vmem>>, vector<32xbf16>,
    } {sc.loop_unroll_factor = 8 : i64, sc.parallel_access}
    %run_scoped3A = arith.constant 124 : i32
    "tpu.region"() ({
      %run_scoped3A_55 = tpu.sem_alloc : memref<!tpu.dma_semaphore, #tpu.memory_space<semaphore_mem>>
      %dma_start3A_56 = arith.constant 0 : i32
      %dma_start3A_57 = tpu.memref_slice %arg11[%run_scoped3A, %dma_start3A_56] : memref<125x80xi32, #tpu.memory_space<vmem>> -> memref<1x80xi32, #tpu.memory_space<vmem>>
      %dma_start3A_58 = tpu.memref_squeeze %dma_start3A_57 : memref<1x80xi32, #tpu.memory_space<vmem>> -> memref<80xi32, #tpu.memory_space<vmem>>
      %dma_start3A_59 = arith.constant 0 : i32
      %dma_start3A_60 = arith.constant 0 : i32
      %dma_start3A_61 = tpu.memref_slice %arg9[%dma_start3A_59, %dma_start3A_60] : memref<10240x160xbf16, #tpu.memory_space<vmem_shared>> -> memref<10240x160xbf16, #tpu.memory_space<vmem_shared>>
      tpu.enqueue_indirect_dma source(%arg18 : memref<80x160xbf16, #tpu.memory_space<vmem>>) target(%dma_start3A_61 : memref<10240x160xbf16, #tpu.memory_space<vmem_shared>>) offsets(%dma_start3A_58 : memref<80xi32, #tpu.memory_space<vmem>>) semaphore(%run_scoped3A_55 : memref<!tpu.dma_semaphore, #tpu.memory_space<semaphore_mem>>) {add = true}
      %dma_wait3A_62 = arith.constant 0 : i32
      %dma_wait3A_63 = tpu.memref_slice %arg11[%run_scoped3A, %dma_wait3A_62] : memref<125x80xi32, #tpu.memory_space<vmem>> -> memref<1x80xi32, #tpu.memory_space<vmem>>
      %dma_wait3A_64 = tpu.memref_squeeze %dma_wait3A_63 : memref<1x80xi32, #tpu.memory_space<vmem>> -> memref<80xi32, #tpu.memory_space<vmem>>
      %dma_wait3A_65 = arith.constant 0 : i32
      %dma_wait3A_66 = arith.constant 0 : i32
      %dma_wait3A_67 = tpu.memref_slice %arg9[%dma_wait3A_65, %dma_wait3A_66] : memref<10240x160xbf16, #tpu.memory_space<vmem_shared>> -> memref<10240x160xbf16, #tpu.memory_space<vmem_shared>>
      tpu.wait_indirect_dma semaphore(%run_scoped3A_55 : memref<!tpu.dma_semaphore, #tpu.memory_space<semaphore_mem>>) src(%arg18 : memref<80x160xbf16, #tpu.memory_space<vmem>>) dst(%dma_wait3A_67 : memref<10240x160xbf16, #tpu.memory_space<vmem_shared>>)
      tpu.yield
    }) : () -> ()
    %barrier3A_51 = arith.constant 0 : index
    tpu.barrier barrier_id(%barrier3A_51)
    %mul3A_52 = arith.constant 10240 : i32
    %mul3A_53 = arith.muli %arg0, %mul3A_52 : i32
    %add3A_54 = arith.addi %mul3A_53, %mul3A_0 : i32
    "tpu.region"() ({
      %run_scoped3A_55 = tpu.sem_alloc : memref<!tpu.dma_semaphore, #tpu.memory_space<semaphore_mem>>
      %dma_start3A_56 = arith.constant 0 : i32
      %dma_start3A_57 = tpu.memref_slice %arg8[%add3A_54, %dma_start3A_56] : memref<20480x160xbf16, #tpu.memory_space<hbm>> -> memref<640x160xbf16, #tpu.memory_space<hbm>>
      %dma_start3A_58 = arith.constant 0 : i32
      %dma_start3A_59 = tpu.memref_slice %arg9[%mul3A_0, %dma_start3A_58] : memref<10240x160xbf16, #tpu.memory_space<vmem_shared>> -> memref<640x160xbf16, #tpu.memory_space<vmem_shared>>
      tpu.enqueue_dma source(%dma_start3A_59 : memref<640x160xbf16, #tpu.memory_space<vmem_shared>>) target(%dma_start3A_57 : memref<640x160xbf16, #tpu.memory_space<hbm>>) target_semaphore(%run_scoped3A_55 : memref<!tpu.dma_semaphore, #tpu.memory_space<semaphore_mem>>)
      %dma_wait3A_60 = arith.constant 0 : i32
      %dma_wait3A_61 = tpu.memref_slice %arg8[%add3A_54, %dma_wait3A_60] : memref<20480x160xbf16, #tpu.memory_space<hbm>> -> memref<640x160xbf16, #tpu.memory_space<hbm>>
      %dma_wait3A_62 = arith.constant 0 : i32
      %dma_wait3A_63 = tpu.memref_slice %arg9[%mul3A_0, %dma_wait3A_62] : memref<10240x160xbf16, #tpu.memory_space<vmem_shared>> -> memref<640x160xbf16, #tpu.memory_space<vmem_shared>>
      tpu.wait_dma2 semaphore(%run_scoped3A_55 : memref<!tpu.dma_semaphore, #tpu.memory_space<semaphore_mem>>) src(%dma_wait3A_63 : memref<640x160xbf16, #tpu.memory_space<vmem_shared>>) dst(%dma_wait3A_61 : memref<640x160xbf16, #tpu.memory_space<hbm>>)
      tpu.yield
    }) : () -> ()
    return
  }
}

module attributes {stable_mosaic.version = 14 : i64} {
  func.func @_prep_body(%arg0: i32, %arg1: memref<1000x128xf32, #tpu.memory_space<vmem>>, %arg2: memref<128x128xf32, #tpu.memory_space<vmem>>, %arg3: memref<1x128xf32, #tpu.memory_space<vmem>>, %arg4: memref<1x128xf32, #tpu.memory_space<vmem>>, %arg5: memref<1000x128xf32, #tpu.memory_space<vmem>>, %arg6: memref<1000x16xf32, #tpu.memory_space<vmem>>, %arg7: memref<1000x16xf32, #tpu.memory_space<vmem>>, %arg8: memref<1000x136xf32, #tpu.memory_space<vmem>>) attributes {dimension_semantics = [#tpu.dimension_semantics<arbitrary>], iteration_bounds = array<i64: 10>, scalar_prefetch = 0 : i64, scratch_operands = 0 : i64, tpu.core_type = #tpu.core_type<tc>, window_params = [{transform_indices = @transform_0, window_bounds = array<i64: 1000, 128>}, {pipeline_mode = #tpu.pipeline_mode<synchronous>, transform_indices = @transform_1, window_bounds = array<i64: 128, 128>}, {pipeline_mode = #tpu.pipeline_mode<synchronous>, transform_indices = @transform_2, window_bounds = array<i64: 1, 128>}, {pipeline_mode = #tpu.pipeline_mode<synchronous>, transform_indices = @transform_3, window_bounds = array<i64: 1, 128>}, {transform_indices = @transform_4, window_bounds = array<i64: 1000, 128>}, {transform_indices = @transform_5, window_bounds = array<i64: 1000, 16>}, {transform_indices = @transform_6, window_bounds = array<i64: 1000, 16>}, {transform_indices = @transform_7, window_bounds = array<i64: 1000, 136>}]} {
    %get3A = arith.constant 0 : index
    %get3A_0 = arith.constant 0 : index
    %get3A_1 = vector.load %arg1[%get3A, %get3A_0] : memref<1000x128xf32, #tpu.memory_space<vmem>>, vector<1000x128xf32>
    %get3A_2 = arith.constant 0 : index
    %get3A_3 = arith.constant 0 : index
    %get3A_4 = vector.load %arg2[%get3A_2, %get3A_3] : memref<128x128xf32, #tpu.memory_space<vmem>>, vector<128x128xf32>
    %dot_general3A = arith.constant dense<0.000000e+00> : vector<1000x128xf32>
    %dot_general3A_5 = tpu.matmul %get3A_1, %get3A_4, %dot_general3A {dimension_numbers = #tpu.dot_dimension_numbers<[1], [0], [0], [1], [0, 0, 1, 1], [], []>, transpose_lhs_hint = false} : vector<1000x128xf32>, vector<128x128xf32>, vector<1000x128xf32> -> vector<1000x128xf32>
    %swap3A = arith.constant 0 : index
    %swap3A_6 = arith.constant 0 : index
    %swap3A_7 = vector.load %arg5[%swap3A, %swap3A_6] : memref<1000x128xf32, #tpu.memory_space<vmem>>, vector<1000x128xf32>
    tpu.vector_store %arg5[%swap3A, %swap3A_6], %dot_general3A_5 {strides = array<i32>} : memref<1000x128xf32, #tpu.memory_space<vmem>>, vector<1000x128xf32>,
    %get3A_8 = arith.constant 0 : index
    %get3A_9 = arith.constant 0 : index
    %get3A_10 = vector.load %arg3[%get3A_8, %get3A_9] : memref<1x128xf32, #tpu.memory_space<vmem>>, vector<1x128xf32>
    %mul3A = vector.broadcast %get3A_10 : vector<1x128xf32> to vector<1000x128xf32>
    %mul3A_11 = arith.mulf %dot_general3A_5, %mul3A : vector<1000x128xf32>
    %reshape3A = vector.shape_cast %mul3A_11 : vector<1000x128xf32> to vector<1000x8x16xf32>
    %reduce_sum3A = arith.constant dense<0.000000e+00> : vector<1000x8xf32>
    %reduce_sum3A_12 = vector.multi_reduction <add>, %reshape3A, %reduce_sum3A [2] : vector<1000x8x16xf32> to vector<1000x8xf32>
    %get3A_13 = arith.constant 0 : index
    %get3A_14 = arith.constant 0 : index
    %get3A_15 = vector.load %arg4[%get3A_13, %get3A_14] : memref<1x128xf32, #tpu.memory_space<vmem>>, vector<1x128xf32>
    %mul3A_16 = vector.broadcast %get3A_15 : vector<1x128xf32> to vector<1000x128xf32>
    %mul3A_17 = arith.mulf %dot_general3A_5, %mul3A_16 : vector<1000x128xf32>
    %reshape3A_18 = vector.shape_cast %mul3A_17 : vector<1000x128xf32> to vector<1000x8x16xf32>
    %reduce_sum3A_19 = arith.constant dense<0.000000e+00> : vector<1000x8xf32>
    %reduce_sum3A_20 = vector.multi_reduction <add>, %reshape3A_18, %reduce_sum3A_19 [2] : vector<1000x8x16xf32> to vector<1000x8xf32>
    %concatenate3A = tpu.concatenate %reduce_sum3A_12, %reduce_sum3A_12 in 1 : vector<1000x8xf32>, vector<1000x8xf32> -> vector<1000x16xf32>
    %swap3A_21 = arith.constant 0 : index
    %swap3A_22 = arith.constant 0 : index
    %swap3A_23 = vector.load %arg6[%swap3A_21, %swap3A_22] : memref<1000x16xf32, #tpu.memory_space<vmem>>, vector<1000x16xf32>
    tpu.vector_store %arg6[%swap3A_21, %swap3A_22], %concatenate3A {strides = array<i32>} : memref<1000x16xf32, #tpu.memory_space<vmem>>, vector<1000x16xf32>,
    %concatenate3A_24 = tpu.concatenate %reduce_sum3A_20, %reduce_sum3A_20 in 1 : vector<1000x8xf32>, vector<1000x8xf32> -> vector<1000x16xf32>
    %swap3A_25 = arith.constant 0 : index
    %swap3A_26 = arith.constant 0 : index
    %swap3A_27 = vector.load %arg7[%swap3A_25, %swap3A_26] : memref<1000x16xf32, #tpu.memory_space<vmem>>, vector<1000x16xf32>
    tpu.vector_store %arg7[%swap3A_25, %swap3A_26], %concatenate3A_24 {strides = array<i32>} : memref<1000x16xf32, #tpu.memory_space<vmem>>, vector<1000x16xf32>,
    %add3A = arith.addf %reduce_sum3A_12, %reduce_sum3A_20 : vector<1000x8xf32>
    %mul3A_28 = arith.constant 2.000000e-01 : f32
    %mul3A_29 = vector.broadcast %mul3A_28 : f32 to vector<1000x8xf32>
    %mul3A_30 = arith.mulf %mul3A_29, %add3A : vector<1000x8xf32>
    %max3A = arith.maximumf %add3A, %mul3A_30 : vector<1000x8xf32>
    %exp3A = math.exp %max3A : vector<1000x8xf32>
    %broadcast_in_dim3A = vector.shape_cast %exp3A : vector<1000x8xf32> to vector<1000x8x1xf32>
    %broadcast_in_dim3A_31 = vector.shape_cast %broadcast_in_dim3A : vector<1000x8x1xf32> to vector<1000x8x1xf32>
    %broadcast_in_dim3A_32 = vector.broadcast %broadcast_in_dim3A_31 : vector<1000x8x1xf32> to vector<1000x8x16xf32>
    %reshape3A_33 = vector.shape_cast %broadcast_in_dim3A_32 : vector<1000x8x16xf32> to vector<1000x128xf32>
    %mul3A_34 = arith.mulf %reshape3A_33, %dot_general3A_5 : vector<1000x128xf32>
    %concatenate3A_35 = tpu.concatenate %mul3A_34, %exp3A in 1 : vector<1000x128xf32>, vector<1000x8xf32> -> vector<1000x136xf32>
    %swap3A_36 = arith.constant 0 : index
    %swap3A_37 = arith.constant 0 : index
    %swap3A_38 = vector.load %arg8[%swap3A_36, %swap3A_37] : memref<1000x136xf32, #tpu.memory_space<vmem>>, vector<1000x136xf32>
    tpu.vector_store %arg8[%swap3A_36, %swap3A_37], %concatenate3A_35 {strides = array<i32>} : memref<1000x136xf32, #tpu.memory_space<vmem>>, vector<1000x136xf32>,
    return
  }
  func.func @transform_0(%arg0: i32) -> (i32, i32) {
    %c0_i32 = arith.constant 0 : i32
    %c0_i32_0 = arith.constant 0 : i32
    return %arg0, %c0_i32 : i32, i32
  }
  func.func @transform_1(%arg0: i32) -> (i32, i32) {
    %c0_i32 = arith.constant 0 : i32
    %c0_i32_0 = arith.constant 0 : i32
    %c0_i32_1 = arith.constant 0 : i32
    return %c0_i32, %c0_i32_0 : i32, i32
  }
  func.func @transform_2(%arg0: i32) -> (i32, i32) {
    %c0_i32 = arith.constant 0 : i32
    %c0_i32_0 = arith.constant 0 : i32
    %c0_i32_1 = arith.constant 0 : i32
    return %c0_i32, %c0_i32_0 : i32, i32
  }
  func.func @transform_3(%arg0: i32) -> (i32, i32) {
    %c0_i32 = arith.constant 0 : i32
    %c0_i32_0 = arith.constant 0 : i32
    %c0_i32_1 = arith.constant 0 : i32
    return %c0_i32, %c0_i32_0 : i32, i32
  }
  func.func @transform_4(%arg0: i32) -> (i32, i32) {
    %c0_i32 = arith.constant 0 : i32
    %c0_i32_0 = arith.constant 0 : i32
    return %arg0, %c0_i32 : i32, i32
  }
  func.func @transform_5(%arg0: i32) -> (i32, i32) {
    %c0_i32 = arith.constant 0 : i32
    %c0_i32_0 = arith.constant 0 : i32
    return %arg0, %c0_i32 : i32, i32
  }
  func.func @transform_6(%arg0: i32) -> (i32, i32) {
    %c0_i32 = arith.constant 0 : i32
    %c0_i32_0 = arith.constant 0 : i32
    return %arg0, %c0_i32 : i32, i32
  }
  func.func @transform_7(%arg0: i32) -> (i32, i32) {
    %c0_i32 = arith.constant 0 : i32
    %c0_i32_0 = arith.constant 0 : i32
    return %arg0, %c0_i32 : i32, i32
  }
}

module attributes {stable_mosaic.version = 14 : i64} {
  func.func @_final_body(%arg0: i32, %arg1: memref<1000x136xf32, #tpu.memory_space<vmem>>, %arg2: memref<1000x136xf32, #tpu.memory_space<vmem>>, %arg3: memref<1000x136xf32, #tpu.memory_space<vmem>>, %arg4: memref<1000x128xf32, #tpu.memory_space<vmem>>, %arg5: memref<1x128xf32, #tpu.memory_space<vmem>>, %arg6: memref<1x128xf32, #tpu.memory_space<vmem>>, %arg7: memref<1x128xf32, #tpu.memory_space<vmem>>, %arg8: memref<1000x128xf32, #tpu.memory_space<vmem>>) attributes {dimension_semantics = [#tpu.dimension_semantics<arbitrary>], iteration_bounds = array<i64: 10>, scalar_prefetch = 0 : i64, scratch_operands = 0 : i64, tpu.core_type = #tpu.core_type<tc>, window_params = [{transform_indices = @transform_0, window_bounds = array<i64: 1000, 136>}, {transform_indices = @transform_1, window_bounds = array<i64: 1000, 136>}, {transform_indices = @transform_2, window_bounds = array<i64: 1000, 136>}, {transform_indices = @transform_3, window_bounds = array<i64: 1000, 128>}, {pipeline_mode = #tpu.pipeline_mode<synchronous>, transform_indices = @transform_4, window_bounds = array<i64: 1, 128>}, {pipeline_mode = #tpu.pipeline_mode<synchronous>, transform_indices = @transform_5, window_bounds = array<i64: 1, 128>}, {pipeline_mode = #tpu.pipeline_mode<synchronous>, transform_indices = @transform_6, window_bounds = array<i64: 1, 128>}, {transform_indices = @transform_7, window_bounds = array<i64: 1000, 128>}]} {
    %get3A = arith.constant 0 : index
    %get3A_0 = arith.constant 0 : index
    %get3A_1 = vector.load %arg1[%get3A, %get3A_0] : memref<1000x136xf32, #tpu.memory_space<vmem>>, vector<1000x136xf32>
    %get3A_2 = arith.constant 0 : index
    %get3A_3 = arith.constant 0 : index
    %get3A_4 = vector.load %arg2[%get3A_2, %get3A_3] : memref<1000x136xf32, #tpu.memory_space<vmem>>, vector<1000x136xf32>
    %add3A = arith.addf %get3A_1, %get3A_4 : vector<1000x136xf32>
    %get3A_5 = arith.constant 0 : index
    %get3A_6 = arith.constant 0 : index
    %get3A_7 = vector.load %arg3[%get3A_5, %get3A_6] : memref<1000x136xf32, #tpu.memory_space<vmem>>, vector<1000x136xf32>
    %add3A_8 = arith.addf %add3A, %get3A_7 : vector<1000x136xf32>
    %slice3A = vector.extract_strided_slice %add3A_8 {offsets = [0, 0], sizes = [1000, 128], strides = [1, 1]} : vector<1000x136xf32> to vector<1000x128xf32>
    %slice3A_9 = vector.extract_strided_slice %add3A_8 {offsets = [0, 128], sizes = [1000, 8], strides = [1, 1]} : vector<1000x136xf32> to vector<1000x8xf32>
    %broadcast_in_dim3A = vector.shape_cast %slice3A_9 : vector<1000x8xf32> to vector<1000x8x1xf32>
    %broadcast_in_dim3A_10 = vector.shape_cast %broadcast_in_dim3A : vector<1000x8x1xf32> to vector<1000x8x1xf32>
    %broadcast_in_dim3A_11 = vector.broadcast %broadcast_in_dim3A_10 : vector<1000x8x1xf32> to vector<1000x8x16xf32>
    %reshape3A = vector.shape_cast %broadcast_in_dim3A_11 : vector<1000x8x16xf32> to vector<1000x128xf32>
    %add3A_12 = arith.constant 1.000000e-16 : f32
    %add3A_13 = vector.broadcast %add3A_12 : f32 to vector<1000x128xf32>
    %add3A_14 = arith.addf %reshape3A, %add3A_13 : vector<1000x128xf32>
    %div3A = arith.divf %slice3A, %add3A_14 : vector<1000x128xf32>
    %get3A_15 = arith.constant 0 : index
    %get3A_16 = arith.constant 0 : index
    %get3A_17 = vector.load %arg5[%get3A_15, %get3A_16] : memref<1x128xf32, #tpu.memory_space<vmem>>, vector<1x128xf32>
    %add3A_18 = vector.broadcast %get3A_17 : vector<1x128xf32> to vector<1000x128xf32>
    %add3A_19 = arith.addf %div3A, %add3A_18 : vector<1000x128xf32>
    %get3A_20 = arith.constant 0 : index
    %get3A_21 = arith.constant 0 : index
    %get3A_22 = vector.load %arg4[%get3A_20, %get3A_21] : memref<1000x128xf32, #tpu.memory_space<vmem>>, vector<1000x128xf32>
    %add3A_23 = arith.addf %add3A_19, %get3A_22 : vector<1000x128xf32>
    %reduce_sum3A = arith.constant dense<0.000000e+00> : vector<1000xf32>
    %reduce_sum3A_24 = vector.multi_reduction <add>, %add3A_23, %reduce_sum3A [1] : vector<1000x128xf32> to vector<1000xf32>
    %broadcast_in_dim3A_25 = vector.shape_cast %reduce_sum3A_24 : vector<1000xf32> to vector<1000x1xf32>
    %div3A_26 = arith.constant 1.280000e+02 : f32
    %div3A_27 = vector.broadcast %div3A_26 : f32 to vector<1000x1xf32>
    %div3A_28 = arith.divf %broadcast_in_dim3A_25, %div3A_27 : vector<1000x1xf32>
    %sub3A = vector.broadcast %div3A_28 : vector<1000x1xf32> to vector<1000x128xf32>
    %sub3A_29 = arith.subf %add3A_23, %sub3A : vector<1000x128xf32>
    %integer_pow3A = arith.mulf %sub3A_29, %sub3A_29 : vector<1000x128xf32>
    %reduce_sum3A_30 = arith.constant dense<0.000000e+00> : vector<1000xf32>
    %reduce_sum3A_31 = vector.multi_reduction <add>, %integer_pow3A, %reduce_sum3A_30 [1] : vector<1000x128xf32> to vector<1000xf32>
    %broadcast_in_dim3A_32 = vector.shape_cast %reduce_sum3A_31 : vector<1000xf32> to vector<1000x1xf32>
    %div3A_33 = arith.constant 1.280000e+02 : f32
    %div3A_34 = vector.broadcast %div3A_33 : f32 to vector<1000x1xf32>
    %div3A_35 = arith.divf %broadcast_in_dim3A_32, %div3A_34 : vector<1000x1xf32>
    %sub3A_36 = vector.broadcast %div3A_28 : vector<1000x1xf32> to vector<1000x128xf32>
    %sub3A_37 = arith.subf %add3A_23, %sub3A_36 : vector<1000x128xf32>
    %add3A_38 = arith.constant 9.99999974E-6 : f32
    %add3A_39 = vector.broadcast %add3A_38 : f32 to vector<1000x1xf32>
    %add3A_40 = arith.addf %div3A_35, %add3A_39 : vector<1000x1xf32>
    %rsqrt3A = math.rsqrt %add3A_40 : vector<1000x1xf32>
    %mul3A = vector.broadcast %rsqrt3A : vector<1000x1xf32> to vector<1000x128xf32>
    %mul3A_41 = arith.mulf %sub3A_37, %mul3A : vector<1000x128xf32>
    %get3A_42 = arith.constant 0 : index
    %get3A_43 = arith.constant 0 : index
    %get3A_44 = vector.load %arg6[%get3A_42, %get3A_43] : memref<1x128xf32, #tpu.memory_space<vmem>>, vector<1x128xf32>
    %mul3A_45 = vector.broadcast %get3A_44 : vector<1x128xf32> to vector<1000x128xf32>
    %mul3A_46 = arith.mulf %mul3A_41, %mul3A_45 : vector<1000x128xf32>
    %get3A_47 = arith.constant 0 : index
    %get3A_48 = arith.constant 0 : index
    %get3A_49 = vector.load %arg7[%get3A_47, %get3A_48] : memref<1x128xf32, #tpu.memory_space<vmem>>, vector<1x128xf32>
    %add3A_50 = vector.broadcast %get3A_49 : vector<1x128xf32> to vector<1000x128xf32>
    %add3A_51 = arith.addf %mul3A_46, %add3A_50 : vector<1000x128xf32>
    %swap3A = arith.constant 0 : index
    %swap3A_52 = arith.constant 0 : index
    %swap3A_53 = vector.load %arg8[%swap3A, %swap3A_52] : memref<1000x128xf32, #tpu.memory_space<vmem>>, vector<1000x128xf32>
    tpu.vector_store %arg8[%swap3A, %swap3A_52], %add3A_51 {strides = array<i32>} : memref<1000x128xf32, #tpu.memory_space<vmem>>, vector<1000x128xf32>,
    return
  }
  func.func @transform_0(%arg0: i32) -> (i32, i32) {
    %c0_i32 = arith.constant 0 : i32
    %c0_i32_0 = arith.constant 0 : i32
    return %arg0, %c0_i32 : i32, i32
  }
  func.func @transform_1(%arg0: i32) -> (i32, i32) {
    %c0_i32 = arith.constant 0 : i32
    %c0_i32_0 = arith.constant 0 : i32
    return %arg0, %c0_i32 : i32, i32
  }
  func.func @transform_2(%arg0: i32) -> (i32, i32) {
    %c0_i32 = arith.constant 0 : i32
    %c0_i32_0 = arith.constant 0 : i32
    return %arg0, %c0_i32 : i32, i32
  }
  func.func @transform_3(%arg0: i32) -> (i32, i32) {
    %c0_i32 = arith.constant 0 : i32
    %c0_i32_0 = arith.constant 0 : i32
    return %arg0, %c0_i32 : i32, i32
  }
  func.func @transform_4(%arg0: i32) -> (i32, i32) {
    %c0_i32 = arith.constant 0 : i32
    %c0_i32_0 = arith.constant 0 : i32
    %c0_i32_1 = arith.constant 0 : i32
    return %c0_i32, %c0_i32_0 : i32, i32
  }
  func.func @transform_5(%arg0: i32) -> (i32, i32) {
    %c0_i32 = arith.constant 0 : i32
    %c0_i32_0 = arith.constant 0 : i32
    %c0_i32_1 = arith.constant 0 : i32
    return %c0_i32, %c0_i32_0 : i32, i32
  }
  func.func @transform_6(%arg0: i32) -> (i32, i32) {
    %c0_i32 = arith.constant 0 : i32
    %c0_i32_0 = arith.constant 0 : i32
    %c0_i32_1 = arith.constant 0 : i32
    return %c0_i32, %c0_i32_0 : i32, i32
  }
  func.func @transform_7(%arg0: i32) -> (i32, i32) {
    %c0_i32 = arith.constant 0 : i32
    %c0_i32_0 = arith.constant 0 : i32
    return %arg0, %c0_i32 : i32, i32
  }
}

</mosaic_0001>

<sc_bundles>
// kernel: kernel.5.cloned.1.call-start
scs
__scs_entry_jumppad:
0x0: {  	(pc) =	sbr.rel $0x88, $3  }
0x1: {  	(tag) =	ssettag $0x0;
	lr =	simm.s32 $0x1  }
0x2: {  	[smem:$0x3F99] =	sst lr;
	_ =	strace $0xD0000000  }
0x3: {  	_ = 	snop  }
0x4: {  	_ = 	snop  }
0x5: {  	_ = 	snop  }
0x6: {  	_ = 	snop  }
0x7: {  	_ = 	snop  }
__scs_overlays_trampoline_lowered:
0x8: {  	[smem:$0x3FA8] =	sst s0  }
0x9: {  	[smem:$0x3FA9] =	sst s1  }
0xa: {  	[smem:$0x3FAA] =	sst s2  }
0xb: {  	[smem:$0x3FAB] =	sst s3  }
0xc: {  	[smem:$0x3FAC] =	sst s4  }
0xd: {  	[smem:$0x3FAD] =	sst s5  }
0xe: {  	[smem:$0x3FAE] =	sst s6  }
0xf: {  	[smem:$0x3FAF] =	sst s7  }
0x10: {  	[smem:$0x3FB0] =	sst s8  }
0x11: {  	[smem:$0x3FB1] =	sst s9;
	s0 =	simm.s32 @!p0 $0x0  }
0x12: {  	s1 =	sld [smem:$0x3F97];
	s0 =	simm.s32 @p0 $0x1  }
0x13: {  	[smem:$0x3FB2] =	sst s0;
	s0 =	simm.s32 @!p1 $0x0  }
0x14: {  	s2 =	sld [smem:$0x3F96];
	s0 =	simm.s32 @p1 $0x1  }
0x15: {  	[smem:$0x3FB3] =	sst s0;
	s0 =	simm.s32 @!p2 $0x0  }
0x16: {  	s3 =	sld [smem:$0x3FDB];
	s0 =	simm.s32 @p2 $0x1  }
0x17: {  	s4 =	simm.s32 $0x1BF5;
	[smem:$0x3FB5] =	sst s0  }
0x18: {  	s0 =	sld [smem:$0x3F98];
	_ =	swait.ge [sflag:s4], $0x0  }
0x19: {  	s7 =	sld [smem:$0x3F99]  }
0x1a: {  	s8 =	sadd.s32 $0xFFFFE003, lr  }
0x1b: {  	s9 =	sadd.s32 $0xFFFFFEF7, lr;
	s5 =	simm.s32 $0xFFFFFFFF;
	p2 =	slt.u32 s8, $0xFFFFF086  }
0x1c: {  	p1 =	slt.u32 s9, $0xF7A;
	s5 =	simm.s32 @!p2 $0x0  }
0x1d: {  	s5 =	simm.s32 @p1 $0x1;
	p0 =	seq.s32 s7, s2  }
0x1e: {  	s7 =	smul.u32 @!p0 $0xF7A, s2;
	p2 =	seq.s32 @!p0 s5, $0x0  }
0x1f: {  	s9 =	smul.u32 $0xF7A, s1;
	s8 =	simm.s32 @!p0 $0x1BF5;
	p2 =	por !p2, p0  }
0x20: {  	[sflag:s8] =	ssyncset.s32 @!p0 $0xFFFFF086;
	s6 =	sadd.s32 @!p0 s3, s7;
	s7 =	simm.s32 @!p0 $0x108  }
0x21: {  	s3 =	sadd.s32 s3, s9;
	s6 =	sadd.s32 @!p0 $0x88, s6;
	s7 =	simm.s32 @p2 $0x1082  }
0x22: {  	[simem:s7], [sflag:s8] =	dma.local @!p0 [hbm:s6], $0xF7A  }
0x23: {  	s9 =	sor.u32 $0xD0000000, s2;
	s6 =	simm.s32 $0x108;
	_ =	swait.ge @!p0 [sflag:s8], $0x0  }
0x24: {  	s3 =	sadd.s32 $0x88, s3;
	s6 =	simm.s32 @!p1 $0x1082;
	[sflag:s4] =	ssyncset.s32 $0xFFFFF086  }
0x25: {  	[simem:s6], [sflag:s4] =	dma.local [hbm:s3], $0xF7A  }
0x26: {  	[smem:$0x3F99] =	sst s1;
	(tag) =	ssettag s2;
	_ =	strace s9  }
0x27: {  	s1 =	sld [smem:$0x3FA9]  }
0x28: {  	s2 =	sld [smem:$0x3FAA]  }
0x29: {  	s4 =	sld [smem:$0x3FAC]  }
0x2a: {  	p0 =	seq.s32 s5, $0x0;
	s5 =	sld [smem:$0x3FAD]  }
0x2b: {  	s6 =	sld [smem:$0x3FAE]  }
0x2c: {  	s7 =	sld [smem:$0x3FAF]  }
0x2d: {  	s3 =	simm.s32 $0x108;
	s8 =	sld [smem:$0x3FB0]  }
0x2e: {  	s3 =	simm.s32 @!p0 $0x1082;
	s9 =	sld [smem:$0x3FB1]  }
0x2f: {  	lr =	sadd.s32 s0, s3;
	s0 =	sld [smem:$0x3FA8]  }
0x30: {  	s3 =	sld [smem:$0x3FAB]  }
0x31: {  	[smem:$0x3FB4] =	sst s10  }
0x32: {  	s10 =	sld [smem:$0x3FB2];
	_ =	sdelay $0x3  }
0x33: {  	p0 =	seq.s32 s10, $0x1;
	s10 =	sld [smem:$0x3FB4];
	_ =	sdelay $0x3  }
0x34: {  	[smem:$0x3FB4] =	sst s10  }
0x35: {  	s10 =	sld [smem:$0x3FB3];
	_ =	sdelay $0x3  }
0x36: {  	p1 =	seq.s32 s10, $0x1;
	s10 =	sld [smem:$0x3FB4];
	_ =	sdelay $0x3  }
0x37: {  	[smem:$0x3FB4] =	sst s10  }
0x38: {  	s10 =	sld [smem:$0x3FB5]  }
0x39: {  	_ = 	snop;
	(pc) =	sbr.ind lr, $3  }
0x3a: {  	_ = 	snop  }
0x3b: {  	_ = 	snop  }
0x3c: {  	p2 =	seq.s32 s10, $0x1;
	s10 =	sld [smem:$0x3FB4]  }
0x3d: {  	_ =	shalt  }
0x3e: {  	_ =	shalt  }
0x3f: {  	_ =	shalt  }
0x40: {  	_ =	shalt  }
0x41: {  	_ =	shalt  }
0x42: {  	_ =	shalt  }
0x43: {  	_ =	shalt  }
0x44: {  	_ =	shalt  }
0x45: {  	_ =	shalt  }
0x46: {  	_ =	shalt  }
0x47: {  	_ =	shalt  }
0x48: {  	_ =	shalt  }
0x49: {  	_ =	shalt  }
0x4a: {  	_ =	shalt  }
0x4b: {  	_ =	shalt  }
0x4c: {  	_ =	shalt  }
0x4d: {  	_ =	shalt  }
0x4e: {  	_ =	shalt  }
0x4f: {  	_ =	shalt  }
0x50: {  	_ =	shalt  }
0x51: {  	_ =	shalt  }
0x52: {  	_ =	shalt  }
0x53: {  	_ =	shalt  }
0x54: {  	_ =	shalt  }
0x55: {  	_ =	shalt  }
0x56: {  	_ =	shalt  }
0x57: {  	_ =	shalt  }
0x58: {  	_ =	shalt  }
0x59: {  	_ =	shalt  }
0x5a: {  	_ =	shalt  }
0x5b: {  	_ =	shalt  }
0x5c: {  	_ =	shalt  }
0x5d: {  	_ =	shalt  }
0x5e: {  	_ =	shalt  }
0x5f: {  	_ =	shalt  }
0x60: {  	_ =	shalt  }
0x61: {  	_ =	shalt  }
0x62: {  	_ =	shalt  }
0x63: {  	_ =	shalt  }
0x64: {  	_ =	shalt  }
0x65: {  	_ =	shalt  }
0x66: {  	_ =	shalt  }
0x67: {  	_ =	shalt  }
0x68: {  	_ =	shalt  }
0x69: {  	_ =	shalt  }
0x6a: {  	_ =	shalt  }
0x6b: {  	_ =	shalt  }
0x6c: {  	_ =	shalt  }
0x6d: {  	_ =	shalt  }
0x6e: {  	_ =	shalt  }
0x6f: {  	_ =	shalt  }
0x70: {  	_ =	shalt  }
0x71: {  	_ =	shalt  }
0x72: {  	_ =	shalt  }
0x73: {  	_ =	shalt  }
0x74: {  	_ =	shalt  }
0x75: {  	_ =	shalt  }
0x76: {  	_ =	shalt  }
0x77: {  	_ =	shalt  }
0x78: {  	_ =	shalt  }
0x79: {  	_ =	shalt  }
0x7a: {  	_ =	shalt  }
0x7b: {  	_ =	shalt  }
0x7c: {  	_ =	shalt  }
0x7d: {  	_ =	shalt  }
0x7e: {  	_ =	shalt  }
0x7f: {  	_ =	shalt  }
0x80: {  	_ =	shalt  }
0x81: {  	_ =	shalt  }
0x82: {  	_ =	shalt  }
0x83: {  	_ =	shalt  }
0x84: {  	_ =	shalt  }
0x85: {  	_ =	shalt  }
0x86: {  	_ =	shalt  }
0x87: {  	_ =	shalt  }
.Lfunc_end0:
.L_simem_size_0:
called_computation_lowered:
.L_overlay_start_0:
0x88: {  	s2 =	sld [smem:$0x3FD9]  }
0x89: {  	s3 =	sld [smem:$0x3FFE];
	_ =	sdelay $0x1  }
0x8a: {  	s1 =	srdreg.scid  }
0x8b: {  	s0 =	sand.u32 $0x1, s1  }
0x8c: {  	s17 =	sshll.u32 s0, $0xA;
	s2 =	sadd.s32 s3, s2  }
0x8d: {  	s2 =	sadd.s32 s2, s17  }
0x8e: {  	[smem:$0x3FC0] =	sst s2  }
0x8f: {  	_ = 	snop  }
0x90: {  	s2 =	sld [smem:$0x3FD0];
	(tm) =	ssettm $0x1  }
0x91: {  	s18 =	sld [smem:$0x3FFB];
	_ =	sdelay $0x3  }
0x92: {  	_ =	strace s18  }
0x93: {  	s3 =	sld [smem:$0x3FFC];
	_ =	sdelay $0x3  }
0x94: {  	_ =	strace s3  }
0x95: {  	s3 =	sld [smem:$0x3FFD];
	_ =	sdelay $0x3  }
0x96: {  	_ =	strace s3  }
0x97: {  	_ =	strace $0x8FFFFFFF  }
0x98: {  	s19 =	sld [smem:$0x3FDB];
	_ =	sdelay $0x1  }
0x99: {  	s4 =	simm.s32 $_scs_section_size  }
0x9a: {  	s5 =	simm.s32 $_size__tile_overlayer_lowered;
	s6 =	simm.s32 $_tile_overlayer_lowered  }
0x9b: {  	s22 =	simm.s32 $0x1BFF;
	s21 =	sshll.u32 s6, $0x1;
	s3 =	sadd.s32 s4, s19  }
0x9c: {  	s7 =	simm.s32 $0x0;
	s20 =	sshll.u32 s5, $0x1;
	s5 =	sadd.s32 s21, s3  }
0x9d: {  	[timem:s7], [sflag:s22] =	dma.local [hbm:s5], s20  }
0x9e: {  	_ =	swait.ge [sflag:s22], s20  }
0x9f: {  	s4 =	ssub.s32 $0x0, s20;
	[sflag:s22] =	ssyncset.done $0x0  }
0xa0: {  	[sflag:s22] =	ssyncadd.s32 s4;
	_ =	sdelay $0x1  }
0xa1: {  	s23 =	simm.s32 $0x1B8B  }
0xa2: {  	_ =	swait.ge [sflag:s23], $0x1  }
0xa3: {  	[sflag:s23] =	ssyncset.done $0x0  }
0xa4: {  	s25 =	simm.s32 $0x1B8E;
	s24 =	sld [smem:$0x3FFE];
	[sflag:s23] =	ssyncadd.s32 $0xFFFFFFFF  }
0xa5: {  	s26 =	simm.s32 $execute0_lowered;
	[smem:$0x3FD2] =	sst s25  }
0xa6: {  	s5 =	sshll.u32 s26, $0x1;
	_ =	strace $0x80000046;
	[dreg:$0x1] =	wrdreg $0xFFFFFFFF  }
0xa7: {  	s28 =	simm.s32 $_size_execute0_lowered;
	s3 =	sadd.s32 s3, s5;
	[dreg:$0x0] =	wrdreg $0x0  }
0xa8: {  	s5 =	sshll.u32 s28, $0x1;
	[dreg:$0x2] =	wrdreg s3  }
0xa9: {  	[dreg:$0x3] =	wrdreg s5  }
0xaa: {  	[dreg:$0x4] =	wrdreg $0xC0  }
0xab: {  	_ =	task [dreg:s7], $0x5FFFF  }
0xac: {  	[dreg:$0x1] =	wrdreg $0xFFFFFFFF  }
0xad: {  	[dreg:$0x0] =	wrdreg $0x60  }
0xae: {  	[dreg:$0x2] =	wrdreg s24  }
0xaf: {  	[dreg:$0x3] =	wrdreg s2  }
0xb0: {  	[dreg:$0x4] =	wrdreg $0x0  }
0xb1: {  	[dreg:$0x5] =	wrdreg $0x9  }
0xb2: {  	_ =	task.clear_ibuf [dreg:s7], $0x6FFFF;
	_ =	strace $0x90000046  }
0xb3: {  	s29 =	simm.s32 $0x9;
	_ =	strace $0x80000048  }
0xb4: {  	_ =	swait.ge [sflag:s29], $0x1  }
0xb5: {  	[sflag:s29] =	ssyncadd.s32 $0xFFFFFFFF  }
0xb6: {  	_ =	strace $0x90000048  }
0xb7: {  	_ =	sfence  }
0xb8: {  	s30 =	sld [smem:$0x0];
	_ =	sdelay $0x2  }
0xb9: {  	s31 =	sshll.u32 s1, $0xD;
	s1 =	sshrl.u32 s1, $0x2  }
0xba: {  	s3 =	sand.u32 $0x4000, s31;
	s1 =	sadd.s32 s1, s30  }
0xbb: {  	s0 =	sor.u32 s3, s0;
	s1 =	sshll.u32 s1, $0x11  }
0xbc: {  	s0 =	sor.u32 s1, s0  }
0xbd: {  	s0 =	sadd.s32 $0x8F2B, s0  }
0xbe: {  	[sflag:s0] =	ssyncadd.remote.s32 $0x1  }
0xbf: {  	_ =	sfence.sel $0xFFFF  }
0xc0: {  	[dreg:$0x0] =	wrdreg $0xFFFFFFFF;
	(pc) =	sbr.abs _section_cstart, $3  }
0xc1: {  	[dreg:$0x1] =	wrdreg $0xFFFFFFFF  }
0xc2: {  	_ =	task.clear_ibuf [dreg:s7], $0x2FFFF;
	_ =	strace $0x9FFFFFFF  }
0xc3: {  	(tm) =	ssettm $0x7FFFFFFF  }
tec
execute0_lowered:
.L_overlay_start_1:
0x0: {  	(tag) =	ssettag $0x1  }
0x1: {  	s0 =	srdreg.scid;
	s1 =	rddreg [dreg:$0x0]  }
0x2: {  	s2 =	rddreg [dreg:$0x1];
	s10 =	stileid.u32  }
0x3: {  	s3 =	rddreg [dreg:$0x2];
	s5 =	simm.s32 $0x0;
	s14 =	simm.s32 $0x3  }
0x4: {  	s15 =	simm.s32 $0xC800;
	s17 =	simm.s32 $0x50;
	s18 =	simm.s32 $0x11620  }
0x5: {  	s19 =	simm.s32 $0x11B20;
	s20 =	simm.s32 $0x12020;
	s21 =	simm.s32 $0x14820  }
0x6: {  	s22 =	simm.s32 $0x14D20;
	s23 =	simm.s32 $0x15220;
	s29 =	simm.s32 $0x0  }
0x7: {  	s0 =	sand.u32 $0x1, s0;
	[smem:$0x7FF] =	sst s5;
	s24 =	smul.u32 $0x1900, s10  }
0x8: {  	s6 =	sadd.s32 $0xE00, s1;
	s9 =	smul.u32 $0x32000, s10;
	s7 =	sadd.s32 $0x69600, s1  }
0x9: {  	s30 =	sshll.u32 s10, $0x6;
	s4 =	sshll.u32 s0, $0x4;
	_ =	strace $0x80000047  }
0xa: {  	[dreg:$0x4] =	wrdreg s6;
	s8 =	smul.u32 $0x19000, s0;
	s0 =	ssub.s32 $0x2, s0  }
0xb: {  	s6 =	sadd.s32 $0x64600, s1;
	s4 =	sor.u32 s10, s4;
	s25 =	sshrl.u32 s0, $0x1  }
0xc: {  	s26 =	sshrl.u32 s9, $0x2;
	s4 =	smul.u32 $0x4E2, s4;
	s5 =	sadd.s32 s24, s8  }
0xd: {  	s0 =	ssub.s32 s0, s25;
	s28 =	sadd.s32 s26, s3;
	s8 =	sor.u32 $0x1C03, s30  }
0xe: {  	s24 =	simm.s32 $0x1;
	s25 =	simm.s32 $0x17A20;
	s4 =	sadd.s32 s4, s1  }
0xf: {  	s26 =	simm.s32 $0x2;
	s12 =	smax.u32 s0, $0x1;
	s31 =	sadd.s32 $0xC600, s4  }
0x10: {  	s1 =	sadd.s32 s5, s1;
	s4 =	sadd.s32 $0x2800, s4;
	[dreg:$0x5] =	wrdreg s31  }
0x11: {  	s13 =	sshrl.u32 s28, $0x3;
	s11 =	sadd.s32 $0x6E600, s1;
	[dreg:$0x6] =	wrdreg s4  }
.LBB2_1:
0x12: {  	s0 =	rddreg [dreg:$0x4]  }
0x13: {  	[spmem:s13], [sflag:s8] =	dma.local [hbm:s0], $0x1900  }
0x14: {  	_ =	swait.ge [sflag:s14], $0x1900  }
0x15: {  	[sflag:s14] =	ssyncset.done $0x0  }
0x16: {  	s28 =	simm.s32 $0x0;
	s1 =	rddreg [dreg:$0x5];
	[sflag:s14] =	ssyncadd.s32 $0xFFFFE700  }
0x17: {  	[tilespmem:s15], [sflag:$0x3] =	stream.linear.gather [hbm4b:s1+s28], $0x2710, $0x38;
	[tilespmem:$0x19320] =	vst v63  }
0x18: {  	_ =	swait.ge [sflag:s14], $0x2710  }
0x19: {  	[sflag:s14] =	ssyncset.done $0x0  }
0x1a: {  	s4 =	simm.s32 $0xEF10;
	s31 =	rddreg [dreg:$0x6];
	[sflag:s14] =	ssyncadd.s32 $0xFFFFD8F0  }
0x1b: {  	[tilespmem:s4], [sflag:$0x3] =	stream.linear.gather [hbm4b:s31+s28], $0x2710, $0x38;
	[tilespmem:$0x19320] =	vst v63  }
0x1c: {  	_ =	swait.ge [sflag:s14], $0x2710  }
0x1d: {  	[sflag:s14] =	ssyncset.done $0x0  }
0x1e: {  	[sflag:s14] =	ssyncadd.s32 $0xFFFFD8F0  }
0x1f: {  	[bflag:$0x0] =	sbarrier.arrive $0xFFFF  }
0x20: {  	[tilespmem:s18], [sflag:$0x1] =	stream.indirect.gather [hbm4b:s6+s17], $0x10, s15, s17, $0xb8;
	[tilespmem:$0x19320] =	vst v63  }
0x21: {  	_ = 	snop  }
0x22: {  	[tilespmem:s19], [sflag:$0x1] =	stream.indirect.gather [hbm4b:s7+s17], $0x10, s4, s17, $0xb8;
	[tilespmem:$0x19320] =	vst v63  }
0x23: {  	s30 =	simm.s32 $0x0  }
0x24: {  	[tilespmem:s20], [sflag:$0x1] =	stream.indirect.gather [hbm4b:s2+s17], $0x80, s15, s17, $0xb8;
	[tilespmem:$0x19320] =	vst v63  }
.LBB2_2:
0x25: {  	s1 =	smul.u32 $0xA0, s30;
	_ =	sdelay $0x1  }
0x26: {  	s0 =	sadd.s32 $0xC850, s1  }
0x27: {  	[tilespmem:s21], [sflag:$0x2] =	stream.indirect.gather [hbm4b:s6+s17], $0x10, s0, s17, $0xb8;
	[tilespmem:$0x19320] =	vst v63  }
0x28: {  	s31 =	sadd.s32 $0xEF60, s1  }
0x29: {  	[tilespmem:s22], [sflag:$0x2] =	stream.indirect.gather [hbm4b:s7+s17], $0x10, s31, s17, $0xb8;
	[tilespmem:$0x19320] =	vst v63  }
0x2a: {  	_ = 	snop  }
0x2b: {  	[tilespmem:s23], [sflag:$0x2] =	stream.indirect.gather [hbm4b:s2+s17], $0x80, s0, s17, $0xb8;
	[tilespmem:$0x19320] =	vst v63  }
0x2c: {  	_ =	swait.ge [sflag:s24], $0x500  }
0x2d: {  	[sflag:s24] =	ssyncset.done $0x0  }
0x2e: {  	[sflag:s24] =	ssyncadd.s32 $0xFFFFFB00  }
0x2f: {  	_ =	swait.ge [sflag:s24], $0x500  }
0x30: {  	[sflag:s24] =	ssyncset.done $0x0  }
0x31: {  	[sflag:s24] =	ssyncadd.s32 $0xFFFFFB00  }
0x32: {  	_ =	swait.ge [sflag:s24], $0x2800  }
0x33: {  	[sflag:s24] =	ssyncset.done $0x0  }
0x34: {  	s10 =	simm.s32 $0x11660;
	[sflag:s24] =	ssyncadd.s32 $0xFFFFD800  }
0x35: {  	s4 =	simm.s32 $0x11B60;
	v0 =	vld [tilespmem:s10+$0x30]  }
0x36: {  	v1 =	vld [tilespmem:s4+$0x30]  }
0x37: {  	v3 =	vld [tilespmem:s10+$0xFFFFFFD0]  }
0x38: {  	v4 =	vld [tilespmem:s4+$0xFFFFFFD0]  }
0x39: {  	v5 =	vld [tilespmem:s10+$0xFFFFFFE0]  }
0x3a: {  	v6 =	vld [tilespmem:s4+$0xFFFFFFE0]  }
0x3b: {  	v7 =	vld [tilespmem:s4+$0xFFFFFFF0]  }
0x3c: {  	v9 =	vld [tilespmem:s10+$0x0]  }
0x3d: {  	v10 =	vld [tilespmem:s4+$0x0]  }
0x3e: {  	v0 =	vadd.f32 v1, v0;
	v1 =	vld [tilespmem:s10+$0xFFFFFFF0]  }
0x3f: {  	v3 =	vadd.f32 v4, v3;
	v4 =	vld [tilespmem:s10+$0x10]  }
0x40: {  	v5 =	vadd.f32 v6, v5;
	v6 =	vld [tilespmem:s4+$0x10]  }
0x41: {  	v8 =	vmul.f32 $2.000000030e-01, v0;
	_ =	sdelay $0x1  }
0x42: {  	v2 =	vld [tilespmem:s4+$0xFFFFFFC0];
	v0 =	vmax.f32 v0, v8  }
0x43: {  	v11 =	vld [tilespmem:s10+$0x20];
	v9 =	vadd.f32 v10, v9;
	v8 =	vmul.f32 $2.000000030e-01, v3;
	v0 =	vmul.f32 $1.442695020e+00, v0  }
0x44: {  	v1 =	vadd.f32 v7, v1;
	v7 =	vld [tilespmem:s4+$0x20];
	v4 =	vadd.f32 v6, v4  }
0x45: {  	v3 =	vmax.f32 v3, v8;
	v8 =	vld [tilespmem:s10+$0xFFFFFFC0];
	(erf) = vpow2.f32 v0;
	v0 =	vmul.f32 $2.000000030e-01, v5  }
0x46: {  	v10 =	vmul.f32 $2.000000030e-01, v9;
	v3 =	vmul.f32 $1.442695020e+00, v3  }
0x47: {  	v6 =	vmul.f32 $2.000000030e-01, v4;
	v0 =	vmax.f32 v5, v0;
	v5 =	vmul.f32 $2.000000030e-01, v1  }
0x48: {  	(erf) = vpow2.f32 v3;
	v0 =	vmul.f32 $1.442695020e+00, v0  }
0x49: {  	v3 =	vmax.f32 v9, v10;
	v1 =	vmax.f32 v1, v5;
	v5 =	vadd.f32 v7, v11  }
0x4a: {  	v2 =	vadd.f32 v2, v8;
	v1 =	vmul.f32 $1.442695020e+00, v1;
	(erf) = vpow2.f32 v0  }
0x4b: {  	v0 =	vmul.f32 $1.442695020e+00, v3;
	v3 =	vmul.f32 $2.000000030e-01, v5  }
0x4c: {  	(erf) = vpow2.f32 v1;
	v1 =	vmul.f32 $2.000000030e-01, v2  }
0x4d: {  	v4 =	vmax.f32 v4, v6;
	v3 =	vmax.f32 v5, v3  }
0x4e: {  	v6 =	vpop (erf);
	(erf) = vpow2.f32 v0;
	v0 =	vmax.f32 v2, v1;
	v1 =	vmul.f32 $1.442695020e+00, v3  }
0x4f: {  	s0 =	simm.s32 $0x17B60;
	v4 =	vmul.f32 $1.442695020e+00, v4;
	v5 =	vpack.i.f32.bf16 v6, v6  }
0x50: {  	s5 =	simm.s32 $0x12220;
	[tilespmem:s0+$0x130] =	vst v5  }
0x51: {  	(erf) = vpow2.f32 v4;
	v0 =	vmul.f32 $1.442695020e+00, v0;
	v3 =	vld [tilespmem:s5+$0x180]  }
0x52: {  	(erf) = vpow2.f32 v1;
	v4 =	vld [tilespmem:s5+$0x190];
	v1 =	vpop (erf)  }
0x53: {  	s28 =	simm.s32 $0x11BE0;
	(erf) = vpow2.f32 v0;
	v0 =	vpack.i.f32.bf16 v1, v1  }
0x54: {  	v36 =	vld [tilespmem:s28+$0xFFFFFFD0]  }
0x55: {  	v52 =	vld [tilespmem:s28+$0x0];
	v7 =	vbroadcast v6, $0x1;
	v5 =	vbroadcast v6, $0x0  }
0x56: {  	v53 =	vld [tilespmem:s28+$0x10];
	[tilespmem:s0+$0xFFFFFF50] =	vst v0;
	v0 =	vpop (erf)  }
0x57: {  	v9 =	vld [tilespmem:s5+$0xFFFFFE80];
	v3 =	vmul.f32 v5, v3;
	v5 =	vmul.f32 v7, v4;
	v8 =	vpack.i.f32.bf16 v0, v0  }
0x58: {  	v10 =	vld [tilespmem:s5+$0xFFFFFE90];
	v2 =	vpop (erf);
	[tilespmem:s0+$0xFFFFFFA0] =	vst v8  }
0x59: {  	v22 =	vbroadcast v6, $0x2;
	v4 =	vpack.i.f32.bf16 v2, v2;
	v3 =	vpack.i.f32.bf16 v5, v3;
	v7 =	vld [tilespmem:s5+$0xFFFFFF00]  }
0x5a: {  	v23 =	vbroadcast v6, $0x3;
	v16 =	vbroadcast v1, $0x0;
	v11 =	vld [tilespmem:s5+$0xFFFFFF10];
	[tilespmem:s0+$0xF0] =	vst v3  }
0x5b: {  	v17 =	vbroadcast v1, $0x1;
	v19 =	vbroadcast v0, $0x0;
	v13 =	vld [tilespmem:s5+$0x1A0]  }
0x5c: {  	v20 =	vbroadcast v0, $0x1;
	v37 =	vbroadcast v0, $0x6;
	[tilespmem:s0+$0xFFFFFFF0] =	vst v4;
	v15 =	vld [tilespmem:s5+$0x1B0];
	v4 =	vpop (erf)  }
0x5d: {  	v24 =	vbroadcast v2, $0x0;
	v25 =	vbroadcast v2, $0x1;
	v12 =	vld [tilespmem:s5+$0xFFFFFF80];
	v5 =	vpop (erf);
	v14 =	vpack.i.f32.bf16 v4, v4  }
0x5e: {  	v18 =	vld [tilespmem:s5+$0xFFFFFF90];
	v9 =	vmul.f32 v16, v9;
	v10 =	vmul.f32 v17, v10;
	v8 =	vpop (erf);
	[tilespmem:s0+$0x40] =	vst v14;
	v26 =	vpack.i.f32.bf16 v5, v5  }
0x5f: {  	v3 =	vpop (erf);
	[tilespmem:s0+$0x90] =	vst v26;
	v26 =	vld [tilespmem:s5+$0x10];
	v7 =	vmul.f32 v19, v7;
	v11 =	vmul.f32 v20, v11  }
0x60: {  	v19 =	vbroadcast v6, $0x4;
	v20 =	vbroadcast v6, $0x5;
	v14 =	vpack.i.f32.bf16 v3, v3;
	v29 =	vld [tilespmem:s5+$0x80]  }
0x61: {  	v13 =	vmul.f32 v13, v22;
	v15 =	vmul.f32 v15, v23;
	[tilespmem:s0+$0xFFFFFF00] =	vst v14;
	v14 =	vld [tilespmem:s5+$0x0]  }
0x62: {  	v28 =	vpack.i.f32.bf16 v8, v8;
	v32 =	vbroadcast v8, $0x5;
	v22 =	vbroadcast v4, $0x0;
	v21 =	vld [tilespmem:s5+$0xFFFFFE00]  }
0x63: {  	v23 =	vbroadcast v4, $0x1;
	v30 =	vbroadcast v3, $0x0;
	[tilespmem:s0+$0xE0] =	vst v28;
	v27 =	vld [tilespmem:s5+$0xFFFFFE10];
	v13 =	vpack.i.f32.bf16 v15, v13  }
0x64: {  	v31 =	vbroadcast v3, $0x1;
	v28 =	vld [tilespmem:s5+$0x90];
	v12 =	vmul.f32 v24, v12;
	[tilespmem:s0+$0x100] =	vst v13  }
0x65: {  	v34 =	vbroadcast v3, $0x7;
	v7 =	vpack.i.f32.bf16 v11, v7;
	v11 =	vmul.f32 v25, v18;
	v17 =	vld [tilespmem:s5+$0x1C0]  }
0x66: {  	v9 =	vpack.i.f32.bf16 v10, v9;
	v25 =	vbroadcast v0, $0x3;
	v10 =	vld [tilespmem:s5+$0x1D0];
	v23 =	vmul.f32 v23, v26  }
0x67: {  	[tilespmem:s0+$0xFFFFFF10] =	vst v9;
	v15 =	vld [tilespmem:s5+$0x100];
	v14 =	vmul.f32 v22, v14;
	v22 =	vbroadcast v1, $0x2  }
0x68: {  	[tilespmem:s0+$0xFFFFFF60] =	vst v7;
	v7 =	vld [tilespmem:s5+$0xFFFFFEB0];
	v13 =	vmul.f32 v30, v21;
	v16 =	vmul.f32 v31, v27  }
0x69: {  	v11 =	vpack.i.f32.bf16 v11, v12;
	v12 =	vld [tilespmem:s5+$0xFFFFFF20];
	v21 =	vbroadcast v5, $0x0;
	v27 =	vbroadcast v5, $0x1  }
0x6a: {  	[tilespmem:s0+$0xFFFFFFB0] =	vst v11;
	v11 =	vld [tilespmem:s5+$0xFFFFFF30];
	v30 =	vbroadcast v8, $0x0;
	v31 =	vbroadcast v8, $0x1  }
0x6b: {  	v24 =	vld [tilespmem:s5+$0xFFFFFFA0];
	v14 =	vpack.i.f32.bf16 v23, v14;
	v17 =	vmul.f32 v17, v19;
	v10 =	vmul.f32 v10, v20  }
0x6c: {  	v9 =	vpack.i.f32.bf16 v16, v13;
	v13 =	vld [tilespmem:s5+$0x110];
	v19 =	vbroadcast v3, $0x2;
	v20 =	vbroadcast v3, $0x3  }
0x6d: {  	v21 =	vmul.f32 v21, v29;
	v23 =	vmul.f32 v27, v28;
	[tilespmem:s0+$0x0] =	vst v14;
	v29 =	vld [tilespmem:s5+$0xFFFFFFB0]  }
0x6e: {  	v28 =	vbroadcast v2, $0x2;
	v14 =	vbroadcast v2, $0x3;
	[tilespmem:s0+$0xFFFFFEC0] =	vst v9;
	v9 =	vld [tilespmem:s5+$0xFFFFFEA0]  }
0x6f: {  	v15 =	vmul.f32 v30, v15;
	v30 =	vbroadcast v4, $0x3;
	v16 =	vld [tilespmem:s5+$0xFFFFFE20]  }
0x70: {  	v11 =	vmul.f32 v11, v25;
	v25 =	vbroadcast v6, $0x6;
	v18 =	vld [tilespmem:s5+$0xFFFFFE30];
	v10 =	vpack.i.f32.bf16 v10, v17  }
0x71: {  	v6 =	vbroadcast v6, $0x7;
	v17 =	vbroadcast v1, $0x3;
	v21 =	vpack.i.f32.bf16 v23, v21;
	v23 =	vld [tilespmem:s5+$0x20];
	[tilespmem:s0+$0x110] =	vst v10  }
0x72: {  	v10 =	vbroadcast v0, $0x2;
	[tilespmem:s0+$0x50] =	vst v21;
	v21 =	vbroadcast v4, $0x2;
	v26 =	vld [tilespmem:s5+$0x1E0]  }
0x73: {  	v27 =	vld [tilespmem:s5+$0x1F0];
	v7 =	vmul.f32 v7, v17;
	v13 =	vmul.f32 v31, v13  }
0x74: {  	v31 =	vld [tilespmem:s5+$0x30];
	v10 =	vmul.f32 v12, v10;
	v9 =	vmul.f32 v9, v22  }
0x75: {  	v13 =	vpack.i.f32.bf16 v13, v15;
	v15 =	vmul.f32 v16, v19;
	v16 =	vmul.f32 v18, v20;
	v18 =	vld [tilespmem:s5+$0xA0]  }
0x76: {  	v17 =	vbroadcast v8, $0x2;
	v12 =	vbroadcast v3, $0x4;
	v10 =	vpack.i.f32.bf16 v11, v10;
	[tilespmem:s0+$0xA0] =	vst v13;
	v13 =	vld [tilespmem:s5+$0xB0]  }
0x77: {  	v14 =	vmul.f32 v29, v14;
	v7 =	vpack.i.f32.bf16 v7, v9;
	[tilespmem:s0+$0xFFFFFF70] =	vst v10;
	v15 =	vpack.i.f32.bf16 v16, v15;
	v16 =	vld [tilespmem:s5+$0x120]  }
0x78: {  	v11 =	vmul.f32 v24, v28;
	[tilespmem:s0+$0xFFFFFF20] =	vst v7;
	v24 =	vmul.f32 v27, v6;
	v6 =	vld [tilespmem:s5+$0xFFFFFF50]  }
0x79: {  	v29 =	vbroadcast v3, $0x5;
	v22 =	vbroadcast v8, $0x3;
	[tilespmem:s0+$0xFFFFFED0] =	vst v15;
	v15 =	vld [tilespmem:s5+$0x130]  }
0x7a: {  	v19 =	vbroadcast v5, $0x2;
	v20 =	vbroadcast v5, $0x3;
	v28 =	vld [tilespmem:s5+$0xFFFFFEC0]  }
0x7b: {  	v21 =	vmul.f32 v23, v21;
	v23 =	vmul.f32 v26, v25;
	v10 =	vld [tilespmem:s5+$0xFFFFFED0]  }
0x7c: {  	v11 =	vpack.i.f32.bf16 v14, v11;
	v25 =	vbroadcast v4, $0x4;
	v14 =	vmul.f32 v31, v30;
	v30 =	vld [tilespmem:s5+$0xFFFFFF40]  }
0x7d: {  	v26 =	vbroadcast v4, $0x5;
	v27 =	vbroadcast v5, $0x4;
	v9 =	vld [tilespmem:s5+$0xFFFFFE40]  }
0x7e: {  	[tilespmem:s0+$0xFFFFFFC0] =	vst v11;
	v31 =	vbroadcast v8, $0x4;
	v7 =	vld [tilespmem:s5+$0xFFFFFE50];
	v11 =	vmul.f32 v18, v19  }
0x7f: {  	v14 =	vpack.i.f32.bf16 v14, v21;
	v18 =	vld [tilespmem:s5+$0xFFFFFFC0];
	v19 =	vbroadcast v1, $0x4;
	v21 =	vbroadcast v0, $0x5  }
0x80: {  	s16 =	simm.s32 $0x116E0;
	v13 =	vmul.f32 v13, v20;
	v20 =	vbroadcast v1, $0x5;
	[tilespmem:s0+$0x10] =	vst v14;
	v14 =	vld [tilespmem:s5+$0xFFFFFFD0]  }
0x81: {  	v16 =	vmul.f32 v16, v17;
	v21 =	vmul.f32 v6, v21;
	v6 =	vld [tilespmem:s16+$0xFFFFFFD0]  }
0x82: {  	v17 =	vbroadcast v0, $0x4;
	v11 =	vpack.i.f32.bf16 v13, v11;
	v13 =	vmul.f32 v15, v22;
	v15 =	vld [tilespmem:s5+$0x40]  }
0x83: {  	v0 =	vbroadcast v0, $0x7;
	v10 =	vmul.f32 v10, v20;
	v20 =	vld [tilespmem:s16+$0x30]  }
0x84: {  	v22 =	vbroadcast v2, $0x5;
	v19 =	vmul.f32 v28, v19;
	[tilespmem:s0+$0x60] =	vst v11;
	v11 =	vld [tilespmem:s5+$0x50]  }
0x85: {  	v28 =	vbroadcast v3, $0x6;
	v17 =	vmul.f32 v30, v17;
	v30 =	vld [tilespmem:s28+$0x30]  }
0x86: {  	v9 =	vmul.f32 v9, v12;
	v7 =	vmul.f32 v7, v29;
	v13 =	vpack.i.f32.bf16 v13, v16;
	v12 =	vld [tilespmem:s5+$0xC0]  }
0x87: {  	v3 =	vbroadcast v2, $0x7;
	v16 =	vbroadcast v2, $0x4;
	[tilespmem:s0+$0xB0] =	vst v13;
	v13 =	vld [tilespmem:s5+$0xD0]  }
0x88: {  	v29 =	vbroadcast v5, $0x5;
	v7 =	vpack.i.f32.bf16 v7, v9;
	v14 =	vmul.f32 v14, v22;
	v9 =	vld [tilespmem:s5+$0x140]  }
0x89: {  	v22 =	vbroadcast v1, $0x7;
	[tilespmem:s0+$0xFFFFFEE0] =	vst v7;
	v7 =	vld [tilespmem:s5+$0x150];
	v16 =	vmul.f32 v18, v16  }
0x8a: {  	v18 =	vbroadcast v1, $0x6;
	v15 =	vmul.f32 v15, v25;
	v25 =	vld [tilespmem:s16+$0xFFFFFFE0]  }
0x8b: {  	v1 =	vbroadcast v2, $0x6;
	v11 =	vmul.f32 v11, v26;
	v26 =	vld [tilespmem:s28+$0xFFFFFFE0];
	v20 =	vadd.f32 v30, v20  }
0x8c: {  	v2 =	vbroadcast v4, $0x6;
	v4 =	vbroadcast v4, $0x7;
	v33 =	vld [tilespmem:s5+$0xFFFFFE60]  }
0x8d: {  	v27 =	vmul.f32 v12, v27;
	v12 =	vld [tilespmem:s16+$0xFFFFFFF0];
	v30 =	vmul.f32 $2.000000030e-01, v20  }
0x8e: {  	v10 =	vpack.i.f32.bf16 v10, v19;
	v29 =	vmul.f32 v13, v29;
	v13 =	vld [tilespmem:s28+$0xFFFFFFF0];
	v19 =	vmul.f32 v9, v31  }
0x8f: {  	v9 =	vld [tilespmem:s16+$0x0];
	v31 =	vmul.f32 v7, v32;
	v7 =	vmax.f32 v20, v30;
	v20 =	vadd.f32 v36, v6  }
0x90: {  	v30 =	vld [tilespmem:s16+$0x10];
	v6 =	vbroadcast v5, $0x6;
	v7 =	vmul.f32 $1.442695020e+00, v7;
	v26 =	vadd.f32 v26, v25  }
0x91: {  	v35 =	vld [tilespmem:s28+$0xFFFFFFC0];
	v17 =	vpack.i.f32.bf16 v21, v17;
	v5 =	vbroadcast v5, $0x7;
	v21 =	vmul.f32 $2.000000030e-01, v20  }
0x92: {  	v38 =	vld [tilespmem:s16+$0x20];
	v14 =	vpack.i.f32.bf16 v14, v16;
	(erf) = vpow2.f32 v7;
	v39 =	vmul.f32 $2.000000030e-01, v26  }
0x93: {  	v25 =	vmul.f32 v33, v28;
	v7 =	vbroadcast v8, $0x6;
	v12 =	vadd.f32 v13, v12;
	v13 =	vld [tilespmem:s28+$0x20]  }
0x94: {  	[tilespmem:s0+$0xFFFFFF30] =	vst v10;
	v20 =	vmax.f32 v20, v21;
	v21 =	vld [tilespmem:s16+$0xFFFFFFC0];
	v9 =	vadd.f32 v52, v9;
	v10 =	vmax.f32 v26, v39  }
0x95: {  	[tilespmem:s0+$0xFFFFFF80] =	vst v17;
	v54 =	vld [tilespmem:s5+$0xFFFFFEF0];
	v26 =	vmul.f32 $2.000000030e-01, v12;
	v20 =	vmul.f32 $1.442695020e+00, v20;
	v17 =	vadd.f32 v53, v30  }
0x96: {  	v16 =	vld [tilespmem:s5+$0xFFFFFEE0];
	v11 =	vpack.i.f32.bf16 v11, v15;
	v10 =	vmul.f32 $1.442695020e+00, v10;
	v32 =	vmul.f32 $2.000000030e-01, v9  }
0x97: {  	[tilespmem:s0+$0xFFFFFFD0] =	vst v14;
	v28 =	vld [tilespmem:s5+$0xFFFFFE70];
	v12 =	vmax.f32 v12, v26;
	(erf) = vpow2.f32 v20;
	v14 =	vmul.f32 $2.000000030e-01, v17  }
0x98: {  	v20 =	vld [tilespmem:s5+$0xFFFFFF60];
	v12 =	vmul.f32 $1.442695020e+00, v12;
	v26 =	vmax.f32 v9, v32;
	v13 =	vadd.f32 v13, v38  }
0x99: {  	v9 =	vld [tilespmem:s5+$0xFFFFFF70];
	(erf) = vpow2.f32 v10;
	v21 =	vadd.f32 v35, v21;
	v15 =	vmul.f32 $1.442695020e+00, v26  }
0x9a: {  	[tilespmem:s0+$0x20] =	vst v11;
	v10 =	vld [tilespmem:s5+$0xFFFFFFE0];
	v11 =	vmax.f32 v17, v14;
	v26 =	vmul.f32 $2.000000030e-01, v13;
	(erf) = vpow2.f32 v12  }
0x9b: {  	v12 =	vld [tilespmem:s5+$0xFFFFFFF0];
	v17 =	vmul.f32 $1.442695020e+00, v11;
	v14 =	vmul.f32 $2.000000030e-01, v21;
	v32 =	vpop (erf)  }
0x9c: {  	v8 =	vbroadcast v8, $0x7;
	s16 =	simm.s32 $0x17DE0;
	v11 =	vld [tilespmem:s5+$0x60];
	(erf) = vpow2.f32 v15;
	v30 =	vpack.i.f32.bf16 v32, v32  }
0x9d: {  	s4 =	simm.s32 $0x12620;
	v26 =	vmax.f32 v13, v26;
	v13 =	vld [tilespmem:s5+$0x70];
	(erf) = vpow2.f32 v17;
	v14 =	vmax.f32 v21, v14;
	[tilespmem:s16+$0x130] =	vst v30  }
0x9e: {  	v15 =	vmul.f32 $1.442695020e+00, v26;
	v21 =	vpack.i.f32.bf16 v29, v27;
	v29 =	vmul.f32 v54, v22;
	v55 =	vld [tilespmem:s4+$0x180]  }
0x9f: {  	v22 =	vbroadcast v32, $0x1;
	v63 =	vbroadcast v32, $0x2;
	[tilespmem:s0+$0x70] =	vst v21;
	v21 =	vld [tilespmem:s4+$0x190]  }
0xa0: {  	v17 =	vmul.f32 $1.442695020e+00, v14;
	(erf) = vpow2.f32 v15;
	v15 =	vpack.i.f32.bf16 v31, v19;
	v14 =	vld [tilespmem:s5+$0xE0];
	v26 =	vpop (erf)  }
0xa1: {  	v30 =	vmul.f32 v28, v34;
	v28 =	vmul.f32 v16, v18;
	v16 =	vld [tilespmem:s5+$0xF0];
	[tilespmem:s0+$0xC0] =	vst v15;
	v15 =	vpack.i.f32.bf16 v26, v26  }
0xa2: {  	v18 =	vbroadcast v32, $0x0;
	(erf) = vpow2.f32 v17;
	v17 =	vld [tilespmem:s5+$0x160];
	v27 =	vpop (erf);
	[tilespmem:s16+$0xFFFFFF50] =	vst v15  }
0xa3: {  	v31 =	vbroadcast v26, $0x0;
	v15 =	vmul.f32 v20, v37;
	v20 =	vpack.i.f32.bf16 v27, v27;
	v56 =	vld [tilespmem:s4+$0xFFFFFE80];
	v19 =	vpop (erf)  }
0xa4: {  	v58 =	vbroadcast v26, $0x1;
	v59 =	vbroadcast v27, $0x0;
	v57 =	vld [tilespmem:s4+$0xFFFFFE90];
	[tilespmem:s16+$0xFFFFFFA0] =	vst v20;
	v20 =	vpack.i.f32.bf16 v19, v19  }
0xa5: {  	v18 =	vmul.f32 v18, v55;
	v21 =	vmul.f32 v22, v21;
	v60 =	vld [tilespmem:s4+$0xFFFFFF00]  }
0xa6: {  	v61 =	vbroadcast v27, $0x1;
	v62 =	vbroadcast v19, $0x0;
	v40 =	vld [tilespmem:s4+$0xFFFFFF10];
	[tilespmem:s16+$0xFFFFFFF0] =	vst v20  }
0xa7: {  	v41 =	vbroadcast v19, $0x1;
	v55 =	vbroadcast v32, $0x3;
	v18 =	vpack.i.f32.bf16 v21, v18;
	v43 =	vld [tilespmem:s4+$0xFFFFFF80];
	v20 =	vpop (erf)  }
0xa8: {  	v51 =	vld [tilespmem:s4+$0xFFFFFF90];
	[tilespmem:s16+$0xF0] =	vst v18;
	v42 =	vbroadcast v20, $0x0;
	v44 =	vbroadcast v20, $0x1  }
0xa9: {  	v21 =	vpop (erf);
	v46 =	vld [tilespmem:s4+$0x1A0];
	v18 =	vpack.i.f32.bf16 v20, v20;
	v33 =	vmul.f32 v31, v56;
	v34 =	vmul.f32 v58, v57  }
0xaa: {  	v28 =	vpack.i.f32.bf16 v29, v28;
	v48 =	vld [tilespmem:s4+$0x1B0];
	v45 =	vbroadcast v21, $0x0;
	v47 =	vbroadcast v21, $0x1;
	[tilespmem:s16+$0x40] =	vst v18  }
0xab: {  	v22 =	vpop (erf);
	v35 =	vmul.f32 v59, v60;
	v57 =	vpack.i.f32.bf16 v21, v21;
	v38 =	vmul.f32 v61, v40;
	v54 =	vld [tilespmem:s4+$0x0]  }
0xac: {  	v49 =	vbroadcast v22, $0x0;
	v50 =	vbroadcast v22, $0x1;
	[tilespmem:s16+$0x90] =	vst v57;
	v40 =	vld [tilespmem:s4+$0x10];
	v60 =	vpack.i.f32.bf16 v22, v22  }
0xad: {  	v31 =	vpop (erf);
	v33 =	vpack.i.f32.bf16 v34, v33;
	v34 =	vbroadcast v19, $0x2;
	v29 =	vbroadcast v22, $0x4;
	v61 =	vld [tilespmem:s4+$0x80]  }
0xae: {  	v18 =	vpack.i.f32.bf16 v31, v31;
	v52 =	vbroadcast v31, $0x0;
	v39 =	vmul.f32 v62, v43;
	[tilespmem:s16+$0xE0] =	vst v60;
	v62 =	vld [tilespmem:s4+$0x90]  }
0xaf: {  	v53 =	vbroadcast v31, $0x1;
	v41 =	vmul.f32 v41, v51;
	[tilespmem:s16+$0xFFFFFF00] =	vst v18;
	v43 =	vld [tilespmem:s4+$0x100]  }
0xb0: {  	v60 =	vbroadcast v32, $0x4;
	v36 =	vld [tilespmem:s4+$0xFFFFFE00];
	v37 =	vmul.f32 v46, v63  }
0xb1: {  	v56 =	vld [tilespmem:s4+$0xFFFFFE10];
	v59 =	vmul.f32 v48, v55;
	v48 =	vbroadcast v31, $0x2  }
0xb2: {  	[tilespmem:s16+$0xFFFFFF10] =	vst v33;
	v35 =	vpack.i.f32.bf16 v38, v35;
	v51 =	vld [tilespmem:s4+$0x110];
	v46 =	vbroadcast v31, $0x3;
	v42 =	vmul.f32 v42, v54  }
0xb3: {  	[tilespmem:s16+$0xFFFFFF60] =	vst v35;
	v58 =	vld [tilespmem:s4+$0xFFFFFEB0];
	v37 =	vpack.i.f32.bf16 v59, v37;
	v40 =	vmul.f32 v44, v40;
	v54 =	vbroadcast v20, $0x2  }
0xb4: {  	v59 =	vld [tilespmem:s4+$0xFFFFFF20];
	[tilespmem:s16+$0x100] =	vst v37;
	v37 =	vbroadcast v27, $0x3;
	v45 =	vmul.f32 v45, v61  }
0xb5: {  	v39 =	vpack.i.f32.bf16 v41, v39;
	v61 =	vbroadcast v32, $0x5;
	v55 =	vld [tilespmem:s4+$0x1C0];
	v43 =	vmul.f32 v49, v43  }
0xb6: {  	[tilespmem:s16+$0xFFFFFFB0] =	vst v39;
	v44 =	vld [tilespmem:s4+$0x1D0];
	v36 =	vmul.f32 v52, v36;
	v63 =	vmul.f32 v53, v56  }
0xb7: {  	v57 =	vld [tilespmem:s4+$0xFFFFFFB0];
	v49 =	vbroadcast v19, $0x3;
	v40 =	vpack.i.f32.bf16 v40, v42;
	v53 =	vbroadcast v26, $0x3  }
0xb8: {  	v50 =	vmul.f32 v50, v51;
	v51 =	vbroadcast v20, $0x3;
	[tilespmem:s16+$0x0] =	vst v40;
	v36 =	vpack.i.f32.bf16 v63, v36;
	v63 =	vld [tilespmem:s4+$0xFFFFFEA0]  }
0xb9: {  	v42 =	vbroadcast v22, $0x2;
	v35 =	vmul.f32 v58, v53;
	v58 =	vld [tilespmem:s4+$0x20];
	[tilespmem:s16+$0xFFFFFEC0] =	vst v36  }
0xba: {  	v56 =	vbroadcast v27, $0x2;
	v36 =	vmul.f32 v47, v62;
	v47 =	vld [tilespmem:s4+$0xFFFFFE20]  }
0xbb: {  	v62 =	vld [tilespmem:s4+$0xFFFFFE30];
	v33 =	vmul.f32 v55, v60;
	v44 =	vmul.f32 v44, v61  }
0xbc: {  	v52 =	vbroadcast v26, $0x2;
	v40 =	vbroadcast v22, $0x3;
	v43 =	vpack.i.f32.bf16 v50, v43;
	v60 =	vld [tilespmem:s4+$0xFFFFFF30]  }
0xbd: {  	v50 =	vbroadcast v27, $0x5;
	v41 =	vmul.f32 v59, v56;
	[tilespmem:s16+$0xA0] =	vst v43;
	v61 =	vld [tilespmem:s4+$0xFFFFFFA0];
	v33 =	vpack.i.f32.bf16 v44, v33  }
0xbe: {  	v59 =	vbroadcast v32, $0x6;
	v49 =	vmul.f32 v57, v49;
	v57 =	vld [tilespmem:s4+$0x130];
	[tilespmem:s16+$0x110] =	vst v33  }
0xbf: {  	v32 =	vbroadcast v32, $0x7;
	v38 =	vmul.f32 v63, v52;
	v63 =	vld [tilespmem:s4+$0x1F0]  }
0xc0: {  	v43 =	vbroadcast v31, $0x5;
	v36 =	vpack.i.f32.bf16 v36, v45;
	v46 =	vmul.f32 v62, v46;
	v62 =	vld [tilespmem:s4+$0x1E0]  }
0xc1: {  	v53 =	vbroadcast v21, $0x4;
	[tilespmem:s16+$0x50] =	vst v36;
	v37 =	vmul.f32 v60, v37;
	v60 =	vld [tilespmem:s4+$0x30];
	v35 =	vpack.i.f32.bf16 v35, v38  }
0xc2: {  	v33 =	vmul.f32 v47, v48;
	v34 =	vmul.f32 v61, v34;
	v61 =	vld [tilespmem:s4+$0xA0];
	[tilespmem:s16+$0xFFFFFF20] =	vst v35  }
0xc3: {  	v23 =	vpack.i.f32.bf16 v24, v23;
	v55 =	vbroadcast v26, $0x5;
	v44 =	vbroadcast v21, $0x2;
	v24 =	vld [tilespmem:s4+$0xFFFFFED0]  }
0xc4: {  	[tilespmem:s0+$0x120] =	vst v23;
	v56 =	vmul.f32 v58, v54;
	v33 =	vpack.i.f32.bf16 v46, v33;
	v52 =	vmul.f32 v63, v32;
	v63 =	vld [tilespmem:s4+$0x120]  }
0xc5: {  	v39 =	vmul.f32 v57, v40;
	v37 =	vpack.i.f32.bf16 v37, v41;
	[tilespmem:s16+$0xFFFFFED0] =	vst v33;
	v45 =	vmul.f32 v62, v59;
	v62 =	vld [tilespmem:s4+$0xB0]  }
0xc6: {  	v40 =	vbroadcast v20, $0x5;
	v48 =	vbroadcast v21, $0x3;
	v23 =	vpack.i.f32.bf16 v49, v34;
	[tilespmem:s16+$0xFFFFFF70] =	vst v37;
	v58 =	vld [tilespmem:s4+$0xFFFFFE40]  }
0xc7: {  	v47 =	vbroadcast v31, $0x4;
	v46 =	vbroadcast v26, $0x4;
	[tilespmem:s16+$0xFFFFFFC0] =	vst v23;
	v23 =	vld [tilespmem:s4+$0xFFFFFF50]  }
0xc8: {  	v49 =	vbroadcast v20, $0x4;
	v36 =	vmul.f32 v60, v51;
	v60 =	vld [tilespmem:s4+$0xFFFFFE50]  }
0xc9: {  	v33 =	vbroadcast v21, $0x5;
	v44 =	vmul.f32 v61, v44;
	v61 =	vld [tilespmem:s4+$0xFFFFFEC0]  }
0xca: {  	v32 =	vmul.f32 v62, v48;
	v62 =	vmul.f32 v63, v42;
	v63 =	vld [tilespmem:s4+$0xFFFFFF40]  }
0xcb: {  	v25 =	vpack.i.f32.bf16 v30, v25;
	v18 =	vld [tilespmem:s5+$0x170];
	v59 =	vbroadcast v27, $0x4;
	v24 =	vmul.f32 v24, v55  }
0xcc: {  	[tilespmem:s0+$0xFFFFFEF0] =	vst v25;
	v54 =	vld [tilespmem:s4+$0xFFFFFFC0];
	v25 =	vpack.i.f32.bf16 v36, v56;
	v30 =	vmul.f32 v58, v47;
	v23 =	vmul.f32 v23, v50  }
0xcd: {  	v56 =	vld [tilespmem:s4+$0xFFFFFFD0];
	[tilespmem:s16+$0x10] =	vst v25;
	v48 =	vbroadcast v19, $0x4;
	v42 =	vbroadcast v19, $0x5  }
0xce: {  	[tilespmem:s0+$0xFFFFFF40] =	vst v28;
	v57 =	vld [tilespmem:s4+$0x40];
	v25 =	vmul.f32 v60, v43;
	v41 =	vmul.f32 v61, v46;
	v28 =	vpack.i.f32.bf16 v32, v44  }
0xcf: {  	v58 =	vpack.i.f32.bf16 v52, v45;
	v32 =	vbroadcast v22, $0x5;
	[tilespmem:s16+$0x60] =	vst v28;
	v34 =	vmul.f32 v63, v59;
	v59 =	vld [tilespmem:s4+$0x50]  }
0xd0: {  	[tilespmem:s16+$0x120] =	vst v58;
	v60 =	vpack.i.f32.bf16 v39, v62;
	v25 =	vpack.i.f32.bf16 v25, v30;
	v30 =	vbroadcast v31, $0x7;
	v61 =	vld [tilespmem:s4+$0xC0]  }
0xd1: {  	v62 =	vmul.f32 v54, v48;
	v28 =	vbroadcast v31, $0x6;
	[tilespmem:s16+$0xB0] =	vst v60;
	v35 =	vld [tilespmem:s4+$0xD0]  }
0xd2: {  	v24 =	vpack.i.f32.bf16 v24, v41;
	[tilespmem:s16+$0xFFFFFEE0] =	vst v25;
	v25 =	vbroadcast v26, $0x6;
	v36 =	vld [tilespmem:s4+$0x140];
	v63 =	vmul.f32 v56, v42  }
0xd3: {  	[tilespmem:s16+$0xFFFFFF30] =	vst v24;
	v38 =	vmul.f32 v57, v49;
	v37 =	vld [tilespmem:s4+$0x150];
	v24 =	vpack.i.f32.bf16 v23, v34;
	v23 =	vbroadcast v26, $0x7  }
0xd4: {  	v31 =	vld [tilespmem:s4+$0xFFFFFE60];
	v26 =	vbroadcast v27, $0x6;
	v41 =	vpack.i.f32.bf16 v63, v62;
	[tilespmem:s16+$0xFFFFFF80] =	vst v24;
	v39 =	vmul.f32 v59, v40  }
0xd5: {  	s9 =	simm.s32 $0x8;
	s10 =	simm.s32 $0x11760;
	s5 =	simm.s32 $0x12620;
	v34 =	vld [tilespmem:s4+$0xFFFFFE70];
	v24 =	vbroadcast v27, $0x7;
	[tilespmem:s16+$0xFFFFFFD0] =	vst v41;
	v27 =	vmul.f32 v61, v53  }
.LBB2_3:
0xd6: {  	v40 =	vld [tilespmem:s10+$0x30];
	v41 =	vbroadcast v19, $0x6;
	v38 =	vpack.i.f32.bf16 v39, v38;
	v33 =	vmul.f32 v35, v33;
	s28 =	sadd.s32 $0x80, s28  }
0xd7: {  	v19 =	vbroadcast v19, $0x7;
	v35 =	vld [tilespmem:s28+$0x30];
	[tilespmem:s16+$0x20] =	vst v38;
	v29 =	vmul.f32 v36, v29  }
0xd8: {  	v38 =	vbroadcast v20, $0x6;
	v36 =	vld [tilespmem:s28+$0xFFFFFFC0];
	v27 =	vpack.i.f32.bf16 v33, v27;
	v32 =	vmul.f32 v37, v32  }
0xd9: {  	v20 =	vbroadcast v20, $0x7;
	v33 =	vld [tilespmem:s10+$0xFFFFFFD0];
	[tilespmem:s16+$0x70] =	vst v27;
	v27 =	vbroadcast v21, $0x6  }
0xda: {  	v21 =	vbroadcast v21, $0x7;
	v37 =	vld [tilespmem:s28+$0xFFFFFFD0];
	v29 =	vpack.i.f32.bf16 v32, v29;
	v32 =	vbroadcast v22, $0x6  }
0xdb: {  	s9 =	sadd.s32 $0x8, s9;
	v28 =	vmul.f32 v31, v28;
	v22 =	vbroadcast v22, $0x7;
	v39 =	vld [tilespmem:s10+$0xFFFFFFE0];
	[tilespmem:s16+$0xC0] =	vst v29  }
0xdc: {  	v9 =	vmul.f32 v9, v0;
	p0 =	slt.u32 s9, $0x48;
	v0 =	vmovc v24;
	v30 =	vmul.f32 v34, v30;
	v29 =	vld [tilespmem:s28+$0xFFFFFFE0];
	v31 =	vadd.f32 v35, v40  }
0xdd: {  	v10 =	vmul.f32 v10, v1;
	v12 =	vmul.f32 v12, v3;
	v1 =	vmovc v41;
	v3 =	vmov v19;
	v24 =	vld [tilespmem:s10+$0xFFFFFFF0]  }
0xde: {  	v11 =	vmul.f32 v11, v2;
	v2 =	vmovc v38;
	v28 =	vpack.i.f32.bf16 v30, v28;
	v19 =	vld [tilespmem:s28+$0xFFFFFFF0];
	v34 =	vmul.f32 $2.000000030e-01, v31  }
0xdf: {  	v13 =	vmul.f32 v13, v4;
	v14 =	vmul.f32 v14, v6;
	v30 =	vadd.f32 v37, v33;
	v33 =	vld [tilespmem:s10+$0x0];
	[tilespmem:s16+$0xFFFFFEF0] =	vst v28  }
0xe0: {  	v16 =	vmul.f32 v16, v5;
	v17 =	vmul.f32 v17, v7;
	v4 =	vmovc v20;
	v28 =	vld [tilespmem:s28+$0x0];
	v35 =	vmax.f32 v31, v34  }
0xe1: {  	v6 =	vmovc v27;
	v5 =	vmovc v21;
	v20 =	vmul.f32 $2.000000030e-01, v30;
	v29 =	vadd.f32 v29, v39;
	v31 =	vld [tilespmem:s10+$0x10];
	v34 =	vmul.f32 $1.442695020e+00, v35  }
0xe2: {  	v9 =	vpack.i.f32.bf16 v9, v15;
	v10 =	vpack.i.f32.bf16 v12, v10;
	v12 =	vmul.f32 v18, v8;
	v7 =	vmovc v32;
	v21 =	vld [tilespmem:s28+$0x10]  }
0xe3: {  	v8 =	vmovc v22;
	v15 =	vmul.f32 $2.000000030e-01, v29;
	v18 =	vadd.f32 v19, v24;
	v19 =	vld [tilespmem:s10+$0x20];
	(erf) = vpow2.f32 v34;
	[tilespmem:s0+$0xFFFFFF90] =	vst v9  }
0xe4: {  	v9 =	vmax.f32 v30, v20;
	v20 =	vld [tilespmem:s28+$0x20];
	[tilespmem:s0+$0xFFFFFFE0] =	vst v10;
	v10 =	vpack.i.f32.bf16 v13, v11;
	v11 =	vpack.i.f32.bf16 v16, v14  }
0xe5: {  	v13 =	vld [tilespmem:s10+$0xFFFFFFC0];
	v14 =	vmax.f32 v29, v15;
	v15 =	vmul.f32 $2.000000030e-01, v18;
	v16 =	vadd.f32 v28, v33;
	[tilespmem:s0+$0x30] =	vst v10  }
0xe6: {  	v9 =	vmul.f32 $1.442695020e+00, v9;
	v10 =	vmul.f32 $1.442695020e+00, v14;
	v22 =	vld [tilespmem:s4+$0xFFFFFEE0];
	[tilespmem:s0+$0x80] =	vst v11;
	v11 =	vpack.i.f32.bf16 v12, v17  }
0xe7: {  	v12 =	vmax.f32 v18, v15;
	v14 =	vmul.f32 $2.000000030e-01, v16;
	v15 =	vadd.f32 v21, v31;
	v17 =	vld [tilespmem:s4+$0xFFFFFEF0];
	[tilespmem:s0+$0xD0] =	vst v11;
	s0 =	smov.u32 s16  }
0xe8: {  	v11 =	vmul.f32 $1.442695020e+00, v12;
	(erf) = vpow2.f32 v9;
	v18 =	vld [tilespmem:s4+$0xFFFFFF60]  }
0xe9: {  	v12 =	vmax.f32 v16, v14;
	v14 =	vmul.f32 $2.000000030e-01, v15;
	v16 =	vadd.f32 v20, v19;
	v9 =	vld [tilespmem:s4+$0xFFFFFF70]  }
0xea: {  	v19 =	vadd.f32 v36, v13;
	v13 =	vmul.f32 $1.442695020e+00, v12;
	(erf) = vpow2.f32 v10;
	v10 =	vld [tilespmem:s4+$0xFFFFFFE0]  }
0xeb: {  	v14 =	vmax.f32 v15, v14;
	v15 =	vmul.f32 $2.000000030e-01, v16;
	(erf) = vpow2.f32 v11;
	v12 =	vld [tilespmem:s4+$0xFFFFFFF0]  }
0xec: {  	v20 =	vmul.f32 $2.000000030e-01, v19;
	v14 =	vmul.f32 $1.442695020e+00, v14;
	v27 =	vpop (erf);
	v11 =	vld [tilespmem:s4+$0x60]  }
0xed: {  	s16 =	sadd.s32 $0x280, s16;
	v15 =	vmax.f32 v16, v15;
	v16 =	vpack.i.f32.bf16 v27, v27;
	(erf) = vpow2.f32 v13;
	v13 =	vld [tilespmem:s4+$0x70]  }
0xee: {  	s4 =	sadd.s32 $0x400, s4;
	v19 =	vmax.f32 v19, v20;
	v15 =	vmul.f32 $1.442695020e+00, v15;
	[tilespmem:s16+$0x130] =	vst v16;
	(erf) = vpow2.f32 v14;
	v14 =	vld [tilespmem:s5+$0xE0]  }
0xef: {  	v16 =	vmul.f32 $1.442695020e+00, v19;
	v20 =	vld [tilespmem:s4+$0x180];
	v19 =	vmul.f32 v22, v25  }
0xf0: {  	v22 =	vmul.f32 v17, v23;
	v21 =	vld [tilespmem:s4+$0x190];
	(erf) = vpow2.f32 v15  }
0xf1: {  	v15 =	vmul.f32 v18, v26;
	(erf) = vpow2.f32 v16;
	v23 =	vpop (erf);
	v16 =	vld [tilespmem:s5+$0xF0]  }
0xf2: {  	v18 =	vpack.i.f32.bf16 v23, v23;
	v25 =	vbroadcast v23, $0x0;
	v26 =	vbroadcast v23, $0x1;
	v17 =	vld [tilespmem:s5+$0x160]  }
0xf3: {  	v28 =	vbroadcast v27, $0x0;
	v29 =	vbroadcast v27, $0x1;
	v22 =	vpack.i.f32.bf16 v22, v19;
	[tilespmem:s16+$0xFFFFFF50] =	vst v18;
	v24 =	vpop (erf);
	v18 =	vld [tilespmem:s5+$0x170];
	s5 =	smov.u32 s4  }
0xf4: {  	v30 =	vld [tilespmem:s4+$0xFFFFFE80];
	v31 =	vpack.i.f32.bf16 v24, v24;
	v32 =	vbroadcast v24, $0x0;
	v33 =	vbroadcast v24, $0x1;
	v19 =	vpop (erf);
	[tilespmem:s0+$0xFFFFFF40] =	vst v22  }
0xf5: {  	v28 =	vmul.f32 v28, v20;
	v34 =	vld [tilespmem:s4+$0xFFFFFE90];
	[tilespmem:s16+$0xFFFFFFA0] =	vst v31;
	v22 =	vpack.i.f32.bf16 v19, v19;
	v38 =	vmul.f32 v29, v21  }
0xf6: {  	v31 =	vbroadcast v19, $0x0;
	v35 =	vbroadcast v19, $0x1;
	v29 =	vld [tilespmem:s4+$0xFFFFFF00];
	[tilespmem:s16+$0xFFFFFFF0] =	vst v22;
	v20 =	vpop (erf)  }
0xf7: {  	v36 =	vld [tilespmem:s4+$0xFFFFFF10];
	v43 =	vpack.i.f32.bf16 v20, v20;
	v37 =	vbroadcast v20, $0x0;
	v28 =	vpack.i.f32.bf16 v38, v28;
	v21 =	vpop (erf)  }
0xf8: {  	v39 =	vbroadcast v20, $0x1;
	v38 =	vld [tilespmem:s4+$0xFFFFFF80];
	v40 =	vpack.i.f32.bf16 v21, v21;
	v41 =	vbroadcast v21, $0x0;
	[tilespmem:s16+$0xF0] =	vst v28  }
0xf9: {  	v28 =	vmul.f32 v25, v30;
	[tilespmem:s16+$0x40] =	vst v43;
	v30 =	vbroadcast v21, $0x1;
	v42 =	vld [tilespmem:s4+$0x1A0];
	v22 =	vpop (erf)  }
0xfa: {  	[tilespmem:s16+$0x90] =	vst v40;
	v40 =	vpack.i.f32.bf16 v22, v22;
	v43 =	vbroadcast v22, $0x0;
	v44 =	vbroadcast v22, $0x1;
	v45 =	vld [tilespmem:s4+$0x1B0];
	v25 =	vpop (erf)  }
0xfb: {  	v46 =	vpack.i.f32.bf16 v25, v25;
	v47 =	vbroadcast v25, $0x0;
	v48 =	vbroadcast v25, $0x1;
	v49 =	vld [tilespmem:s4+$0xFFFFFF90];
	[tilespmem:s16+$0xE0] =	vst v40  }
0xfc: {  	v26 =	vmul.f32 v26, v34;
	v29 =	vmul.f32 v32, v29;
	[tilespmem:s16+$0xFFFFFF00] =	vst v46;
	v32 =	vld [tilespmem:s4+$0x0]  }
0xfd: {  	v40 =	vbroadcast v27, $0x2;
	v46 =	vbroadcast v27, $0x3;
	v34 =	vld [tilespmem:s4+$0xFFFFFE00]  }
0xfe: {  	v26 =	vpack.i.f32.bf16 v26, v28;
	v28 =	vmul.f32 v33, v36;
	v31 =	vmul.f32 v31, v38;
	v50 =	vld [tilespmem:s4+$0xFFFFFE10]  }
0xff: {  	v33 =	vmul.f32 v42, v40;
	[tilespmem:s16+$0xFFFFFF10] =	vst v26;
	v26 =	vld [tilespmem:s4+$0x10];
	v36 =	vmul.f32 v45, v46  }
0x100: {  	v38 =	vbroadcast v25, $0x2;
	v28 =	vpack.i.f32.bf16 v28, v29;
	v29 =	vmul.f32 v35, v49;
	v35 =	vld [tilespmem:s4+$0x80]  }
0x101: {  	v40 =	vbroadcast v25, $0x3;
	[tilespmem:s16+$0xFFFFFF60] =	vst v28;
	v28 =	vmul.f32 v37, v32;
	v32 =	vld [tilespmem:s4+$0x90];
	v33 =	vpack.i.f32.bf16 v36, v33  }
0x102: {  	v36 =	vbroadcast v23, $0x2;
	v34 =	vmul.f32 v47, v34;
	v29 =	vpack.i.f32.bf16 v29, v31;
	v31 =	vld [tilespmem:s4+$0x100];
	[tilespmem:s16+$0x100] =	vst v33  }
0x103: {  	v37 =	vbroadcast v23, $0x3;
	v33 =	vmul.f32 v48, v50;
	[tilespmem:s16+$0xFFFFFFB0] =	vst v29;
	v29 =	vld [tilespmem:s4+$0x1C0]  }
0x104: {  	v42 =	vbroadcast v24, $0x2;
	v26 =	vmul.f32 v39, v26;
	v39 =	vld [tilespmem:s4+$0x1D0]  }
0x105: {  	v33 =	vpack.i.f32.bf16 v33, v34;
	v34 =	vbroadcast v24, $0x3;
	v35 =	vmul.f32 v41, v35;
	v41 =	vld [tilespmem:s4+$0x110]  }
0x106: {  	v45 =	vbroadcast v19, $0x2;
	[tilespmem:s16+$0xFFFFFEC0] =	vst v33;
	v33 =	vld [tilespmem:s4+$0xFFFFFEA0];
	v26 =	vpack.i.f32.bf16 v26, v28;
	v28 =	vmul.f32 v30, v32  }
0x107: {  	v32 =	vbroadcast v27, $0x5;
	v30 =	vld [tilespmem:s4+$0xFFFFFE20];
	[tilespmem:s16+$0x0] =	vst v26;
	v26 =	vbroadcast v27, $0x4  }
0x108: {  	v47 =	vbroadcast v19, $0x3;
	v31 =	vmul.f32 v43, v31;
	v46 =	vld [tilespmem:s4+$0xFFFFFE30];
	v28 =	vpack.i.f32.bf16 v28, v35  }
0x109: {  	v35 =	vld [tilespmem:s4+$0xFFFFFEB0];
	[tilespmem:s16+$0x50] =	vst v28;
	v26 =	vmul.f32 v29, v26;
	v28 =	vmul.f32 v39, v32  }
0x10a: {  	v32 =	vbroadcast v20, $0x2;
	v29 =	vld [tilespmem:s4+$0xFFFFFF20];
	v39 =	vmul.f32 v44, v41  }
0x10b: {  	v43 =	vbroadcast v20, $0x3;
	v44 =	vbroadcast v21, $0x2;
	v41 =	vld [tilespmem:s4+$0xFFFFFF30];
	v26 =	vpack.i.f32.bf16 v28, v26  }
0x10c: {  	v48 =	vbroadcast v21, $0x3;
	v28 =	vld [tilespmem:s4+$0xFFFFFFA0];
	v31 =	vpack.i.f32.bf16 v39, v31;
	v39 =	vbroadcast v22, $0x2;
	[tilespmem:s16+$0x110] =	vst v26  }
0x10d: {  	v26 =	vmul.f32 v30, v38;
	v30 =	vbroadcast v22, $0x3;
	[tilespmem:s16+$0xA0] =	vst v31;
	v31 =	vld [tilespmem:s4+$0x1E0]  }
0x10e: {  	v33 =	vmul.f32 v33, v36;
	v38 =	vmul.f32 v46, v40;
	v36 =	vld [tilespmem:s4+$0x1F0]  }
0x10f: {  	v35 =	vmul.f32 v35, v37;
	v29 =	vmul.f32 v29, v42;
	v37 =	vld [tilespmem:s4+$0xFFFFFFB0]  }
0x110: {  	v26 =	vpack.i.f32.bf16 v38, v26;
	v38 =	vbroadcast v25, $0x4;
	v34 =	vmul.f32 v41, v34;
	v40 =	vld [tilespmem:s4+$0x20]  }
0x111: {  	[tilespmem:s16+$0xFFFFFED0] =	vst v26;
	v26 =	vpack.i.f32.bf16 v35, v33;
	v33 =	vld [tilespmem:s4+$0x30];
	v35 =	vbroadcast v27, $0x6;
	v27 =	vbroadcast v27, $0x7  }
0x112: {  	v41 =	vbroadcast v25, $0x5;
	v28 =	vmul.f32 v28, v45;
	[tilespmem:s16+$0xFFFFFF20] =	vst v26;
	v26 =	vpack.i.f32.bf16 v34, v29;
	v29 =	vld [tilespmem:s4+$0xA0]  }
0x113: {  	[tilespmem:s16+$0xFFFFFF70] =	vst v26;
	v26 =	vld [tilespmem:s4+$0xB0];
	v31 =	vmul.f32 v31, v35;
	v27 =	vmul.f32 v36, v27  }
0x114: {  	v34 =	vbroadcast v23, $0x4;
	v35 =	vmul.f32 v37, v47;
	v36 =	vld [tilespmem:s4+$0x120]  }
0x115: {  	v37 =	vbroadcast v23, $0x5;
	v32 =	vmul.f32 v40, v32;
	v40 =	vld [tilespmem:s4+$0x130];
	v27 =	vpack.i.f32.bf16 v27, v31  }
0x116: {  	v42 =	vbroadcast v24, $0x4;
	v31 =	vld [tilespmem:s4+$0xFFFFFE40];
	v28 =	vpack.i.f32.bf16 v35, v28;
	v33 =	vmul.f32 v33, v43;
	[tilespmem:s16+$0x120] =	vst v27  }
0x117: {  	v35 =	vbroadcast v24, $0x5;
	v27 =	vld [tilespmem:s4+$0xFFFFFE50];
	[tilespmem:s16+$0xFFFFFFC0] =	vst v28;
	v28 =	vmul.f32 v29, v44  }
0x118: {  	v44 =	vbroadcast v19, $0x4;
	v43 =	vld [tilespmem:s4+$0xFFFFFEC0];
	v29 =	vpack.i.f32.bf16 v33, v32;
	v26 =	vmul.f32 v26, v48  }
0x119: {  	v46 =	vbroadcast v19, $0x5;
	v45 =	vld [tilespmem:s4+$0xFFFFFED0];
	[tilespmem:s16+$0x10] =	vst v29;
	v29 =	vmul.f32 v36, v39  }
0x11a: {  	v39 =	vbroadcast v20, $0x4;
	v36 =	vld [tilespmem:s4+$0xFFFFFF40];
	v26 =	vpack.i.f32.bf16 v26, v28;
	v28 =	vmul.f32 v40, v30  }
0x11b: {  	v47 =	vbroadcast v21, $0x4;
	v40 =	vbroadcast v20, $0x5;
	v30 =	vld [tilespmem:s4+$0xFFFFFF50];
	[tilespmem:s16+$0x60] =	vst v26  }
0x11c: {  	v33 =	vbroadcast v21, $0x5;
	v26 =	vld [tilespmem:s4+$0xFFFFFFC0];
	v28 =	vpack.i.f32.bf16 v28, v29;
	v29 =	vbroadcast v22, $0x4  }
0x11d: {  	v32 =	vbroadcast v22, $0x5;
	v31 =	vmul.f32 v31, v38;
	v38 =	vld [tilespmem:s4+$0xFFFFFFD0];
	[tilespmem:s16+$0xB0] =	vst v28  }
0x11e: {  	v27 =	vmul.f32 v27, v41;
	v34 =	vmul.f32 v43, v34;
	v41 =	vld [tilespmem:s4+$0x40]  }
0x11f: {  	v37 =	vmul.f32 v45, v37;
	v36 =	vmul.f32 v36, v42;
	v42 =	vld [tilespmem:s4+$0x50]  }
0x120: {  	v28 =	vbroadcast v25, $0x6;
	v27 =	vpack.i.f32.bf16 v27, v31;
	v31 =	vmul.f32 v30, v35;
	v43 =	vld [tilespmem:s4+$0xC0]  }
.Ltmp0:
0x121: {  	v30 =	vbroadcast v25, $0x7;
	v25 =	vpack.i.f32.bf16 v37, v34;
	[tilespmem:s16+$0xFFFFFEE0] =	vst v27;
	v27 =	vmul.f32 v26, v44;
	v35 =	vld [tilespmem:s4+$0xD0];
	(pc) =	sbr.rel @p0 .LBB2_3-.Ltmp0, $4  }
0x122: {  	[tilespmem:s16+$0xFFFFFF30] =	vst v25;
	v25 =	vbroadcast v23, $0x6;
	v26 =	vpack.i.f32.bf16 v31, v36;
	v34 =	vmul.f32 v38, v46;
	v36 =	vld [tilespmem:s4+$0x140]  }
0x123: {  	v23 =	vbroadcast v23, $0x7;
	[tilespmem:s16+$0xFFFFFF80] =	vst v26;
	v38 =	vmul.f32 v41, v39;
	v37 =	vld [tilespmem:s4+$0x150]  }
0x124: {  	v26 =	vbroadcast v24, $0x6;
	v31 =	vld [tilespmem:s4+$0xFFFFFE60];
	v27 =	vpack.i.f32.bf16 v34, v27;
	v39 =	vmul.f32 v42, v40  }
0x125: {  	s10 =	sadd.s32 $0x80, s10;
	v24 =	vbroadcast v24, $0x7;
	v34 =	vld [tilespmem:s4+$0xFFFFFE70];
	[tilespmem:s16+$0xFFFFFFD0] =	vst v27;
	v27 =	vmul.f32 v43, v47  }
0x126: {  	v40 =	vbroadcast v19, $0x6  }
0x127: {  	v33 =	vmul.f32 v35, v33;
	v60 =	vld [tilespmem:s4+$0xFFFFFEE0];
	v19 =	vbroadcast v19, $0x7  }
0x128: {  	v61 =	vld [tilespmem:s4+$0xFFFFFEF0];
	v41 =	vbroadcast v20, $0x6;
	v20 =	vbroadcast v20, $0x7  }
0x129: {  	v62 =	vld [tilespmem:s4+$0xFFFFFF60];
	v42 =	vbroadcast v21, $0x6;
	v21 =	vbroadcast v21, $0x7  }
0x12a: {  	v43 =	vld [tilespmem:s4+$0xFFFFFF70];
	v38 =	vpack.i.f32.bf16 v39, v38;
	v63 =	vbroadcast v22, $0x6;
	v0 =	vmul.f32 v9, v0  }
0x12b: {  	v44 =	vld [tilespmem:s4+$0xFFFFFFE0];
	v1 =	vmul.f32 v10, v1;
	v3 =	vmul.f32 v12, v3;
	[tilespmem:s16+$0x20] =	vst v38  }
0x12c: {  	v29 =	vmul.f32 v36, v29;
	v32 =	vmul.f32 v37, v32;
	v27 =	vpack.i.f32.bf16 v33, v27;
	v9 =	vld [tilespmem:s4+$0x60]  }
0x12d: {  	v2 =	vmul.f32 v11, v2;
	v4 =	vmul.f32 v13, v4;
	v12 =	vld [tilespmem:s4+$0x70];
	v0 =	vpack.i.f32.bf16 v0, v15;
	[tilespmem:s16+$0x70] =	vst v27  }
0x12e: {  	v28 =	vmul.f32 v31, v28;
	v31 =	vld [tilespmem:s4+$0xFFFFFFF0];
	[tilespmem:s0+$0xFFFFFF90] =	vst v0;
	v30 =	vmul.f32 v34, v30;
	v27 =	vpack.i.f32.bf16 v32, v29  }
0x12f: {  	v22 =	vbroadcast v22, $0x7;
	v6 =	vmul.f32 v14, v6;
	v1 =	vpack.i.f32.bf16 v3, v1;
	v0 =	vld [tilespmem:s5+$0xF0];
	[tilespmem:s16+$0xC0] =	vst v27  }
0x130: {  	v5 =	vmul.f32 v16, v5;
	[tilespmem:s0+$0xFFFFFFE0] =	vst v1;
	v1 =	vpack.i.f32.bf16 v4, v2;
	v10 =	vpack.i.f32.bf16 v30, v28;
	v2 =	vld [tilespmem:s5+$0x160]  }
0x131: {  	v3 =	vmul.f32 v17, v7;
	v7 =	vmul.f32 v18, v8;
	[tilespmem:s16+$0xFFFFFEF0] =	vst v10;
	v10 =	vld [tilespmem:s5+$0xE0]  }
0x132: {  	v4 =	vpack.i.f32.bf16 v5, v6;
	[tilespmem:s0+$0x30] =	vst v1;
	v1 =	vmul.f32 v60, v25;
	v5 =	vmul.f32 v61, v23;
	v6 =	vld [tilespmem:s5+$0x170]  }
0x133: {  	[tilespmem:s0+$0x80] =	vst v4;
	v3 =	vpack.i.f32.bf16 v7, v3;
	v4 =	vmul.f32 v62, v26;
	v7 =	vmul.f32 v43, v24  }
0x134: {  	[tilespmem:s0+$0xD0] =	vst v3;
	v3 =	vmul.f32 v44, v40;
	v1 =	vpack.i.f32.bf16 v5, v1;
	v5 =	vmul.f32 v31, v19  }
0x135: {  	v8 =	vmul.f32 v12, v20;
	v4 =	vpack.i.f32.bf16 v7, v4;
	[tilespmem:s16+$0xFFFFFF40] =	vst v1;
	v1 =	vmul.f32 v9, v41  }
0x136: {  	[tilespmem:s16+$0xFFFFFF90] =	vst v4;
	v0 =	vmul.f32 v0, v21;
	v3 =	vpack.i.f32.bf16 v5, v3;
	v7 =	vmul.f32 v10, v42  }
0x137: {  	s10 =	smul.u32 $0x280, s30;
	v1 =	vpack.i.f32.bf16 v8, v1;
	v2 =	vmul.f32 v2, v63;
	v4 =	vmul.f32 v6, v22;
	[tilespmem:s16+$0xFFFFFFE0] =	vst v3  }
0x138: {  	[tilespmem:s16+$0x30] =	vst v1;
	v0 =	vpack.i.f32.bf16 v0, v7  }
0x139: {  	s0 =	sshra.s32 s10, $0x2;
	[tilespmem:s16+$0x80] =	vst v0;
	v0 =	vpack.i.f32.bf16 v4, v2  }
0x13a: {  	s0 =	sadd.s32 $0xEF10, s0;
	[tilespmem:s16+$0xD0] =	vst v0  }
0x13b: {  	[spmem:s3] =	stream.indirect.scatter.add.bf16 [tilespmem:s25], [sflag:$0x3], $0x50, s0, s17, $0xb8;
	[tilespmem:$0x19320] =	vst v63  }
0x13c: {  	_ =	swait.ge [sflag:s14], $0x1900  }
0x13d: {  	[sflag:s14] =	ssyncset.done $0x0  }
0x13e: {  	s28 =	sadd.s32 $0xC8A0, s1;
	[sflag:s14] =	ssyncadd.s32 $0xFFFFE700  }
0x13f: {  	[tilespmem:s18], [sflag:$0x1] =	stream.indirect.gather [hbm4b:s6+s17], $0x10, s28, s17, $0xb8;
	[tilespmem:$0x19320] =	vst v63  }
0x140: {  	s4 =	sadd.s32 $0xEFB0, s1  }
0x141: {  	[tilespmem:s19], [sflag:$0x1] =	stream.indirect.gather [hbm4b:s7+s17], $0x10, s4, s17, $0xb8;
	[tilespmem:$0x19320] =	vst v63  }
0x142: {  	_ = 	snop  }
0x143: {  	[tilespmem:s20], [sflag:$0x1] =	stream.indirect.gather [hbm4b:s2+s17], $0x80, s28, s17, $0xb8;
	[tilespmem:$0x19320] =	vst v63  }
0x144: {  	_ =	swait.ge [sflag:s26], $0x500  }
0x145: {  	[sflag:s26] =	ssyncset.done $0x0  }
0x146: {  	[sflag:s26] =	ssyncadd.s32 $0xFFFFFB00  }
0x147: {  	_ =	swait.ge [sflag:s26], $0x500  }
0x148: {  	[sflag:s26] =	ssyncset.done $0x0  }
0x149: {  	[sflag:s26] =	ssyncadd.s32 $0xFFFFFB00  }
0x14a: {  	_ =	swait.ge [sflag:s26], $0x2800  }
0x14b: {  	[sflag:s26] =	ssyncset.done $0x0  }
0x14c: {  	s5 =	simm.s32 $0x14860;
	[sflag:s26] =	ssyncadd.s32 $0xFFFFD800  }
0x14d: {  	s9 =	simm.s32 $0x14D60;
	v0 =	vld [tilespmem:s5+$0x30]  }
0x14e: {  	v1 =	vld [tilespmem:s9+$0x30]  }
0x14f: {  	v3 =	vld [tilespmem:s5+$0xFFFFFFD0]  }
0x150: {  	v4 =	vld [tilespmem:s9+$0xFFFFFFD0]  }
0x151: {  	v5 =	vld [tilespmem:s5+$0xFFFFFFE0]  }
0x152: {  	v6 =	vld [tilespmem:s9+$0xFFFFFFE0]  }
0x153: {  	v7 =	vld [tilespmem:s9+$0xFFFFFFF0]  }
0x154: {  	v9 =	vld [tilespmem:s5+$0x0]  }
0x155: {  	v10 =	vld [tilespmem:s9+$0x0]  }
0x156: {  	v0 =	vadd.f32 v1, v0;
	v1 =	vld [tilespmem:s5+$0xFFFFFFF0]  }
0x157: {  	v3 =	vadd.f32 v4, v3;
	v4 =	vld [tilespmem:s5+$0x10]  }
0x158: {  	v5 =	vadd.f32 v6, v5;
	v6 =	vld [tilespmem:s9+$0x10]  }
0x159: {  	v8 =	vmul.f32 $2.000000030e-01, v0;
	_ =	sdelay $0x1  }
0x15a: {  	v2 =	vld [tilespmem:s9+$0xFFFFFFC0];
	v0 =	vmax.f32 v0, v8  }
0x15b: {  	v11 =	vld [tilespmem:s5+$0x20];
	v9 =	vadd.f32 v10, v9;
	v8 =	vmul.f32 $2.000000030e-01, v3;
	v0 =	vmul.f32 $1.442695020e+00, v0  }
0x15c: {  	v1 =	vadd.f32 v7, v1;
	v7 =	vld [tilespmem:s9+$0x20];
	v4 =	vadd.f32 v6, v4  }
0x15d: {  	v3 =	vmax.f32 v3, v8;
	v8 =	vld [tilespmem:s5+$0xFFFFFFC0];
	(erf) = vpow2.f32 v0;
	v0 =	vmul.f32 $2.000000030e-01, v5  }
0x15e: {  	v10 =	vmul.f32 $2.000000030e-01, v9;
	v3 =	vmul.f32 $1.442695020e+00, v3  }
0x15f: {  	v6 =	vmul.f32 $2.000000030e-01, v4;
	v0 =	vmax.f32 v5, v0;
	v5 =	vmul.f32 $2.000000030e-01, v1  }
0x160: {  	(erf) = vpow2.f32 v3;
	v0 =	vmul.f32 $1.442695020e+00, v0  }
0x161: {  	v3 =	vmax.f32 v9, v10;
	v1 =	vmax.f32 v1, v5;
	v5 =	vadd.f32 v7, v11  }
0x162: {  	v2 =	vadd.f32 v2, v8;
	v1 =	vmul.f32 $1.442695020e+00, v1;
	(erf) = vpow2.f32 v0  }
0x163: {  	v0 =	vmul.f32 $1.442695020e+00, v3;
	v3 =	vmul.f32 $2.000000030e-01, v5  }
0x164: {  	(erf) = vpow2.f32 v1;
	v1 =	vmul.f32 $2.000000030e-01, v2  }
0x165: {  	v4 =	vmax.f32 v4, v6;
	v3 =	vmax.f32 v5, v3  }
0x166: {  	v6 =	vpop (erf);
	(erf) = vpow2.f32 v0;
	v0 =	vmax.f32 v2, v1;
	v1 =	vmul.f32 $1.442695020e+00, v3  }
0x167: {  	v4 =	vmul.f32 $1.442695020e+00, v4  }
0x168: {  	s0 =	simm.s32 $0x17B60;
	v5 =	vpack.i.f32.bf16 v6, v6  }
0x169: {  	s10 =	simm.s32 $0x15420;
	(erf) = vpow2.f32 v4;
	v0 =	vmul.f32 $1.442695020e+00, v0;
	[tilespmem:s0+$0x130] =	vst v5  }
0x16a: {  	(erf) = vpow2.f32 v1;
	v3 =	vld [tilespmem:s10+$0x180];
	v1 =	vpop (erf)  }
0x16b: {  	s1 =	simm.s32 $0x14DE0;
	v4 =	vld [tilespmem:s10+$0x190];
	(erf) = vpow2.f32 v0;
	v0 =	vpack.i.f32.bf16 v1, v1  }
0x16c: {  	v48 =	vld [tilespmem:s1+$0xFFFFFFD0]  }
0x16d: {  	v50 =	vld [tilespmem:s1+$0x0]  }
0x16e: {  	v51 =	vld [tilespmem:s1+$0x10];
	v7 =	vbroadcast v6, $0x1;
	v5 =	vbroadcast v6, $0x0;
	[tilespmem:s0+$0xFFFFFF50] =	vst v0;
	v0 =	vpop (erf)  }
0x16f: {  	v9 =	vld [tilespmem:s10+$0xFFFFFE80];
	v8 =	vpack.i.f32.bf16 v0, v0  }
0x170: {  	v10 =	vld [tilespmem:s10+$0xFFFFFE90];
	v3 =	vmul.f32 v5, v3;
	v5 =	vmul.f32 v7, v4;
	v2 =	vpop (erf);
	[tilespmem:s0+$0xFFFFFFA0] =	vst v8  }
0x171: {  	v4 =	vpack.i.f32.bf16 v2, v2;
	v7 =	vld [tilespmem:s10+$0xFFFFFF00]  }
0x172: {  	v22 =	vbroadcast v6, $0x2;
	v23 =	vbroadcast v6, $0x3;
	v3 =	vpack.i.f32.bf16 v5, v3;
	[tilespmem:s0+$0xFFFFFFF0] =	vst v4;
	v11 =	vld [tilespmem:s10+$0xFFFFFF10]  }
0x173: {  	v16 =	vbroadcast v1, $0x0;
	v17 =	vbroadcast v1, $0x1;
	[tilespmem:s0+$0xF0] =	vst v3;
	v12 =	vld [tilespmem:s10+$0xFFFFFF80]  }
0x174: {  	v19 =	vbroadcast v0, $0x0;
	v20 =	vbroadcast v0, $0x1;
	v13 =	vld [tilespmem:s10+$0x1A0];
	v4 =	vpop (erf)  }
0x175: {  	v49 =	vbroadcast v0, $0x6;
	v24 =	vbroadcast v2, $0x0;
	v15 =	vld [tilespmem:s10+$0x1B0];
	v5 =	vpop (erf);
	v14 =	vpack.i.f32.bf16 v4, v4  }
0x176: {  	v25 =	vbroadcast v2, $0x1;
	v18 =	vld [tilespmem:s10+$0xFFFFFF90];
	v9 =	vmul.f32 v16, v9;
	[tilespmem:s0+$0x40] =	vst v14;
	v26 =	vpack.i.f32.bf16 v5, v5  }
0x177: {  	v10 =	vmul.f32 v17, v10;
	v8 =	vpop (erf);
	[tilespmem:s0+$0x90] =	vst v26;
	v26 =	vld [tilespmem:s10+$0x10];
	v7 =	vmul.f32 v19, v7  }
0x178: {  	v3 =	vpop (erf);
	v28 =	vpack.i.f32.bf16 v8, v8;
	v11 =	vmul.f32 v20, v11;
	v19 =	vbroadcast v6, $0x4;
	v29 =	vld [tilespmem:s10+$0x80]  }
0x179: {  	v20 =	vbroadcast v6, $0x5;
	v44 =	vbroadcast v8, $0x5;
	v14 =	vpack.i.f32.bf16 v3, v3;
	[tilespmem:s0+$0xE0] =	vst v28;
	v28 =	vld [tilespmem:s10+$0x90]  }
0x17a: {  	v13 =	vmul.f32 v13, v22;
	v15 =	vmul.f32 v15, v23;
	[tilespmem:s0+$0xFFFFFF00] =	vst v14;
	v14 =	vld [tilespmem:s10+$0x0]  }
0x17b: {  	v22 =	vbroadcast v4, $0x0;
	v23 =	vbroadcast v4, $0x1;
	v21 =	vld [tilespmem:s10+$0xFFFFFE00]  }
0x17c: {  	v30 =	vbroadcast v3, $0x0;
	v31 =	vbroadcast v3, $0x1;
	v27 =	vld [tilespmem:s10+$0xFFFFFE10];
	v13 =	vpack.i.f32.bf16 v15, v13  }
0x17d: {  	v9 =	vpack.i.f32.bf16 v10, v9;
	v12 =	vmul.f32 v24, v12;
	v46 =	vbroadcast v3, $0x7;
	v15 =	vld [tilespmem:s10+$0x100];
	[tilespmem:s0+$0x100] =	vst v13  }
0x17e: {  	v7 =	vpack.i.f32.bf16 v11, v7;
	v11 =	vmul.f32 v25, v18;
	v25 =	vbroadcast v0, $0x3;
	v17 =	vld [tilespmem:s10+$0x1C0]  }
0x17f: {  	[tilespmem:s0+$0xFFFFFF10] =	vst v9;
	v10 =	vld [tilespmem:s10+$0x1D0];
	v23 =	vmul.f32 v23, v26;
	v14 =	vmul.f32 v22, v14  }
0x180: {  	[tilespmem:s0+$0xFFFFFF60] =	vst v7;
	v7 =	vld [tilespmem:s10+$0xFFFFFEB0];
	v22 =	vbroadcast v1, $0x2;
	v13 =	vmul.f32 v30, v21  }
0x181: {  	v11 =	vpack.i.f32.bf16 v11, v12;
	v12 =	vld [tilespmem:s10+$0xFFFFFF20];
	v16 =	vmul.f32 v31, v27;
	v21 =	vbroadcast v5, $0x0  }
0x182: {  	[tilespmem:s0+$0xFFFFFFB0] =	vst v11;
	v11 =	vld [tilespmem:s10+$0xFFFFFF30];
	v27 =	vbroadcast v5, $0x1;
	v30 =	vbroadcast v8, $0x0  }
0x183: {  	v24 =	vld [tilespmem:s10+$0xFFFFFFA0];
	v31 =	vbroadcast v8, $0x1;
	v17 =	vmul.f32 v17, v19  }
0x184: {  	v9 =	vpack.i.f32.bf16 v16, v13;
	v13 =	vld [tilespmem:s10+$0x110];
	v10 =	vmul.f32 v10, v20;
	v19 =	vbroadcast v3, $0x2  }
0x185: {  	v20 =	vbroadcast v3, $0x3;
	v21 =	vmul.f32 v21, v29;
	v29 =	vld [tilespmem:s10+$0xFFFFFFB0]  }
0x186: {  	v14 =	vpack.i.f32.bf16 v23, v14;
	v23 =	vmul.f32 v27, v28;
	v28 =	vbroadcast v2, $0x2;
	[tilespmem:s0+$0xFFFFFEC0] =	vst v9;
	v9 =	vld [tilespmem:s10+$0xFFFFFEA0]  }
0x187: {  	[tilespmem:s0+$0x0] =	vst v14;
	v14 =	vbroadcast v2, $0x3;
	v15 =	vmul.f32 v30, v15;
	v16 =	vld [tilespmem:s10+$0xFFFFFE20]  }
0x188: {  	v30 =	vbroadcast v4, $0x3;
	v11 =	vmul.f32 v11, v25;
	v18 =	vld [tilespmem:s10+$0xFFFFFE30];
	v10 =	vpack.i.f32.bf16 v10, v17  }
0x189: {  	v25 =	vbroadcast v6, $0x6;
	v17 =	vbroadcast v1, $0x3;
	v21 =	vpack.i.f32.bf16 v23, v21;
	v23 =	vld [tilespmem:s10+$0x20];
	[tilespmem:s0+$0x110] =	vst v10  }
0x18a: {  	v6 =	vbroadcast v6, $0x7;
	v10 =	vbroadcast v0, $0x2;
	v26 =	vld [tilespmem:s10+$0x1E0]  }
0x18b: {  	v27 =	vld [tilespmem:s10+$0x1F0];
	v7 =	vmul.f32 v7, v17;
	v13 =	vmul.f32 v31, v13  }
0x18c: {  	[tilespmem:s0+$0x50] =	vst v21;
	v31 =	vld [tilespmem:s10+$0x30];
	v10 =	vmul.f32 v12, v10;
	v9 =	vmul.f32 v9, v22  }
0x18d: {  	v13 =	vpack.i.f32.bf16 v13, v15;
	v15 =	vmul.f32 v16, v19;
	v16 =	vmul.f32 v18, v20;
	v18 =	vld [tilespmem:s10+$0xA0]  }
0x18e: {  	v21 =	vbroadcast v4, $0x2;
	v17 =	vbroadcast v8, $0x2;
	v10 =	vpack.i.f32.bf16 v11, v10;
	[tilespmem:s0+$0xA0] =	vst v13;
	v13 =	vld [tilespmem:s10+$0xB0]  }
0x18f: {  	v12 =	vbroadcast v3, $0x4;
	v7 =	vpack.i.f32.bf16 v7, v9;
	[tilespmem:s0+$0xFFFFFF70] =	vst v10;
	v15 =	vpack.i.f32.bf16 v16, v15;
	v16 =	vld [tilespmem:s10+$0x120]  }
0x190: {  	v11 =	vmul.f32 v24, v28;
	[tilespmem:s0+$0xFFFFFF20] =	vst v7;
	v24 =	vmul.f32 v27, v6;
	v6 =	vld [tilespmem:s10+$0xFFFFFF50]  }
0x191: {  	v14 =	vmul.f32 v29, v14;
	v29 =	vbroadcast v3, $0x5;
	[tilespmem:s0+$0xFFFFFED0] =	vst v15;
	v15 =	vld [tilespmem:s10+$0x130]  }
0x192: {  	v22 =	vbroadcast v8, $0x3;
	v19 =	vbroadcast v5, $0x2;
	v28 =	vld [tilespmem:s10+$0xFFFFFEC0]  }
0x193: {  	v20 =	vbroadcast v5, $0x3;
	v21 =	vmul.f32 v23, v21;
	v10 =	vld [tilespmem:s10+$0xFFFFFED0]  }
0x194: {  	v11 =	vpack.i.f32.bf16 v14, v11;
	v23 =	vmul.f32 v26, v25;
	v14 =	vmul.f32 v31, v30;
	v30 =	vld [tilespmem:s10+$0xFFFFFF40]  }
0x195: {  	v25 =	vbroadcast v4, $0x4;
	v26 =	vbroadcast v4, $0x5;
	v9 =	vld [tilespmem:s10+$0xFFFFFE40]  }
0x196: {  	v27 =	vbroadcast v5, $0x4;
	[tilespmem:s0+$0xFFFFFFC0] =	vst v11;
	v31 =	vbroadcast v8, $0x4;
	v7 =	vld [tilespmem:s10+$0xFFFFFE50]  }
0x197: {  	v11 =	vmul.f32 v18, v19;
	v14 =	vpack.i.f32.bf16 v14, v21;
	v18 =	vld [tilespmem:s10+$0xFFFFFFC0];
	v21 =	vbroadcast v0, $0x5  }
0x198: {  	s28 =	simm.s32 $0x148E0;
	v19 =	vbroadcast v1, $0x4;
	v13 =	vmul.f32 v13, v20;
	[tilespmem:s0+$0x10] =	vst v14;
	v14 =	vld [tilespmem:s10+$0xFFFFFFD0]  }
0x199: {  	v20 =	vbroadcast v1, $0x5;
	v21 =	vmul.f32 v6, v21;
	v6 =	vld [tilespmem:s28+$0xFFFFFFD0]  }
0x19a: {  	v16 =	vmul.f32 v16, v17;
	v11 =	vpack.i.f32.bf16 v13, v11;
	v13 =	vmul.f32 v15, v22;
	v15 =	vld [tilespmem:s10+$0x40]  }
0x19b: {  	v17 =	vbroadcast v0, $0x4;
	v10 =	vmul.f32 v10, v20;
	v20 =	vld [tilespmem:s28+$0x30]  }
0x19c: {  	v0 =	vbroadcast v0, $0x7;
	v22 =	vbroadcast v2, $0x5;
	[tilespmem:s0+$0x60] =	vst v11;
	v11 =	vld [tilespmem:s10+$0x50]  }
0x19d: {  	v19 =	vmul.f32 v28, v19;
	v17 =	vmul.f32 v30, v17;
	v30 =	vld [tilespmem:s1+$0x30]  }
0x19e: {  	v9 =	vmul.f32 v9, v12;
	v7 =	vmul.f32 v7, v29;
	v13 =	vpack.i.f32.bf16 v13, v16;
	v12 =	vld [tilespmem:s10+$0xC0]  }
0x19f: {  	v28 =	vbroadcast v3, $0x6;
	v3 =	vbroadcast v2, $0x7;
	[tilespmem:s0+$0xB0] =	vst v13;
	v13 =	vld [tilespmem:s10+$0xD0]  }
0x1a0: {  	v29 =	vbroadcast v5, $0x5;
	v16 =	vbroadcast v2, $0x4;
	v7 =	vpack.i.f32.bf16 v7, v9;
	v9 =	vld [tilespmem:s10+$0x140]  }
0x1a1: {  	v14 =	vmul.f32 v14, v22;
	v22 =	vbroadcast v1, $0x7;
	[tilespmem:s0+$0xFFFFFEE0] =	vst v7;
	v7 =	vld [tilespmem:s10+$0x150]  }
0x1a2: {  	v16 =	vmul.f32 v18, v16;
	v15 =	vmul.f32 v15, v25;
	v25 =	vld [tilespmem:s28+$0xFFFFFFE0]  }
0x1a3: {  	v18 =	vbroadcast v1, $0x6;
	v11 =	vmul.f32 v11, v26;
	v26 =	vld [tilespmem:s1+$0xFFFFFFE0];
	v20 =	vadd.f32 v30, v20  }
0x1a4: {  	v1 =	vbroadcast v2, $0x6;
	v27 =	vmul.f32 v12, v27;
	v12 =	vld [tilespmem:s28+$0xFFFFFFF0]  }
0x1a5: {  	v10 =	vpack.i.f32.bf16 v10, v19;
	v29 =	vmul.f32 v13, v29;
	v13 =	vld [tilespmem:s1+$0xFFFFFFF0];
	v30 =	vmul.f32 $2.000000030e-01, v20  }
0x1a6: {  	v17 =	vpack.i.f32.bf16 v21, v17;
	v2 =	vbroadcast v4, $0x6;
	v45 =	vld [tilespmem:s10+$0xFFFFFE60];
	v19 =	vmul.f32 v9, v31  }
0x1a7: {  	v9 =	vld [tilespmem:s28+$0x0];
	v31 =	vmul.f32 v7, v44;
	v7 =	vmax.f32 v20, v30;
	v20 =	vadd.f32 v48, v6  }
0x1a8: {  	v4 =	vbroadcast v4, $0x7;
	v30 =	vld [tilespmem:s28+$0x10];
	v7 =	vmul.f32 $1.442695020e+00, v7;
	v26 =	vadd.f32 v26, v25  }
0x1a9: {  	v47 =	vld [tilespmem:s1+$0xFFFFFFC0];
	v14 =	vpack.i.f32.bf16 v14, v16;
	v6 =	vbroadcast v5, $0x6;
	v21 =	vmul.f32 $2.000000030e-01, v20  }
0x1aa: {  	v52 =	vld [tilespmem:s28+$0x20];
	(erf) = vpow2.f32 v7;
	v53 =	vmul.f32 $2.000000030e-01, v26;
	v12 =	vadd.f32 v13, v12  }
0x1ab: {  	v5 =	vbroadcast v5, $0x7;
	v25 =	vmul.f32 v45, v28;
	v13 =	vld [tilespmem:s1+$0x20];
	v20 =	vmax.f32 v20, v21  }
0x1ac: {  	[tilespmem:s0+$0xFFFFFF30] =	vst v10;
	v21 =	vld [tilespmem:s28+$0xFFFFFFC0];
	v9 =	vadd.f32 v50, v9;
	v10 =	vmax.f32 v26, v53;
	v26 =	vmul.f32 $2.000000030e-01, v12  }
0x1ad: {  	[tilespmem:s0+$0xFFFFFF80] =	vst v17;
	v54 =	vld [tilespmem:s10+$0xFFFFFEF0];
	v7 =	vbroadcast v8, $0x6;
	v20 =	vmul.f32 $1.442695020e+00, v20;
	v17 =	vadd.f32 v51, v30  }
0x1ae: {  	v16 =	vld [tilespmem:s10+$0xFFFFFEE0];
	v10 =	vmul.f32 $1.442695020e+00, v10;
	v32 =	vmul.f32 $2.000000030e-01, v9;
	v12 =	vmax.f32 v12, v26  }
0x1af: {  	v11 =	vpack.i.f32.bf16 v11, v15;
	v28 =	vld [tilespmem:s10+$0xFFFFFE70];
	(erf) = vpow2.f32 v20;
	v12 =	vmul.f32 $1.442695020e+00, v12  }
0x1b0: {  	[tilespmem:s0+$0xFFFFFFD0] =	vst v14;
	v20 =	vld [tilespmem:s10+$0xFFFFFF60];
	v14 =	vmul.f32 $2.000000030e-01, v17;
	v13 =	vadd.f32 v13, v52;
	(erf) = vpow2.f32 v10  }
0x1b1: {  	v26 =	vmax.f32 v9, v32;
	v9 =	vld [tilespmem:s10+$0xFFFFFF70];
	v21 =	vadd.f32 v47, v21;
	(erf) = vpow2.f32 v12  }
0x1b2: {  	[tilespmem:s0+$0x20] =	vst v11;
	v10 =	vld [tilespmem:s10+$0xFFFFFFE0];
	v15 =	vmul.f32 $1.442695020e+00, v26;
	v11 =	vmax.f32 v17, v14;
	v26 =	vmul.f32 $2.000000030e-01, v13  }
0x1b3: {  	v12 =	vld [tilespmem:s10+$0xFFFFFFF0];
	v17 =	vmul.f32 $1.442695020e+00, v11;
	v14 =	vmul.f32 $2.000000030e-01, v21;
	v32 =	vpop (erf)  }
0x1b4: {  	s16 =	simm.s32 $0x17DE0;
	v8 =	vbroadcast v8, $0x7;
	v11 =	vld [tilespmem:s10+$0x60];
	(erf) = vpow2.f32 v15;
	v30 =	vpack.i.f32.bf16 v32, v32  }
0x1b5: {  	s4 =	simm.s32 $0x15820;
	v26 =	vmax.f32 v13, v26;
	v13 =	vld [tilespmem:s10+$0x70];
	(erf) = vpow2.f32 v17;
	v14 =	vmax.f32 v21, v14;
	[tilespmem:s16+$0x130] =	vst v30  }
0x1b6: {  	v15 =	vmul.f32 $1.442695020e+00, v26;
	v21 =	vpack.i.f32.bf16 v29, v27;
	v29 =	vmul.f32 v54, v22;
	v55 =	vld [tilespmem:s4+$0x180]  }
0x1b7: {  	v22 =	vbroadcast v32, $0x1;
	v17 =	vmul.f32 $1.442695020e+00, v14;
	[tilespmem:s0+$0x70] =	vst v21;
	v21 =	vld [tilespmem:s4+$0x190]  }
0x1b8: {  	v30 =	vmul.f32 v28, v46;
	(erf) = vpow2.f32 v15;
	v15 =	vpack.i.f32.bf16 v31, v19;
	v14 =	vld [tilespmem:s10+$0xE0];
	v26 =	vpop (erf)  }
0x1b9: {  	v28 =	vmul.f32 v16, v18;
	v18 =	vbroadcast v32, $0x0;
	v16 =	vld [tilespmem:s10+$0xF0];
	[tilespmem:s0+$0xC0] =	vst v15;
	v15 =	vpack.i.f32.bf16 v26, v26;
	v27 =	vpop (erf)  }
0x1ba: {  	(erf) = vpow2.f32 v17;
	v17 =	vld [tilespmem:s10+$0x160];
	[tilespmem:s16+$0xFFFFFF50] =	vst v15;
	v15 =	vmul.f32 v20, v49;
	v20 =	vpack.i.f32.bf16 v27, v27;
	v19 =	vpop (erf)  }
0x1bb: {  	v31 =	vbroadcast v26, $0x0;
	v57 =	vbroadcast v26, $0x1;
	v56 =	vld [tilespmem:s4+$0xFFFFFE80];
	[tilespmem:s16+$0xFFFFFFA0] =	vst v20;
	v20 =	vpack.i.f32.bf16 v19, v19  }
0x1bc: {  	v58 =	vbroadcast v27, $0x0;
	v38 =	vbroadcast v27, $0x1;
	v63 =	vld [tilespmem:s4+$0xFFFFFE90]  }
0x1bd: {  	v18 =	vmul.f32 v18, v55;
	v21 =	vmul.f32 v22, v21;
	v59 =	vld [tilespmem:s4+$0xFFFFFF00]  }
0x1be: {  	v39 =	vbroadcast v19, $0x0;
	v60 =	vld [tilespmem:s4+$0xFFFFFF10];
	v61 =	vbroadcast v19, $0x1;
	[tilespmem:s16+$0xFFFFFFF0] =	vst v20;
	v20 =	vpop (erf)  }
0x1bf: {  	v55 =	vbroadcast v32, $0x3;
	v18 =	vpack.i.f32.bf16 v21, v18;
	v62 =	vld [tilespmem:s4+$0xFFFFFF80];
	v42 =	vbroadcast v20, $0x0  }
0x1c0: {  	v51 =	vld [tilespmem:s4+$0xFFFFFF90];
	[tilespmem:s16+$0xF0] =	vst v18;
	v44 =	vbroadcast v20, $0x1;
	v33 =	vmul.f32 v31, v56  }
0x1c1: {  	v21 =	vpop (erf);
	v46 =	vld [tilespmem:s4+$0x1A0];
	v18 =	vpack.i.f32.bf16 v20, v20;
	v34 =	vmul.f32 v57, v63;
	v63 =	vbroadcast v32, $0x2  }
0x1c2: {  	v48 =	vld [tilespmem:s4+$0x1B0];
	v45 =	vbroadcast v21, $0x0;
	v47 =	vbroadcast v21, $0x1;
	[tilespmem:s16+$0x40] =	vst v18  }
0x1c3: {  	v22 =	vpop (erf);
	v35 =	vmul.f32 v58, v59;
	v57 =	vpack.i.f32.bf16 v21, v21;
	v38 =	vmul.f32 v38, v60;
	v54 =	vld [tilespmem:s4+$0x0]  }
0x1c4: {  	v25 =	vpack.i.f32.bf16 v30, v25;
	v49 =	vbroadcast v22, $0x0;
	v50 =	vbroadcast v22, $0x1;
	[tilespmem:s16+$0x90] =	vst v57;
	v40 =	vld [tilespmem:s4+$0x10]  }
0x1c5: {  	v31 =	vpop (erf);
	v60 =	vpack.i.f32.bf16 v22, v22;
	v33 =	vpack.i.f32.bf16 v34, v33;
	v41 =	vmul.f32 v61, v51;
	v61 =	vld [tilespmem:s4+$0x80]  }
0x1c6: {  	v34 =	vbroadcast v19, $0x2;
	v18 =	vpack.i.f32.bf16 v31, v31;
	v39 =	vmul.f32 v39, v62;
	[tilespmem:s16+$0xE0] =	vst v60;
	v62 =	vld [tilespmem:s4+$0x90]  }
0x1c7: {  	v29 =	vpack.i.f32.bf16 v29, v28;
	v28 =	vbroadcast v22, $0x4;
	v30 =	vbroadcast v22, $0x5;
	[tilespmem:s16+$0xFFFFFF00] =	vst v18;
	v43 =	vld [tilespmem:s4+$0x100]  }
0x1c8: {  	v52 =	vbroadcast v31, $0x0;
	v53 =	vbroadcast v31, $0x1;
	v36 =	vld [tilespmem:s4+$0xFFFFFE00]  }
0x1c9: {  	v56 =	vld [tilespmem:s4+$0xFFFFFE10];
	v37 =	vmul.f32 v46, v63;
	v59 =	vmul.f32 v48, v55  }
0x1ca: {  	[tilespmem:s16+$0xFFFFFF10] =	vst v33;
	v60 =	vbroadcast v32, $0x4;
	v35 =	vpack.i.f32.bf16 v38, v35;
	v51 =	vld [tilespmem:s4+$0x110];
	v48 =	vbroadcast v31, $0x2  }
0x1cb: {  	[tilespmem:s16+$0xFFFFFF60] =	vst v35;
	v58 =	vld [tilespmem:s4+$0xFFFFFEB0];
	v46 =	vbroadcast v31, $0x3;
	v42 =	vmul.f32 v42, v54;
	v37 =	vpack.i.f32.bf16 v59, v37  }
0x1cc: {  	v40 =	vmul.f32 v44, v40;
	v59 =	vld [tilespmem:s4+$0xFFFFFF20];
	v54 =	vbroadcast v20, $0x2;
	[tilespmem:s16+$0x100] =	vst v37  }
0x1cd: {  	v39 =	vpack.i.f32.bf16 v41, v39;
	v37 =	vbroadcast v27, $0x3;
	v45 =	vmul.f32 v45, v61;
	v55 =	vld [tilespmem:s4+$0x1C0]  }
0x1ce: {  	[tilespmem:s16+$0xFFFFFFB0] =	vst v39;
	v44 =	vld [tilespmem:s4+$0x1D0];
	v36 =	vmul.f32 v52, v36;
	v63 =	vmul.f32 v53, v56  }
0x1cf: {  	v57 =	vld [tilespmem:s4+$0xFFFFFFB0];
	v61 =	vbroadcast v32, $0x5;
	v40 =	vpack.i.f32.bf16 v40, v42;
	v53 =	vbroadcast v26, $0x3  }
0x1d0: {  	v43 =	vmul.f32 v49, v43;
	v49 =	vbroadcast v19, $0x3;
	[tilespmem:s16+$0x0] =	vst v40;
	v36 =	vpack.i.f32.bf16 v63, v36;
	v63 =	vld [tilespmem:s4+$0xFFFFFEA0]  }
0x1d1: {  	v50 =	vmul.f32 v50, v51;
	v35 =	vmul.f32 v58, v53;
	v58 =	vld [tilespmem:s4+$0x20];
	[tilespmem:s16+$0xFFFFFEC0] =	vst v36  }
0x1d2: {  	v51 =	vbroadcast v20, $0x3;
	v36 =	vmul.f32 v47, v62;
	v47 =	vld [tilespmem:s4+$0xFFFFFE20]  }
0x1d3: {  	v62 =	vld [tilespmem:s4+$0xFFFFFE30];
	v33 =	vmul.f32 v55, v60;
	v44 =	vmul.f32 v44, v61  }
0x1d4: {  	v42 =	vbroadcast v22, $0x2;
	v52 =	vbroadcast v26, $0x2;
	v43 =	vpack.i.f32.bf16 v50, v43;
	v60 =	vld [tilespmem:s4+$0xFFFFFF30]  }
0x1d5: {  	v56 =	vbroadcast v27, $0x2;
	v40 =	vbroadcast v22, $0x3;
	[tilespmem:s16+$0xA0] =	vst v43;
	v61 =	vld [tilespmem:s4+$0xFFFFFFA0];
	v33 =	vpack.i.f32.bf16 v44, v33  }
0x1d6: {  	v50 =	vbroadcast v27, $0x5;
	v49 =	vmul.f32 v57, v49;
	v57 =	vld [tilespmem:s4+$0x130];
	[tilespmem:s16+$0x110] =	vst v33  }
0x1d7: {  	v41 =	vmul.f32 v59, v56;
	v38 =	vmul.f32 v63, v52;
	v63 =	vld [tilespmem:s4+$0x1F0]  }
0x1d8: {  	v59 =	vbroadcast v32, $0x6;
	v36 =	vpack.i.f32.bf16 v36, v45;
	v46 =	vmul.f32 v62, v46;
	v62 =	vld [tilespmem:s4+$0x1E0]  }
0x1d9: {  	[tilespmem:s16+$0x50] =	vst v36;
	v33 =	vmul.f32 v47, v48;
	v37 =	vmul.f32 v60, v37;
	v60 =	vld [tilespmem:s4+$0x30];
	v35 =	vpack.i.f32.bf16 v35, v38  }
0x1da: {  	v23 =	vpack.i.f32.bf16 v24, v23;
	v32 =	vbroadcast v32, $0x7;
	v34 =	vmul.f32 v61, v34;
	v61 =	vld [tilespmem:s4+$0xA0];
	[tilespmem:s16+$0xFFFFFF20] =	vst v35  }
0x1db: {  	[tilespmem:s0+$0x120] =	vst v23;
	v43 =	vbroadcast v31, $0x5;
	v56 =	vbroadcast v21, $0x4;
	v33 =	vpack.i.f32.bf16 v46, v33;
	v24 =	vld [tilespmem:s4+$0xFFFFFED0]  }
0x1dc: {  	v55 =	vbroadcast v26, $0x5;
	v37 =	vpack.i.f32.bf16 v37, v41;
	[tilespmem:s16+$0xFFFFFED0] =	vst v33;
	v32 =	vmul.f32 v63, v32;
	v63 =	vld [tilespmem:s4+$0x120]  }
0x1dd: {  	v44 =	vbroadcast v21, $0x2;
	v23 =	vpack.i.f32.bf16 v49, v34;
	v33 =	vmul.f32 v58, v54;
	[tilespmem:s16+$0xFFFFFF70] =	vst v37;
	v58 =	vld [tilespmem:s4+$0xFFFFFE40]  }
0x1de: {  	v52 =	vbroadcast v19, $0x4;
	v39 =	vmul.f32 v57, v40;
	[tilespmem:s16+$0xFFFFFFC0] =	vst v23;
	v23 =	vld [tilespmem:s4+$0xFFFFFF50]  }
0x1df: {  	v40 =	vbroadcast v20, $0x5;
	v45 =	vmul.f32 v62, v59;
	v62 =	vld [tilespmem:s4+$0xB0]  }
0x1e0: {  	v48 =	vbroadcast v21, $0x3;
	v47 =	vbroadcast v31, $0x4;
	v59 =	vld [tilespmem:s4+$0xFFFFFE50]  }
0x1e1: {  	v46 =	vbroadcast v26, $0x4;
	v36 =	vmul.f32 v60, v51;
	v60 =	vld [tilespmem:s4+$0xFFFFFEC0]  }
0x1e2: {  	v57 =	vld [tilespmem:s4+$0xFFFFFFC0];
	v51 =	vbroadcast v27, $0x4;
	v44 =	vmul.f32 v61, v44  }
0x1e3: {  	[tilespmem:s0+$0xFFFFFEF0] =	vst v25;
	v25 =	vpack.i.f32.bf16 v36, v33;
	v33 =	vbroadcast v21, $0x5;
	v38 =	vmul.f32 v58, v47;
	v58 =	vld [tilespmem:s4+$0xFFFFFFD0]  }
0x1e4: {  	v32 =	vpack.i.f32.bf16 v32, v45;
	v24 =	vmul.f32 v24, v55;
	[tilespmem:s16+$0x10] =	vst v25;
	v48 =	vmul.f32 v62, v48;
	v62 =	vld [tilespmem:s4+$0xFFFFFF40]  }
0x1e5: {  	[tilespmem:s16+$0x120] =	vst v32;
	v32 =	vbroadcast v31, $0x6;
	v25 =	vmul.f32 v59, v43;
	v59 =	vld [tilespmem:s4+$0x40]  }
0x1e6: {  	[tilespmem:s0+$0xFFFFFF40] =	vst v29;
	v61 =	vmul.f32 v63, v42;
	v41 =	vmul.f32 v60, v46;
	v60 =	vld [tilespmem:s4+$0x50];
	v29 =	vpack.i.f32.bf16 v48, v44  }
0x1e7: {  	v18 =	vld [tilespmem:s10+$0x170];
	v42 =	vbroadcast v19, $0x5;
	v63 =	vbroadcast v20, $0x4;
	v25 =	vpack.i.f32.bf16 v25, v38;
	[tilespmem:s16+$0x60] =	vst v29  }
0x1e8: {  	v23 =	vmul.f32 v23, v50;
	v29 =	vpack.i.f32.bf16 v39, v61;
	[tilespmem:s16+$0xFFFFFEE0] =	vst v25;
	v25 =	vbroadcast v26, $0x6;
	v61 =	vld [tilespmem:s4+$0xC0]  }
0x1e9: {  	[tilespmem:s16+$0xB0] =	vst v29;
	v29 =	vbroadcast v31, $0x7;
	v35 =	vld [tilespmem:s4+$0xD0];
	v34 =	vmul.f32 v62, v51  }
0x1ea: {  	v24 =	vpack.i.f32.bf16 v24, v41;
	v31 =	vmul.f32 v57, v52;
	v62 =	vmul.f32 v58, v42;
	v36 =	vld [tilespmem:s4+$0x140]  }
0x1eb: {  	[tilespmem:s16+$0xFFFFFF30] =	vst v24;
	v38 =	vmul.f32 v59, v63;
	v37 =	vld [tilespmem:s4+$0x150];
	v39 =	vmul.f32 v60, v40;
	v24 =	vpack.i.f32.bf16 v23, v34  }
0x1ec: {  	v23 =	vbroadcast v26, $0x7;
	v34 =	vld [tilespmem:s4+$0xFFFFFE60];
	v26 =	vbroadcast v27, $0x6;
	v63 =	vpack.i.f32.bf16 v62, v31;
	[tilespmem:s16+$0xFFFFFF80] =	vst v24  }
0x1ed: {  	s9 =	simm.s32 $0x8;
	s5 =	simm.s32 $0x15820;
	s10 =	simm.s32 $0x14960;
	v31 =	vld [tilespmem:s4+$0xFFFFFE70];
	v24 =	vbroadcast v27, $0x7;
	[tilespmem:s16+$0xFFFFFFD0] =	vst v63;
	v27 =	vmul.f32 v61, v56  }
.LBB2_5:
0x1ee: {  	v40 =	vld [tilespmem:s10+$0x30];
	v41 =	vbroadcast v19, $0x6;
	v38 =	vpack.i.f32.bf16 v39, v38;
	v33 =	vmul.f32 v35, v33;
	s1 =	sadd.s32 $0x80, s1  }
0x1ef: {  	v19 =	vbroadcast v19, $0x7;
	v35 =	vld [tilespmem:s1+$0x30];
	[tilespmem:s16+$0x20] =	vst v38;
	v28 =	vmul.f32 v36, v28  }
0x1f0: {  	v38 =	vbroadcast v20, $0x6;
	v36 =	vld [tilespmem:s1+$0xFFFFFFC0];
	v27 =	vpack.i.f32.bf16 v33, v27;
	v30 =	vmul.f32 v37, v30  }
0x1f1: {  	v20 =	vbroadcast v20, $0x7;
	v33 =	vld [tilespmem:s10+$0xFFFFFFD0];
	[tilespmem:s16+$0x70] =	vst v27;
	v27 =	vbroadcast v21, $0x6  }
0x1f2: {  	v21 =	vbroadcast v21, $0x7;
	v37 =	vld [tilespmem:s1+$0xFFFFFFD0];
	v28 =	vpack.i.f32.bf16 v30, v28;
	v30 =	vbroadcast v22, $0x6  }
0x1f3: {  	s9 =	sadd.s32 $0x8, s9;
	v32 =	vmul.f32 v34, v32;
	v22 =	vbroadcast v22, $0x7;
	v39 =	vld [tilespmem:s10+$0xFFFFFFE0];
	[tilespmem:s16+$0xC0] =	vst v28  }
0x1f4: {  	v9 =	vmul.f32 v9, v0;
	p0 =	slt.u32 s9, $0x48;
	v0 =	vmovc v24;
	v29 =	vmul.f32 v31, v29;
	v28 =	vld [tilespmem:s1+$0xFFFFFFE0];
	v34 =	vadd.f32 v35, v40  }
0x1f5: {  	v10 =	vmul.f32 v10, v1;
	v12 =	vmul.f32 v12, v3;
	v1 =	vmovc v41;
	v3 =	vmov v19;
	v24 =	vld [tilespmem:s10+$0xFFFFFFF0]  }
0x1f6: {  	v11 =	vmul.f32 v11, v2;
	v2 =	vmovc v38;
	v29 =	vpack.i.f32.bf16 v29, v32;
	v19 =	vld [tilespmem:s1+$0xFFFFFFF0];
	v31 =	vmul.f32 $2.000000030e-01, v34  }
0x1f7: {  	v13 =	vmul.f32 v13, v4;
	v14 =	vmul.f32 v14, v6;
	v32 =	vadd.f32 v37, v33;
	v33 =	vld [tilespmem:s10+$0x0];
	[tilespmem:s16+$0xFFFFFEF0] =	vst v29  }
0x1f8: {  	v16 =	vmul.f32 v16, v5;
	v17 =	vmul.f32 v17, v7;
	v4 =	vmovc v20;
	v29 =	vld [tilespmem:s1+$0x0];
	v35 =	vmax.f32 v34, v31  }
0x1f9: {  	v6 =	vmovc v27;
	v5 =	vmovc v21;
	v20 =	vmul.f32 $2.000000030e-01, v32;
	v28 =	vadd.f32 v28, v39;
	v31 =	vld [tilespmem:s10+$0x10];
	v34 =	vmul.f32 $1.442695020e+00, v35  }
0x1fa: {  	v9 =	vpack.i.f32.bf16 v9, v15;
	v10 =	vpack.i.f32.bf16 v12, v10;
	v12 =	vmul.f32 v18, v8;
	v7 =	vmovc v30;
	v21 =	vld [tilespmem:s1+$0x10]  }
0x1fb: {  	v8 =	vmovc v22;
	v15 =	vmul.f32 $2.000000030e-01, v28;
	v18 =	vadd.f32 v19, v24;
	v19 =	vld [tilespmem:s10+$0x20];
	(erf) = vpow2.f32 v34;
	[tilespmem:s0+$0xFFFFFF90] =	vst v9  }
0x1fc: {  	v9 =	vmax.f32 v32, v20;
	v20 =	vld [tilespmem:s1+$0x20];
	[tilespmem:s0+$0xFFFFFFE0] =	vst v10;
	v10 =	vpack.i.f32.bf16 v13, v11;
	v11 =	vpack.i.f32.bf16 v16, v14  }
0x1fd: {  	v13 =	vld [tilespmem:s10+$0xFFFFFFC0];
	v14 =	vmax.f32 v28, v15;
	v15 =	vmul.f32 $2.000000030e-01, v18;
	v16 =	vadd.f32 v29, v33;
	[tilespmem:s0+$0x30] =	vst v10  }
0x1fe: {  	v9 =	vmul.f32 $1.442695020e+00, v9;
	v10 =	vmul.f32 $1.442695020e+00, v14;
	v22 =	vld [tilespmem:s4+$0xFFFFFEE0];
	[tilespmem:s0+$0x80] =	vst v11;
	v11 =	vpack.i.f32.bf16 v12, v17  }
0x1ff: {  	v12 =	vmax.f32 v18, v15;
	v14 =	vmul.f32 $2.000000030e-01, v16;
	v15 =	vadd.f32 v21, v31;
	v17 =	vld [tilespmem:s4+$0xFFFFFEF0];
	[tilespmem:s0+$0xD0] =	vst v11;
	s0 =	smov.u32 s16  }
0x200: {  	v11 =	vmul.f32 $1.442695020e+00, v12;
	(erf) = vpow2.f32 v9;
	v18 =	vld [tilespmem:s4+$0xFFFFFF60]  }
0x201: {  	v12 =	vmax.f32 v16, v14;
	v14 =	vmul.f32 $2.000000030e-01, v15;
	v16 =	vadd.f32 v20, v19;
	v9 =	vld [tilespmem:s4+$0xFFFFFF70]  }
0x202: {  	v19 =	vadd.f32 v36, v13;
	v13 =	vmul.f32 $1.442695020e+00, v12;
	(erf) = vpow2.f32 v10;
	v10 =	vld [tilespmem:s4+$0xFFFFFFE0]  }
0x203: {  	v14 =	vmax.f32 v15, v14;
	v15 =	vmul.f32 $2.000000030e-01, v16;
	(erf) = vpow2.f32 v11;
	v12 =	vld [tilespmem:s4+$0xFFFFFFF0]  }
0x204: {  	v20 =	vmul.f32 $2.000000030e-01, v19;
	v14 =	vmul.f32 $1.442695020e+00, v14;
	v27 =	vpop (erf);
	v11 =	vld [tilespmem:s4+$0x60]  }
0x205: {  	s16 =	sadd.s32 $0x280, s16;
	v15 =	vmax.f32 v16, v15;
	v16 =	vpack.i.f32.bf16 v27, v27;
	(erf) = vpow2.f32 v13;
	v13 =	vld [tilespmem:s4+$0x70]  }
0x206: {  	s4 =	sadd.s32 $0x400, s4;
	v19 =	vmax.f32 v19, v20;
	v15 =	vmul.f32 $1.442695020e+00, v15;
	[tilespmem:s16+$0x130] =	vst v16;
	(erf) = vpow2.f32 v14;
	v14 =	vld [tilespmem:s5+$0xE0]  }
0x207: {  	v16 =	vmul.f32 $1.442695020e+00, v19;
	v20 =	vld [tilespmem:s4+$0x180];
	v19 =	vmul.f32 v22, v25  }
0x208: {  	v22 =	vmul.f32 v17, v23;
	v21 =	vld [tilespmem:s4+$0x190];
	(erf) = vpow2.f32 v15  }
0x209: {  	v15 =	vmul.f32 v18, v26;
	(erf) = vpow2.f32 v16;
	v23 =	vpop (erf);
	v16 =	vld [tilespmem:s5+$0xF0]  }
0x20a: {  	v18 =	vpack.i.f32.bf16 v23, v23;
	v25 =	vbroadcast v23, $0x0;
	v26 =	vbroadcast v23, $0x1;
	v17 =	vld [tilespmem:s5+$0x160]  }
0x20b: {  	v28 =	vbroadcast v27, $0x0;
	v29 =	vbroadcast v27, $0x1;
	v22 =	vpack.i.f32.bf16 v22, v19;
	[tilespmem:s16+$0xFFFFFF50] =	vst v18;
	v24 =	vpop (erf);
	v18 =	vld [tilespmem:s5+$0x170];
	s5 =	smov.u32 s4  }
0x20c: {  	v30 =	vld [tilespmem:s4+$0xFFFFFE80];
	v31 =	vpack.i.f32.bf16 v24, v24;
	v32 =	vbroadcast v24, $0x0;
	v33 =	vbroadcast v24, $0x1;
	v19 =	vpop (erf);
	[tilespmem:s0+$0xFFFFFF40] =	vst v22  }
0x20d: {  	v28 =	vmul.f32 v28, v20;
	v34 =	vld [tilespmem:s4+$0xFFFFFE90];
	[tilespmem:s16+$0xFFFFFFA0] =	vst v31;
	v22 =	vpack.i.f32.bf16 v19, v19;
	v38 =	vmul.f32 v29, v21  }
0x20e: {  	v31 =	vbroadcast v19, $0x0;
	v35 =	vbroadcast v19, $0x1;
	v29 =	vld [tilespmem:s4+$0xFFFFFF00];
	[tilespmem:s16+$0xFFFFFFF0] =	vst v22;
	v20 =	vpop (erf)  }
0x20f: {  	v36 =	vld [tilespmem:s4+$0xFFFFFF10];
	v43 =	vpack.i.f32.bf16 v20, v20;
	v37 =	vbroadcast v20, $0x0;
	v28 =	vpack.i.f32.bf16 v38, v28;
	v21 =	vpop (erf)  }
0x210: {  	v39 =	vbroadcast v20, $0x1;
	v38 =	vld [tilespmem:s4+$0xFFFFFF80];
	v40 =	vpack.i.f32.bf16 v21, v21;
	v41 =	vbroadcast v21, $0x0;
	[tilespmem:s16+$0xF0] =	vst v28  }
0x211: {  	v28 =	vmul.f32 v25, v30;
	[tilespmem:s16+$0x40] =	vst v43;
	v30 =	vbroadcast v21, $0x1;
	v42 =	vld [tilespmem:s4+$0x1A0];
	v22 =	vpop (erf)  }
0x212: {  	[tilespmem:s16+$0x90] =	vst v40;
	v40 =	vpack.i.f32.bf16 v22, v22;
	v43 =	vbroadcast v22, $0x0;
	v44 =	vbroadcast v22, $0x1;
	v45 =	vld [tilespmem:s4+$0x1B0];
	v25 =	vpop (erf)  }
0x213: {  	v46 =	vpack.i.f32.bf16 v25, v25;
	v47 =	vbroadcast v25, $0x0;
	v48 =	vbroadcast v25, $0x1;
	v49 =	vld [tilespmem:s4+$0xFFFFFF90];
	[tilespmem:s16+$0xE0] =	vst v40  }
0x214: {  	v26 =	vmul.f32 v26, v34;
	v29 =	vmul.f32 v32, v29;
	[tilespmem:s16+$0xFFFFFF00] =	vst v46;
	v32 =	vld [tilespmem:s4+$0x0]  }
0x215: {  	v40 =	vbroadcast v27, $0x2;
	v46 =	vbroadcast v27, $0x3;
	v34 =	vld [tilespmem:s4+$0xFFFFFE00]  }
0x216: {  	v26 =	vpack.i.f32.bf16 v26, v28;
	v28 =	vmul.f32 v33, v36;
	v31 =	vmul.f32 v31, v38;
	v50 =	vld [tilespmem:s4+$0xFFFFFE10]  }
0x217: {  	v33 =	vmul.f32 v42, v40;
	[tilespmem:s16+$0xFFFFFF10] =	vst v26;
	v26 =	vld [tilespmem:s4+$0x10];
	v36 =	vmul.f32 v45, v46  }
0x218: {  	v38 =	vbroadcast v25, $0x2;
	v28 =	vpack.i.f32.bf16 v28, v29;
	v29 =	vmul.f32 v35, v49;
	v35 =	vld [tilespmem:s4+$0x80]  }
0x219: {  	v40 =	vbroadcast v25, $0x3;
	[tilespmem:s16+$0xFFFFFF60] =	vst v28;
	v28 =	vmul.f32 v37, v32;
	v32 =	vld [tilespmem:s4+$0x90];
	v33 =	vpack.i.f32.bf16 v36, v33  }
0x21a: {  	v36 =	vbroadcast v23, $0x2;
	v34 =	vmul.f32 v47, v34;
	v29 =	vpack.i.f32.bf16 v29, v31;
	v31 =	vld [tilespmem:s4+$0x100];
	[tilespmem:s16+$0x100] =	vst v33  }
0x21b: {  	v37 =	vbroadcast v23, $0x3;
	v33 =	vmul.f32 v48, v50;
	[tilespmem:s16+$0xFFFFFFB0] =	vst v29;
	v29 =	vld [tilespmem:s4+$0x1C0]  }
0x21c: {  	v42 =	vbroadcast v24, $0x2;
	v26 =	vmul.f32 v39, v26;
	v39 =	vld [tilespmem:s4+$0x1D0]  }
0x21d: {  	v33 =	vpack.i.f32.bf16 v33, v34;
	v34 =	vbroadcast v24, $0x3;
	v35 =	vmul.f32 v41, v35;
	v41 =	vld [tilespmem:s4+$0x110]  }
0x21e: {  	v45 =	vbroadcast v19, $0x2;
	[tilespmem:s16+$0xFFFFFEC0] =	vst v33;
	v33 =	vld [tilespmem:s4+$0xFFFFFEA0];
	v26 =	vpack.i.f32.bf16 v26, v28;
	v28 =	vmul.f32 v30, v32  }
0x21f: {  	v32 =	vbroadcast v27, $0x5;
	v30 =	vld [tilespmem:s4+$0xFFFFFE20];
	[tilespmem:s16+$0x0] =	vst v26;
	v26 =	vbroadcast v27, $0x4  }
0x220: {  	v47 =	vbroadcast v19, $0x3;
	v31 =	vmul.f32 v43, v31;
	v46 =	vld [tilespmem:s4+$0xFFFFFE30];
	v28 =	vpack.i.f32.bf16 v28, v35  }
0x221: {  	v35 =	vld [tilespmem:s4+$0xFFFFFEB0];
	[tilespmem:s16+$0x50] =	vst v28;
	v26 =	vmul.f32 v29, v26;
	v28 =	vmul.f32 v39, v32  }
0x222: {  	v32 =	vbroadcast v20, $0x2;
	v29 =	vld [tilespmem:s4+$0xFFFFFF20];
	v39 =	vmul.f32 v44, v41  }
0x223: {  	v43 =	vbroadcast v20, $0x3;
	v44 =	vbroadcast v21, $0x2;
	v41 =	vld [tilespmem:s4+$0xFFFFFF30];
	v26 =	vpack.i.f32.bf16 v28, v26  }
0x224: {  	v48 =	vbroadcast v21, $0x3;
	v28 =	vld [tilespmem:s4+$0xFFFFFFA0];
	v31 =	vpack.i.f32.bf16 v39, v31;
	v39 =	vbroadcast v22, $0x2;
	[tilespmem:s16+$0x110] =	vst v26  }
0x225: {  	v26 =	vmul.f32 v30, v38;
	v30 =	vbroadcast v22, $0x3;
	[tilespmem:s16+$0xA0] =	vst v31;
	v31 =	vld [tilespmem:s4+$0x1E0]  }
0x226: {  	v33 =	vmul.f32 v33, v36;
	v38 =	vmul.f32 v46, v40;
	v36 =	vld [tilespmem:s4+$0x1F0]  }
0x227: {  	v35 =	vmul.f32 v35, v37;
	v29 =	vmul.f32 v29, v42;
	v37 =	vld [tilespmem:s4+$0xFFFFFFB0]  }
0x228: {  	v26 =	vpack.i.f32.bf16 v38, v26;
	v38 =	vbroadcast v25, $0x4;
	v34 =	vmul.f32 v41, v34;
	v40 =	vld [tilespmem:s4+$0x20]  }
0x229: {  	[tilespmem:s16+$0xFFFFFED0] =	vst v26;
	v26 =	vpack.i.f32.bf16 v35, v33;
	v33 =	vld [tilespmem:s4+$0x30];
	v35 =	vbroadcast v27, $0x6;
	v27 =	vbroadcast v27, $0x7  }
0x22a: {  	v41 =	vbroadcast v25, $0x5;
	v28 =	vmul.f32 v28, v45;
	[tilespmem:s16+$0xFFFFFF20] =	vst v26;
	v26 =	vpack.i.f32.bf16 v34, v29;
	v29 =	vld [tilespmem:s4+$0xA0]  }
0x22b: {  	[tilespmem:s16+$0xFFFFFF70] =	vst v26;
	v26 =	vld [tilespmem:s4+$0xB0];
	v31 =	vmul.f32 v31, v35;
	v27 =	vmul.f32 v36, v27  }
0x22c: {  	v34 =	vbroadcast v23, $0x4;
	v35 =	vmul.f32 v37, v47;
	v36 =	vld [tilespmem:s4+$0x120]  }
0x22d: {  	v37 =	vbroadcast v23, $0x5;
	v32 =	vmul.f32 v40, v32;
	v40 =	vld [tilespmem:s4+$0x130];
	v27 =	vpack.i.f32.bf16 v27, v31  }
0x22e: {  	v42 =	vbroadcast v24, $0x4;
	v31 =	vld [tilespmem:s4+$0xFFFFFE40];
	v28 =	vpack.i.f32.bf16 v35, v28;
	v33 =	vmul.f32 v33, v43;
	[tilespmem:s16+$0x120] =	vst v27  }
0x22f: {  	v35 =	vbroadcast v24, $0x5;
	v27 =	vld [tilespmem:s4+$0xFFFFFE50];
	[tilespmem:s16+$0xFFFFFFC0] =	vst v28;
	v28 =	vmul.f32 v29, v44  }
0x230: {  	v43 =	vbroadcast v19, $0x4;
	v29 =	vld [tilespmem:s4+$0xFFFFFEC0];
	v32 =	vpack.i.f32.bf16 v33, v32;
	v26 =	vmul.f32 v26, v48  }
0x231: {  	v45 =	vbroadcast v19, $0x5;
	v44 =	vld [tilespmem:s4+$0xFFFFFED0];
	[tilespmem:s16+$0x10] =	vst v32;
	v32 =	vmul.f32 v36, v39  }
0x232: {  	v39 =	vbroadcast v20, $0x4;
	v36 =	vld [tilespmem:s4+$0xFFFFFF40];
	v26 =	vpack.i.f32.bf16 v26, v28;
	v28 =	vmul.f32 v40, v30  }
0x233: {  	v46 =	vbroadcast v20, $0x5;
	v47 =	vbroadcast v21, $0x4;
	v40 =	vld [tilespmem:s4+$0xFFFFFF50];
	[tilespmem:s16+$0x60] =	vst v26  }
0x234: {  	v33 =	vbroadcast v21, $0x5;
	v26 =	vld [tilespmem:s4+$0xFFFFFFC0];
	v30 =	vpack.i.f32.bf16 v28, v32;
	v28 =	vbroadcast v22, $0x4  }
0x235: {  	v31 =	vmul.f32 v31, v38;
	v38 =	vld [tilespmem:s4+$0xFFFFFFD0];
	[tilespmem:s16+$0xB0] =	vst v30;
	v30 =	vbroadcast v22, $0x5  }
0x236: {  	v27 =	vmul.f32 v27, v41;
	v34 =	vmul.f32 v29, v34;
	v41 =	vld [tilespmem:s4+$0x40]  }
0x237: {  	v37 =	vmul.f32 v44, v37;
	v36 =	vmul.f32 v36, v42;
	v42 =	vld [tilespmem:s4+$0x50]  }
0x238: {  	v32 =	vbroadcast v25, $0x6;
	v27 =	vpack.i.f32.bf16 v27, v31;
	v31 =	vmul.f32 v40, v35;
	v40 =	vld [tilespmem:s4+$0xC0]  }
.Ltmp1:
0x239: {  	v29 =	vbroadcast v25, $0x7;
	v25 =	vpack.i.f32.bf16 v37, v34;
	[tilespmem:s16+$0xFFFFFEE0] =	vst v27;
	v27 =	vmul.f32 v26, v43;
	v35 =	vld [tilespmem:s4+$0xD0];
	(pc) =	sbr.rel @p0 .LBB2_5-.Ltmp1, $4  }
0x23a: {  	[tilespmem:s16+$0xFFFFFF30] =	vst v25;
	v25 =	vbroadcast v23, $0x6;
	v26 =	vpack.i.f32.bf16 v31, v36;
	v31 =	vmul.f32 v38, v45;
	v36 =	vld [tilespmem:s4+$0x140]  }
0x23b: {  	v23 =	vbroadcast v23, $0x7;
	[tilespmem:s16+$0xFFFFFF80] =	vst v26;
	v38 =	vmul.f32 v41, v39;
	v37 =	vld [tilespmem:s4+$0x150]  }
0x23c: {  	v26 =	vbroadcast v24, $0x6;
	v34 =	vld [tilespmem:s4+$0xFFFFFE60];
	v27 =	vpack.i.f32.bf16 v31, v27;
	v39 =	vmul.f32 v42, v46  }
0x23d: {  	s10 =	sadd.s32 $0x80, s10;
	v24 =	vbroadcast v24, $0x7;
	v31 =	vld [tilespmem:s4+$0xFFFFFE70];
	[tilespmem:s16+$0xFFFFFFD0] =	vst v27;
	v27 =	vmul.f32 v40, v47  }
0x23e: {  	v40 =	vbroadcast v19, $0x6;
	v33 =	vmul.f32 v35, v33;
	v57 =	vld [tilespmem:s4+$0xFFFFFEE0]  }
0x23f: {  	v19 =	vbroadcast v19, $0x7;
	v58 =	vld [tilespmem:s4+$0xFFFFFEF0];
	v41 =	vbroadcast v20, $0x6  }
0x240: {  	v59 =	vld [tilespmem:s4+$0xFFFFFF60];
	v60 =	vbroadcast v20, $0x7;
	v42 =	vbroadcast v21, $0x6  }
0x241: {  	v43 =	vld [tilespmem:s4+$0xFFFFFF70];
	v21 =	vbroadcast v21, $0x7;
	v0 =	vmul.f32 v9, v0  }
0x242: {  	v38 =	vpack.i.f32.bf16 v39, v38;
	v61 =	vld [tilespmem:s4+$0xFFFFFFE0];
	v1 =	vmul.f32 v10, v1;
	v3 =	vmul.f32 v12, v3  }
0x243: {  	v62 =	vld [tilespmem:s4+$0xFFFFFFF0];
	v2 =	vmul.f32 v11, v2;
	v4 =	vmul.f32 v13, v4;
	[tilespmem:s16+$0x20] =	vst v38;
	v27 =	vpack.i.f32.bf16 v33, v27  }
0x244: {  	v28 =	vmul.f32 v36, v28;
	v30 =	vmul.f32 v37, v30;
	v38 =	vld [tilespmem:s4+$0x60];
	v0 =	vpack.i.f32.bf16 v0, v15;
	[tilespmem:s16+$0x70] =	vst v27  }
0x245: {  	v6 =	vmul.f32 v14, v6;
	v5 =	vmul.f32 v16, v5;
	v44 =	vld [tilespmem:s4+$0x70];
	v1 =	vpack.i.f32.bf16 v3, v1;
	[tilespmem:s0+$0xFFFFFF90] =	vst v0  }
0x246: {  	v47 =	vmul.f32 v17, v7;
	v48 =	vmul.f32 v18, v8;
	[tilespmem:s0+$0xFFFFFFE0] =	vst v1;
	v63 =	vpack.i.f32.bf16 v30, v28;
	v45 =	vld [tilespmem:s5+$0xE0]  }
0x247: {  	v33 =	vbroadcast v22, $0x6;
	v49 =	vpack.i.f32.bf16 v4, v2;
	v32 =	vmul.f32 v34, v32;
	v46 =	vld [tilespmem:s5+$0xF0];
	[tilespmem:s16+$0xC0] =	vst v63  }
0x248: {  	v51 =	vpack.i.f32.bf16 v5, v6;
	[tilespmem:s0+$0x30] =	vst v49;
	v29 =	vmul.f32 v31, v29;
	v30 =	vbroadcast v22, $0x7;
	v50 =	vld [tilespmem:s5+$0x160]  }
0x249: {  	v3 =	vpack.i.f32.bf16 v48, v47;
	[tilespmem:s0+$0x80] =	vst v51;
	v52 =	vmul.f32 v57, v25;
	v53 =	vmul.f32 v58, v23;
	v54 =	vld [tilespmem:s5+$0x170]  }
0x24a: {  	[tilespmem:s0+$0xD0] =	vst v3;
	v55 =	vmul.f32 v59, v26;
	v56 =	vmul.f32 v43, v24;
	v39 =	vpack.i.f32.bf16 v29, v32  }
0x24b: {  	v57 =	vmul.f32 v61, v40;
	v58 =	vmul.f32 v62, v19;
	[tilespmem:s16+$0xFFFFFEF0] =	vst v39;
	v1 =	vpack.i.f32.bf16 v53, v52  }
0x24c: {  	v59 =	vmul.f32 v38, v41;
	v60 =	vmul.f32 v44, v60;
	v4 =	vpack.i.f32.bf16 v56, v55;
	[tilespmem:s16+$0xFFFFFF40] =	vst v1  }
0x24d: {  	v3 =	vpack.i.f32.bf16 v58, v57;
	[tilespmem:s16+$0xFFFFFF90] =	vst v4;
	v61 =	vmul.f32 v45, v42;
	v0 =	vmul.f32 v46, v21  }
0x24e: {  	[tilespmem:s16+$0xFFFFFFE0] =	vst v3;
	v1 =	vpack.i.f32.bf16 v60, v59;
	v2 =	vmul.f32 v50, v33;
	v62 =	vmul.f32 v54, v30  }
0x24f: {  	s30 =	sadd.s32 $0x1, s30;
	[tilespmem:s16+$0x30] =	vst v1;
	v0 =	vpack.i.f32.bf16 v0, v61  }
0x250: {  	p0 =	sne.s32 s30, $0x3E;
	[tilespmem:s16+$0x80] =	vst v0;
	v63 =	vpack.i.f32.bf16 v62, v2  }
.Ltmp2:
0x251: {  	[tilespmem:s16+$0xD0] =	vst v63;
	(pc) =	sbr.rel @p0 .LBB2_2-.Ltmp2, $4  }
0x252: {  	[spmem:s3] =	stream.indirect.scatter.add.bf16 [tilespmem:s25], [sflag:$0x3], $0x50, s31, s17, $0xb8;
	[tilespmem:$0x19320] =	vst v63  }
0x253: {  	_ =	swait.ge [sflag:s14], $0x1900  }
0x254: {  	[sflag:s14] =	ssyncset.done $0x0  }
0x255: {  	[sflag:s14] =	ssyncadd.s32 $0xFFFFE700  }
0x256: {  	_ =	swait.ge [sflag:s24], $0x500  }
0x257: {  	[sflag:s24] =	ssyncset.done $0x0  }
0x258: {  	[sflag:s24] =	ssyncadd.s32 $0xFFFFFB00  }
0x259: {  	_ =	swait.ge [sflag:s24], $0x500  }
0x25a: {  	[sflag:s24] =	ssyncset.done $0x0  }
0x25b: {  	[sflag:s24] =	ssyncadd.s32 $0xFFFFFB00  }
0x25c: {  	_ =	swait.ge [sflag:s24], $0x2800  }
0x25d: {  	[sflag:s24] =	ssyncset.done $0x0  }
0x25e: {  	s0 =	simm.s32 $0x11660;
	[sflag:s24] =	ssyncadd.s32 $0xFFFFD800  }
0x25f: {  	s1 =	simm.s32 $0x11B60;
	v0 =	vld [tilespmem:s0+$0x30]  }
0x260: {  	v1 =	vld [tilespmem:s1+$0x30]  }
0x261: {  	v3 =	vld [tilespmem:s0+$0xFFFFFFD0]  }
0x262: {  	v4 =	vld [tilespmem:s1+$0xFFFFFFD0]  }
0x263: {  	v5 =	vld [tilespmem:s0+$0xFFFFFFE0]  }
0x264: {  	v6 =	vld [tilespmem:s1+$0xFFFFFFE0]  }
0x265: {  	v7 =	vld [tilespmem:s1+$0xFFFFFFF0]  }
0x266: {  	v9 =	vld [tilespmem:s0+$0x0]  }
0x267: {  	v10 =	vld [tilespmem:s1+$0x0]  }
0x268: {  	v0 =	vadd.f32 v1, v0;
	v1 =	vld [tilespmem:s0+$0xFFFFFFF0]  }
0x269: {  	v3 =	vadd.f32 v4, v3;
	v4 =	vld [tilespmem:s0+$0x10]  }
0x26a: {  	v5 =	vadd.f32 v6, v5;
	v6 =	vld [tilespmem:s1+$0x10]  }
0x26b: {  	v8 =	vmul.f32 $2.000000030e-01, v0;
	_ =	sdelay $0x1  }
0x26c: {  	v2 =	vld [tilespmem:s1+$0xFFFFFFC0];
	v0 =	vmax.f32 v0, v8  }
0x26d: {  	v11 =	vld [tilespmem:s0+$0x20];
	v9 =	vadd.f32 v10, v9;
	v8 =	vmul.f32 $2.000000030e-01, v3;
	v0 =	vmul.f32 $1.442695020e+00, v0  }
0x26e: {  	v1 =	vadd.f32 v7, v1;
	v7 =	vld [tilespmem:s1+$0x20];
	v4 =	vadd.f32 v6, v4  }
0x26f: {  	v3 =	vmax.f32 v3, v8;
	v8 =	vld [tilespmem:s0+$0xFFFFFFC0];
	(erf) = vpow2.f32 v0;
	v0 =	vmul.f32 $2.000000030e-01, v5  }
0x270: {  	v10 =	vmul.f32 $2.000000030e-01, v9;
	v3 =	vmul.f32 $1.442695020e+00, v3  }
0x271: {  	v6 =	vmul.f32 $2.000000030e-01, v4;
	v0 =	vmax.f32 v5, v0;
	v5 =	vmul.f32 $2.000000030e-01, v1  }
0x272: {  	(erf) = vpow2.f32 v3;
	v0 =	vmul.f32 $1.442695020e+00, v0  }
0x273: {  	v3 =	vmax.f32 v9, v10;
	v1 =	vmax.f32 v1, v5;
	v5 =	vadd.f32 v7, v11  }
0x274: {  	v2 =	vadd.f32 v2, v8;
	v1 =	vmul.f32 $1.442695020e+00, v1;
	(erf) = vpow2.f32 v0  }
0x275: {  	v0 =	vmul.f32 $1.442695020e+00, v3;
	v3 =	vmul.f32 $2.000000030e-01, v5  }
0x276: {  	(erf) = vpow2.f32 v1;
	v1 =	vmul.f32 $2.000000030e-01, v2  }
0x277: {  	v4 =	vmax.f32 v4, v6;
	v3 =	vmax.f32 v5, v3  }
0x278: {  	v6 =	vpop (erf);
	(erf) = vpow2.f32 v0;
	v0 =	vmax.f32 v2, v1;
	v1 =	vmul.f32 $1.442695020e+00, v3  }
0x279: {  	s0 =	simm.s32 $0x17B60;
	v4 =	vmul.f32 $1.442695020e+00, v4;
	v5 =	vpack.i.f32.bf16 v6, v6  }
0x27a: {  	s5 =	simm.s32 $0x12220;
	[tilespmem:s0+$0x130] =	vst v5  }
0x27b: {  	(erf) = vpow2.f32 v4;
	v0 =	vmul.f32 $1.442695020e+00, v0;
	v3 =	vld [tilespmem:s5+$0x180]  }
0x27c: {  	(erf) = vpow2.f32 v1;
	v4 =	vld [tilespmem:s5+$0x190];
	v1 =	vpop (erf)  }
0x27d: {  	s1 =	simm.s32 $0x11BE0;
	(erf) = vpow2.f32 v0;
	v0 =	vpack.i.f32.bf16 v1, v1  }
0x27e: {  	v36 =	vld [tilespmem:s1+$0xFFFFFFD0]  }
0x27f: {  	v52 =	vld [tilespmem:s1+$0x0];
	v7 =	vbroadcast v6, $0x1;
	v5 =	vbroadcast v6, $0x0  }
0x280: {  	v53 =	vld [tilespmem:s1+$0x10];
	[tilespmem:s0+$0xFFFFFF50] =	vst v0;
	v0 =	vpop (erf)  }
0x281: {  	v9 =	vld [tilespmem:s5+$0xFFFFFE80];
	v3 =	vmul.f32 v5, v3;
	v5 =	vmul.f32 v7, v4;
	v8 =	vpack.i.f32.bf16 v0, v0  }
0x282: {  	v10 =	vld [tilespmem:s5+$0xFFFFFE90];
	v2 =	vpop (erf);
	[tilespmem:s0+$0xFFFFFFA0] =	vst v8  }
0x283: {  	v22 =	vbroadcast v6, $0x2;
	v4 =	vpack.i.f32.bf16 v2, v2;
	v3 =	vpack.i.f32.bf16 v5, v3;
	v7 =	vld [tilespmem:s5+$0xFFFFFF00]  }
0x284: {  	v23 =	vbroadcast v6, $0x3;
	v16 =	vbroadcast v1, $0x0;
	v11 =	vld [tilespmem:s5+$0xFFFFFF10];
	[tilespmem:s0+$0xF0] =	vst v3  }
0x285: {  	v17 =	vbroadcast v1, $0x1;
	v19 =	vbroadcast v0, $0x0;
	v13 =	vld [tilespmem:s5+$0x1A0]  }
0x286: {  	v20 =	vbroadcast v0, $0x1;
	v37 =	vbroadcast v0, $0x6;
	[tilespmem:s0+$0xFFFFFFF0] =	vst v4;
	v15 =	vld [tilespmem:s5+$0x1B0];
	v4 =	vpop (erf)  }
0x287: {  	v24 =	vbroadcast v2, $0x0;
	v25 =	vbroadcast v2, $0x1;
	v12 =	vld [tilespmem:s5+$0xFFFFFF80];
	v5 =	vpop (erf);
	v14 =	vpack.i.f32.bf16 v4, v4  }
0x288: {  	v18 =	vld [tilespmem:s5+$0xFFFFFF90];
	v9 =	vmul.f32 v16, v9;
	v10 =	vmul.f32 v17, v10;
	v8 =	vpop (erf);
	[tilespmem:s0+$0x40] =	vst v14;
	v26 =	vpack.i.f32.bf16 v5, v5  }
0x289: {  	v3 =	vpop (erf);
	[tilespmem:s0+$0x90] =	vst v26;
	v26 =	vld [tilespmem:s5+$0x10];
	v7 =	vmul.f32 v19, v7;
	v11 =	vmul.f32 v20, v11  }
0x28a: {  	v19 =	vbroadcast v6, $0x4;
	v20 =	vbroadcast v6, $0x5;
	v14 =	vpack.i.f32.bf16 v3, v3;
	v29 =	vld [tilespmem:s5+$0x80]  }
0x28b: {  	v13 =	vmul.f32 v13, v22;
	v15 =	vmul.f32 v15, v23;
	[tilespmem:s0+$0xFFFFFF00] =	vst v14;
	v14 =	vld [tilespmem:s5+$0x0]  }
0x28c: {  	v28 =	vpack.i.f32.bf16 v8, v8;
	v32 =	vbroadcast v8, $0x5;
	v22 =	vbroadcast v4, $0x0;
	v21 =	vld [tilespmem:s5+$0xFFFFFE00]  }
0x28d: {  	v23 =	vbroadcast v4, $0x1;
	v30 =	vbroadcast v3, $0x0;
	[tilespmem:s0+$0xE0] =	vst v28;
	v27 =	vld [tilespmem:s5+$0xFFFFFE10];
	v13 =	vpack.i.f32.bf16 v15, v13  }
0x28e: {  	v31 =	vbroadcast v3, $0x1;
	v28 =	vld [tilespmem:s5+$0x90];
	v12 =	vmul.f32 v24, v12;
	[tilespmem:s0+$0x100] =	vst v13  }
0x28f: {  	v34 =	vbroadcast v3, $0x7;
	v7 =	vpack.i.f32.bf16 v11, v7;
	v11 =	vmul.f32 v25, v18;
	v17 =	vld [tilespmem:s5+$0x1C0]  }
0x290: {  	v9 =	vpack.i.f32.bf16 v10, v9;
	v25 =	vbroadcast v0, $0x3;
	v10 =	vld [tilespmem:s5+$0x1D0];
	v23 =	vmul.f32 v23, v26  }
0x291: {  	[tilespmem:s0+$0xFFFFFF10] =	vst v9;
	v15 =	vld [tilespmem:s5+$0x100];
	v14 =	vmul.f32 v22, v14;
	v22 =	vbroadcast v1, $0x2  }
0x292: {  	[tilespmem:s0+$0xFFFFFF60] =	vst v7;
	v7 =	vld [tilespmem:s5+$0xFFFFFEB0];
	v13 =	vmul.f32 v30, v21;
	v16 =	vmul.f32 v31, v27  }
0x293: {  	v11 =	vpack.i.f32.bf16 v11, v12;
	v12 =	vld [tilespmem:s5+$0xFFFFFF20];
	v21 =	vbroadcast v5, $0x0;
	v27 =	vbroadcast v5, $0x1  }
0x294: {  	[tilespmem:s0+$0xFFFFFFB0] =	vst v11;
	v11 =	vld [tilespmem:s5+$0xFFFFFF30];
	v30 =	vbroadcast v8, $0x0;
	v31 =	vbroadcast v8, $0x1  }
0x295: {  	v24 =	vld [tilespmem:s5+$0xFFFFFFA0];
	v14 =	vpack.i.f32.bf16 v23, v14;
	v17 =	vmul.f32 v17, v19;
	v10 =	vmul.f32 v10, v20  }
0x296: {  	v9 =	vpack.i.f32.bf16 v16, v13;
	v13 =	vld [tilespmem:s5+$0x110];
	v19 =	vbroadcast v3, $0x2;
	v20 =	vbroadcast v3, $0x3  }
0x297: {  	v21 =	vmul.f32 v21, v29;
	v23 =	vmul.f32 v27, v28;
	[tilespmem:s0+$0x0] =	vst v14;
	v29 =	vld [tilespmem:s5+$0xFFFFFFB0]  }
0x298: {  	v28 =	vbroadcast v2, $0x2;
	v14 =	vbroadcast v2, $0x3;
	[tilespmem:s0+$0xFFFFFEC0] =	vst v9;
	v9 =	vld [tilespmem:s5+$0xFFFFFEA0]  }
0x299: {  	v15 =	vmul.f32 v30, v15;
	v30 =	vbroadcast v4, $0x3;
	v16 =	vld [tilespmem:s5+$0xFFFFFE20]  }
0x29a: {  	v11 =	vmul.f32 v11, v25;
	v25 =	vbroadcast v6, $0x6;
	v18 =	vld [tilespmem:s5+$0xFFFFFE30];
	v10 =	vpack.i.f32.bf16 v10, v17  }
0x29b: {  	v6 =	vbroadcast v6, $0x7;
	v17 =	vbroadcast v1, $0x3;
	v21 =	vpack.i.f32.bf16 v23, v21;
	v23 =	vld [tilespmem:s5+$0x20];
	[tilespmem:s0+$0x110] =	vst v10  }
0x29c: {  	v10 =	vbroadcast v0, $0x2;
	[tilespmem:s0+$0x50] =	vst v21;
	v21 =	vbroadcast v4, $0x2;
	v26 =	vld [tilespmem:s5+$0x1E0]  }
0x29d: {  	v27 =	vld [tilespmem:s5+$0x1F0];
	v7 =	vmul.f32 v7, v17;
	v13 =	vmul.f32 v31, v13  }
0x29e: {  	v31 =	vld [tilespmem:s5+$0x30];
	v10 =	vmul.f32 v12, v10;
	v9 =	vmul.f32 v9, v22  }
0x29f: {  	v13 =	vpack.i.f32.bf16 v13, v15;
	v15 =	vmul.f32 v16, v19;
	v16 =	vmul.f32 v18, v20;
	v18 =	vld [tilespmem:s5+$0xA0]  }
0x2a0: {  	v17 =	vbroadcast v8, $0x2;
	v12 =	vbroadcast v3, $0x4;
	v10 =	vpack.i.f32.bf16 v11, v10;
	[tilespmem:s0+$0xA0] =	vst v13;
	v13 =	vld [tilespmem:s5+$0xB0]  }
0x2a1: {  	v14 =	vmul.f32 v29, v14;
	v7 =	vpack.i.f32.bf16 v7, v9;
	[tilespmem:s0+$0xFFFFFF70] =	vst v10;
	v15 =	vpack.i.f32.bf16 v16, v15;
	v16 =	vld [tilespmem:s5+$0x120]  }
0x2a2: {  	v11 =	vmul.f32 v24, v28;
	[tilespmem:s0+$0xFFFFFF20] =	vst v7;
	v24 =	vmul.f32 v27, v6;
	v6 =	vld [tilespmem:s5+$0xFFFFFF50]  }
0x2a3: {  	v29 =	vbroadcast v3, $0x5;
	v22 =	vbroadcast v8, $0x3;
	[tilespmem:s0+$0xFFFFFED0] =	vst v15;
	v15 =	vld [tilespmem:s5+$0x130]  }
0x2a4: {  	v19 =	vbroadcast v5, $0x2;
	v20 =	vbroadcast v5, $0x3;
	v28 =	vld [tilespmem:s5+$0xFFFFFEC0]  }
0x2a5: {  	v21 =	vmul.f32 v23, v21;
	v23 =	vmul.f32 v26, v25;
	v10 =	vld [tilespmem:s5+$0xFFFFFED0]  }
0x2a6: {  	v11 =	vpack.i.f32.bf16 v14, v11;
	v25 =	vbroadcast v4, $0x4;
	v14 =	vmul.f32 v31, v30;
	v30 =	vld [tilespmem:s5+$0xFFFFFF40]  }
0x2a7: {  	v26 =	vbroadcast v4, $0x5;
	v27 =	vbroadcast v5, $0x4;
	v9 =	vld [tilespmem:s5+$0xFFFFFE40]  }
0x2a8: {  	[tilespmem:s0+$0xFFFFFFC0] =	vst v11;
	v31 =	vbroadcast v8, $0x4;
	v7 =	vld [tilespmem:s5+$0xFFFFFE50];
	v11 =	vmul.f32 v18, v19  }
0x2a9: {  	v14 =	vpack.i.f32.bf16 v14, v21;
	v18 =	vld [tilespmem:s5+$0xFFFFFFC0];
	v19 =	vbroadcast v1, $0x4;
	v21 =	vbroadcast v0, $0x5  }
0x2aa: {  	s4 =	simm.s32 $0x116E0;
	v13 =	vmul.f32 v13, v20;
	v20 =	vbroadcast v1, $0x5;
	[tilespmem:s0+$0x10] =	vst v14;
	v14 =	vld [tilespmem:s5+$0xFFFFFFD0]  }
0x2ab: {  	v16 =	vmul.f32 v16, v17;
	v21 =	vmul.f32 v6, v21;
	v6 =	vld [tilespmem:s4+$0xFFFFFFD0]  }
0x2ac: {  	v17 =	vbroadcast v0, $0x4;
	v11 =	vpack.i.f32.bf16 v13, v11;
	v13 =	vmul.f32 v15, v22;
	v15 =	vld [tilespmem:s5+$0x40]  }
0x2ad: {  	v0 =	vbroadcast v0, $0x7;
	v10 =	vmul.f32 v10, v20;
	v20 =	vld [tilespmem:s4+$0x30]  }
0x2ae: {  	v22 =	vbroadcast v2, $0x5;
	v19 =	vmul.f32 v28, v19;
	[tilespmem:s0+$0x60] =	vst v11;
	v11 =	vld [tilespmem:s5+$0x50]  }
0x2af: {  	v28 =	vbroadcast v3, $0x6;
	v17 =	vmul.f32 v30, v17;
	v30 =	vld [tilespmem:s1+$0x30]  }
0x2b0: {  	v9 =	vmul.f32 v9, v12;
	v7 =	vmul.f32 v7, v29;
	v13 =	vpack.i.f32.bf16 v13, v16;
	v12 =	vld [tilespmem:s5+$0xC0]  }
0x2b1: {  	v3 =	vbroadcast v2, $0x7;
	v16 =	vbroadcast v2, $0x4;
	[tilespmem:s0+$0xB0] =	vst v13;
	v13 =	vld [tilespmem:s5+$0xD0]  }
0x2b2: {  	v29 =	vbroadcast v5, $0x5;
	v7 =	vpack.i.f32.bf16 v7, v9;
	v14 =	vmul.f32 v14, v22;
	v9 =	vld [tilespmem:s5+$0x140]  }
0x2b3: {  	v22 =	vbroadcast v1, $0x7;
	[tilespmem:s0+$0xFFFFFEE0] =	vst v7;
	v7 =	vld [tilespmem:s5+$0x150];
	v16 =	vmul.f32 v18, v16  }
0x2b4: {  	v18 =	vbroadcast v1, $0x6;
	v15 =	vmul.f32 v15, v25;
	v25 =	vld [tilespmem:s4+$0xFFFFFFE0]  }
0x2b5: {  	v1 =	vbroadcast v2, $0x6;
	v11 =	vmul.f32 v11, v26;
	v26 =	vld [tilespmem:s1+$0xFFFFFFE0];
	v20 =	vadd.f32 v30, v20  }
0x2b6: {  	v2 =	vbroadcast v4, $0x6;
	v4 =	vbroadcast v4, $0x7;
	v33 =	vld [tilespmem:s5+$0xFFFFFE60]  }
0x2b7: {  	v27 =	vmul.f32 v12, v27;
	v12 =	vld [tilespmem:s4+$0xFFFFFFF0];
	v30 =	vmul.f32 $2.000000030e-01, v20  }
0x2b8: {  	v10 =	vpack.i.f32.bf16 v10, v19;
	v29 =	vmul.f32 v13, v29;
	v13 =	vld [tilespmem:s1+$0xFFFFFFF0];
	v19 =	vmul.f32 v9, v31  }
0x2b9: {  	v9 =	vld [tilespmem:s4+$0x0];
	v31 =	vmul.f32 v7, v32;
	v7 =	vmax.f32 v20, v30;
	v20 =	vadd.f32 v36, v6  }
0x2ba: {  	v30 =	vld [tilespmem:s4+$0x10];
	v6 =	vbroadcast v5, $0x6;
	v7 =	vmul.f32 $1.442695020e+00, v7;
	v26 =	vadd.f32 v26, v25  }
0x2bb: {  	v38 =	vld [tilespmem:s4+$0x20];
	v17 =	vpack.i.f32.bf16 v21, v17;
	v5 =	vbroadcast v5, $0x7;
	v21 =	vmul.f32 $2.000000030e-01, v20  }
0x2bc: {  	v35 =	vld [tilespmem:s1+$0xFFFFFFC0];
	v14 =	vpack.i.f32.bf16 v14, v16;
	(erf) = vpow2.f32 v7;
	v39 =	vmul.f32 $2.000000030e-01, v26  }
0x2bd: {  	v25 =	vmul.f32 v33, v28;
	v7 =	vbroadcast v8, $0x6;
	v12 =	vadd.f32 v13, v12;
	v13 =	vld [tilespmem:s1+$0x20]  }
0x2be: {  	[tilespmem:s0+$0xFFFFFF30] =	vst v10;
	v20 =	vmax.f32 v20, v21;
	v21 =	vld [tilespmem:s4+$0xFFFFFFC0];
	v9 =	vadd.f32 v52, v9;
	v10 =	vmax.f32 v26, v39  }
0x2bf: {  	[tilespmem:s0+$0xFFFFFF80] =	vst v17;
	v54 =	vld [tilespmem:s5+$0xFFFFFEF0];
	v26 =	vmul.f32 $2.000000030e-01, v12;
	v20 =	vmul.f32 $1.442695020e+00, v20;
	v17 =	vadd.f32 v53, v30  }
0x2c0: {  	v16 =	vld [tilespmem:s5+$0xFFFFFEE0];
	v11 =	vpack.i.f32.bf16 v11, v15;
	v10 =	vmul.f32 $1.442695020e+00, v10;
	v32 =	vmul.f32 $2.000000030e-01, v9  }
0x2c1: {  	[tilespmem:s0+$0xFFFFFFD0] =	vst v14;
	v28 =	vld [tilespmem:s5+$0xFFFFFE70];
	v12 =	vmax.f32 v12, v26;
	(erf) = vpow2.f32 v20;
	v14 =	vmul.f32 $2.000000030e-01, v17  }
0x2c2: {  	v20 =	vld [tilespmem:s5+$0xFFFFFF60];
	v12 =	vmul.f32 $1.442695020e+00, v12;
	v26 =	vmax.f32 v9, v32;
	v13 =	vadd.f32 v13, v38  }
0x2c3: {  	v9 =	vld [tilespmem:s5+$0xFFFFFF70];
	(erf) = vpow2.f32 v10;
	v21 =	vadd.f32 v35, v21;
	v15 =	vmul.f32 $1.442695020e+00, v26  }
0x2c4: {  	[tilespmem:s0+$0x20] =	vst v11;
	v10 =	vld [tilespmem:s5+$0xFFFFFFE0];
	v11 =	vmax.f32 v17, v14;
	v26 =	vmul.f32 $2.000000030e-01, v13;
	(erf) = vpow2.f32 v12  }
0x2c5: {  	v12 =	vld [tilespmem:s5+$0xFFFFFFF0];
	v17 =	vmul.f32 $1.442695020e+00, v11;
	v14 =	vmul.f32 $2.000000030e-01, v21;
	v32 =	vpop (erf)  }
0x2c6: {  	s16 =	simm.s32 $0x17DE0;
	v8 =	vbroadcast v8, $0x7;
	v11 =	vld [tilespmem:s5+$0x60];
	(erf) = vpow2.f32 v15;
	v30 =	vpack.i.f32.bf16 v32, v32  }
0x2c7: {  	s4 =	simm.s32 $0x12620;
	v26 =	vmax.f32 v13, v26;
	v13 =	vld [tilespmem:s5+$0x70];
	(erf) = vpow2.f32 v17;
	v14 =	vmax.f32 v21, v14;
	[tilespmem:s16+$0x130] =	vst v30  }
0x2c8: {  	v15 =	vmul.f32 $1.442695020e+00, v26;
	v21 =	vpack.i.f32.bf16 v29, v27;
	v29 =	vmul.f32 v54, v22;
	v55 =	vld [tilespmem:s4+$0x180]  }
0x2c9: {  	v22 =	vbroadcast v32, $0x1;
	v63 =	vbroadcast v32, $0x2;
	[tilespmem:s0+$0x70] =	vst v21;
	v21 =	vld [tilespmem:s4+$0x190]  }
0x2ca: {  	v17 =	vmul.f32 $1.442695020e+00, v14;
	(erf) = vpow2.f32 v15;
	v15 =	vpack.i.f32.bf16 v31, v19;
	v14 =	vld [tilespmem:s5+$0xE0];
	v26 =	vpop (erf)  }
0x2cb: {  	v30 =	vmul.f32 v28, v34;
	v28 =	vmul.f32 v16, v18;
	v16 =	vld [tilespmem:s5+$0xF0];
	[tilespmem:s0+$0xC0] =	vst v15;
	v15 =	vpack.i.f32.bf16 v26, v26  }
0x2cc: {  	v18 =	vbroadcast v32, $0x0;
	(erf) = vpow2.f32 v17;
	v17 =	vld [tilespmem:s5+$0x160];
	v27 =	vpop (erf);
	[tilespmem:s16+$0xFFFFFF50] =	vst v15  }
0x2cd: {  	v31 =	vbroadcast v26, $0x0;
	v15 =	vmul.f32 v20, v37;
	v20 =	vpack.i.f32.bf16 v27, v27;
	v56 =	vld [tilespmem:s4+$0xFFFFFE80];
	v19 =	vpop (erf)  }
0x2ce: {  	v58 =	vbroadcast v26, $0x1;
	v59 =	vbroadcast v27, $0x0;
	v57 =	vld [tilespmem:s4+$0xFFFFFE90];
	[tilespmem:s16+$0xFFFFFFA0] =	vst v20;
	v20 =	vpack.i.f32.bf16 v19, v19  }
0x2cf: {  	v18 =	vmul.f32 v18, v55;
	v21 =	vmul.f32 v22, v21;
	v60 =	vld [tilespmem:s4+$0xFFFFFF00]  }
0x2d0: {  	v61 =	vbroadcast v27, $0x1;
	v62 =	vbroadcast v19, $0x0;
	v40 =	vld [tilespmem:s4+$0xFFFFFF10];
	[tilespmem:s16+$0xFFFFFFF0] =	vst v20  }
0x2d1: {  	v41 =	vbroadcast v19, $0x1;
	v55 =	vbroadcast v32, $0x3;
	v18 =	vpack.i.f32.bf16 v21, v18;
	v43 =	vld [tilespmem:s4+$0xFFFFFF80];
	v20 =	vpop (erf)  }
0x2d2: {  	v51 =	vld [tilespmem:s4+$0xFFFFFF90];
	[tilespmem:s16+$0xF0] =	vst v18;
	v42 =	vbroadcast v20, $0x0;
	v44 =	vbroadcast v20, $0x1  }
0x2d3: {  	v21 =	vpop (erf);
	v46 =	vld [tilespmem:s4+$0x1A0];
	v18 =	vpack.i.f32.bf16 v20, v20;
	v33 =	vmul.f32 v31, v56;
	v34 =	vmul.f32 v58, v57  }
0x2d4: {  	v48 =	vld [tilespmem:s4+$0x1B0];
	v45 =	vbroadcast v21, $0x0;
	v47 =	vbroadcast v21, $0x1;
	[tilespmem:s16+$0x40] =	vst v18  }
0x2d5: {  	v22 =	vpop (erf);
	v35 =	vmul.f32 v59, v60;
	v57 =	vpack.i.f32.bf16 v21, v21;
	v38 =	vmul.f32 v61, v40;
	v54 =	vld [tilespmem:s4+$0x0]  }
0x2d6: {  	v29 =	vpack.i.f32.bf16 v29, v28;
	v49 =	vbroadcast v22, $0x0;
	v50 =	vbroadcast v22, $0x1;
	[tilespmem:s16+$0x90] =	vst v57;
	v40 =	vld [tilespmem:s4+$0x10]  }
0x2d7: {  	v31 =	vpop (erf);
	v60 =	vpack.i.f32.bf16 v22, v22;
	v33 =	vpack.i.f32.bf16 v34, v33;
	v34 =	vbroadcast v19, $0x2;
	v61 =	vld [tilespmem:s4+$0x80]  }
0x2d8: {  	v28 =	vbroadcast v22, $0x4;
	v18 =	vpack.i.f32.bf16 v31, v31;
	v39 =	vmul.f32 v62, v43;
	[tilespmem:s16+$0xE0] =	vst v60;
	v62 =	vld [tilespmem:s4+$0x90]  }
0x2d9: {  	v25 =	vpack.i.f32.bf16 v30, v25;
	v30 =	vbroadcast v22, $0x5;
	v52 =	vbroadcast v31, $0x0;
	[tilespmem:s16+$0xFFFFFF00] =	vst v18;
	v43 =	vld [tilespmem:s4+$0x100]  }
0x2da: {  	v53 =	vbroadcast v31, $0x1;
	v41 =	vmul.f32 v41, v51;
	v36 =	vld [tilespmem:s4+$0xFFFFFE00]  }
0x2db: {  	v56 =	vld [tilespmem:s4+$0xFFFFFE10];
	v37 =	vmul.f32 v46, v63;
	v59 =	vmul.f32 v48, v55  }
0x2dc: {  	[tilespmem:s16+$0xFFFFFF10] =	vst v33;
	v60 =	vbroadcast v32, $0x4;
	v35 =	vpack.i.f32.bf16 v38, v35;
	v51 =	vld [tilespmem:s4+$0x110];
	v48 =	vbroadcast v31, $0x2  }
0x2dd: {  	[tilespmem:s16+$0xFFFFFF60] =	vst v35;
	v58 =	vld [tilespmem:s4+$0xFFFFFEB0];
	v46 =	vbroadcast v31, $0x3;
	v42 =	vmul.f32 v42, v54;
	v37 =	vpack.i.f32.bf16 v59, v37  }
0x2de: {  	v40 =	vmul.f32 v44, v40;
	v59 =	vld [tilespmem:s4+$0xFFFFFF20];
	v54 =	vbroadcast v20, $0x2;
	[tilespmem:s16+$0x100] =	vst v37  }
0x2df: {  	v39 =	vpack.i.f32.bf16 v41, v39;
	v37 =	vbroadcast v27, $0x3;
	v45 =	vmul.f32 v45, v61;
	v55 =	vld [tilespmem:s4+$0x1C0]  }
0x2e0: {  	[tilespmem:s16+$0xFFFFFFB0] =	vst v39;
	v44 =	vld [tilespmem:s4+$0x1D0];
	v36 =	vmul.f32 v52, v36;
	v63 =	vmul.f32 v53, v56  }
0x2e1: {  	v57 =	vld [tilespmem:s4+$0xFFFFFFB0];
	v61 =	vbroadcast v32, $0x5;
	v40 =	vpack.i.f32.bf16 v40, v42;
	v53 =	vbroadcast v26, $0x3  }
0x2e2: {  	v43 =	vmul.f32 v49, v43;
	v49 =	vbroadcast v19, $0x3;
	[tilespmem:s16+$0x0] =	vst v40;
	v36 =	vpack.i.f32.bf16 v63, v36;
	v63 =	vld [tilespmem:s4+$0xFFFFFEA0]  }
0x2e3: {  	v50 =	vmul.f32 v50, v51;
	v35 =	vmul.f32 v58, v53;
	v58 =	vld [tilespmem:s4+$0x20];
	[tilespmem:s16+$0xFFFFFEC0] =	vst v36  }
0x2e4: {  	v51 =	vbroadcast v20, $0x3;
	v36 =	vmul.f32 v47, v62;
	v47 =	vld [tilespmem:s4+$0xFFFFFE20]  }
0x2e5: {  	v62 =	vld [tilespmem:s4+$0xFFFFFE30];
	v33 =	vmul.f32 v55, v60;
	v44 =	vmul.f32 v44, v61  }
0x2e6: {  	v42 =	vbroadcast v22, $0x2;
	v52 =	vbroadcast v26, $0x2;
	v43 =	vpack.i.f32.bf16 v50, v43;
	v60 =	vld [tilespmem:s4+$0xFFFFFF30]  }
0x2e7: {  	v56 =	vbroadcast v27, $0x2;
	v40 =	vbroadcast v22, $0x3;
	[tilespmem:s16+$0xA0] =	vst v43;
	v61 =	vld [tilespmem:s4+$0xFFFFFFA0];
	v33 =	vpack.i.f32.bf16 v44, v33  }
0x2e8: {  	v50 =	vbroadcast v27, $0x5;
	v49 =	vmul.f32 v57, v49;
	v57 =	vld [tilespmem:s4+$0x130];
	[tilespmem:s16+$0x110] =	vst v33  }
0x2e9: {  	v41 =	vmul.f32 v59, v56;
	v38 =	vmul.f32 v63, v52;
	v63 =	vld [tilespmem:s4+$0x1F0]  }
0x2ea: {  	v59 =	vbroadcast v32, $0x6;
	v36 =	vpack.i.f32.bf16 v36, v45;
	v46 =	vmul.f32 v62, v46;
	v62 =	vld [tilespmem:s4+$0x1E0]  }
0x2eb: {  	[tilespmem:s16+$0x50] =	vst v36;
	v33 =	vmul.f32 v47, v48;
	v37 =	vmul.f32 v60, v37;
	v60 =	vld [tilespmem:s4+$0x30];
	v35 =	vpack.i.f32.bf16 v35, v38  }
0x2ec: {  	v23 =	vpack.i.f32.bf16 v24, v23;
	v32 =	vbroadcast v32, $0x7;
	v34 =	vmul.f32 v61, v34;
	v61 =	vld [tilespmem:s4+$0xA0];
	[tilespmem:s16+$0xFFFFFF20] =	vst v35  }
0x2ed: {  	[tilespmem:s0+$0x120] =	vst v23;
	v43 =	vbroadcast v31, $0x5;
	v56 =	vbroadcast v21, $0x4;
	v33 =	vpack.i.f32.bf16 v46, v33;
	v24 =	vld [tilespmem:s4+$0xFFFFFED0]  }
0x2ee: {  	v55 =	vbroadcast v26, $0x5;
	v37 =	vpack.i.f32.bf16 v37, v41;
	[tilespmem:s16+$0xFFFFFED0] =	vst v33;
	v32 =	vmul.f32 v63, v32;
	v63 =	vld [tilespmem:s4+$0x120]  }
0x2ef: {  	v44 =	vbroadcast v21, $0x2;
	v23 =	vpack.i.f32.bf16 v49, v34;
	v33 =	vmul.f32 v58, v54;
	[tilespmem:s16+$0xFFFFFF70] =	vst v37;
	v58 =	vld [tilespmem:s4+$0xFFFFFE40]  }
0x2f0: {  	v52 =	vbroadcast v19, $0x4;
	v39 =	vmul.f32 v57, v40;
	[tilespmem:s16+$0xFFFFFFC0] =	vst v23;
	v23 =	vld [tilespmem:s4+$0xFFFFFF50]  }
0x2f1: {  	v40 =	vbroadcast v20, $0x5;
	v45 =	vmul.f32 v62, v59;
	v62 =	vld [tilespmem:s4+$0xB0]  }
0x2f2: {  	v48 =	vbroadcast v21, $0x3;
	v47 =	vbroadcast v31, $0x4;
	v59 =	vld [tilespmem:s4+$0xFFFFFE50]  }
0x2f3: {  	v46 =	vbroadcast v26, $0x4;
	v36 =	vmul.f32 v60, v51;
	v60 =	vld [tilespmem:s4+$0xFFFFFEC0]  }
0x2f4: {  	v57 =	vld [tilespmem:s4+$0xFFFFFFC0];
	v51 =	vbroadcast v27, $0x4;
	v44 =	vmul.f32 v61, v44  }
0x2f5: {  	[tilespmem:s0+$0xFFFFFEF0] =	vst v25;
	v25 =	vpack.i.f32.bf16 v36, v33;
	v33 =	vbroadcast v21, $0x5;
	v38 =	vmul.f32 v58, v47;
	v58 =	vld [tilespmem:s4+$0xFFFFFFD0]  }
0x2f6: {  	v32 =	vpack.i.f32.bf16 v32, v45;
	v24 =	vmul.f32 v24, v55;
	[tilespmem:s16+$0x10] =	vst v25;
	v48 =	vmul.f32 v62, v48;
	v62 =	vld [tilespmem:s4+$0xFFFFFF40]  }
0x2f7: {  	[tilespmem:s16+$0x120] =	vst v32;
	v32 =	vbroadcast v31, $0x6;
	v25 =	vmul.f32 v59, v43;
	v59 =	vld [tilespmem:s4+$0x40]  }
0x2f8: {  	[tilespmem:s0+$0xFFFFFF40] =	vst v29;
	v61 =	vmul.f32 v63, v42;
	v41 =	vmul.f32 v60, v46;
	v60 =	vld [tilespmem:s4+$0x50];
	v29 =	vpack.i.f32.bf16 v48, v44  }
0x2f9: {  	v18 =	vld [tilespmem:s5+$0x170];
	v42 =	vbroadcast v19, $0x5;
	v63 =	vbroadcast v20, $0x4;
	v25 =	vpack.i.f32.bf16 v25, v38;
	[tilespmem:s16+$0x60] =	vst v29  }
0x2fa: {  	v23 =	vmul.f32 v23, v50;
	v29 =	vpack.i.f32.bf16 v39, v61;
	[tilespmem:s16+$0xFFFFFEE0] =	vst v25;
	v25 =	vbroadcast v26, $0x6;
	v61 =	vld [tilespmem:s4+$0xC0]  }
0x2fb: {  	[tilespmem:s16+$0xB0] =	vst v29;
	v29 =	vbroadcast v31, $0x7;
	v35 =	vld [tilespmem:s4+$0xD0];
	v34 =	vmul.f32 v62, v51  }
0x2fc: {  	v24 =	vpack.i.f32.bf16 v24, v41;
	v31 =	vmul.f32 v57, v52;
	v62 =	vmul.f32 v58, v42;
	v36 =	vld [tilespmem:s4+$0x140]  }
0x2fd: {  	[tilespmem:s16+$0xFFFFFF30] =	vst v24;
	v38 =	vmul.f32 v59, v63;
	v37 =	vld [tilespmem:s4+$0x150];
	v39 =	vmul.f32 v60, v40;
	v24 =	vpack.i.f32.bf16 v23, v34  }
0x2fe: {  	v23 =	vbroadcast v26, $0x7;
	v34 =	vld [tilespmem:s4+$0xFFFFFE60];
	v26 =	vbroadcast v27, $0x6;
	v63 =	vpack.i.f32.bf16 v62, v31;
	[tilespmem:s16+$0xFFFFFF80] =	vst v24  }
0x2ff: {  	s9 =	simm.s32 $0x8;
	s10 =	simm.s32 $0x11760;
	s5 =	simm.s32 $0x12620;
	v31 =	vld [tilespmem:s4+$0xFFFFFE70];
	v24 =	vbroadcast v27, $0x7;
	[tilespmem:s16+$0xFFFFFFD0] =	vst v63;
	v27 =	vmul.f32 v61, v56  }
.LBB2_8:
0x300: {  	v40 =	vld [tilespmem:s10+$0x30];
	v41 =	vbroadcast v19, $0x6;
	v38 =	vpack.i.f32.bf16 v39, v38;
	v33 =	vmul.f32 v35, v33;
	s1 =	sadd.s32 $0x80, s1  }
0x301: {  	v19 =	vbroadcast v19, $0x7;
	v35 =	vld [tilespmem:s1+$0x30];
	[tilespmem:s16+$0x20] =	vst v38;
	v28 =	vmul.f32 v36, v28  }
0x302: {  	v38 =	vbroadcast v20, $0x6;
	v36 =	vld [tilespmem:s1+$0xFFFFFFC0];
	v27 =	vpack.i.f32.bf16 v33, v27;
	v30 =	vmul.f32 v37, v30  }
0x303: {  	v20 =	vbroadcast v20, $0x7;
	v33 =	vld [tilespmem:s10+$0xFFFFFFD0];
	[tilespmem:s16+$0x70] =	vst v27;
	v27 =	vbroadcast v21, $0x6  }
0x304: {  	v21 =	vbroadcast v21, $0x7;
	v37 =	vld [tilespmem:s1+$0xFFFFFFD0];
	v28 =	vpack.i.f32.bf16 v30, v28;
	v30 =	vbroadcast v22, $0x6  }
0x305: {  	s9 =	sadd.s32 $0x8, s9;
	v32 =	vmul.f32 v34, v32;
	v22 =	vbroadcast v22, $0x7;
	v39 =	vld [tilespmem:s10+$0xFFFFFFE0];
	[tilespmem:s16+$0xC0] =	vst v28  }
0x306: {  	v9 =	vmul.f32 v9, v0;
	p0 =	slt.u32 s9, $0x48;
	v0 =	vmovc v24;
	v29 =	vmul.f32 v31, v29;
	v28 =	vld [tilespmem:s1+$0xFFFFFFE0];
	v34 =	vadd.f32 v35, v40  }
0x307: {  	v10 =	vmul.f32 v10, v1;
	v12 =	vmul.f32 v12, v3;
	v1 =	vmovc v41;
	v3 =	vmov v19;
	v24 =	vld [tilespmem:s10+$0xFFFFFFF0]  }
0x308: {  	v11 =	vmul.f32 v11, v2;
	v2 =	vmovc v38;
	v29 =	vpack.i.f32.bf16 v29, v32;
	v19 =	vld [tilespmem:s1+$0xFFFFFFF0];
	v31 =	vmul.f32 $2.000000030e-01, v34  }
0x309: {  	v13 =	vmul.f32 v13, v4;
	v14 =	vmul.f32 v14, v6;
	v32 =	vadd.f32 v37, v33;
	v33 =	vld [tilespmem:s10+$0x0];
	[tilespmem:s16+$0xFFFFFEF0] =	vst v29  }
0x30a: {  	v16 =	vmul.f32 v16, v5;
	v17 =	vmul.f32 v17, v7;
	v4 =	vmovc v20;
	v29 =	vld [tilespmem:s1+$0x0];
	v35 =	vmax.f32 v34, v31  }
0x30b: {  	v6 =	vmovc v27;
	v5 =	vmovc v21;
	v20 =	vmul.f32 $2.000000030e-01, v32;
	v28 =	vadd.f32 v28, v39;
	v31 =	vld [tilespmem:s10+$0x10];
	v34 =	vmul.f32 $1.442695020e+00, v35  }
0x30c: {  	v9 =	vpack.i.f32.bf16 v9, v15;
	v10 =	vpack.i.f32.bf16 v12, v10;
	v12 =	vmul.f32 v18, v8;
	v7 =	vmovc v30;
	v21 =	vld [tilespmem:s1+$0x10]  }
0x30d: {  	v8 =	vmovc v22;
	v15 =	vmul.f32 $2.000000030e-01, v28;
	v18 =	vadd.f32 v19, v24;
	v19 =	vld [tilespmem:s10+$0x20];
	(erf) = vpow2.f32 v34;
	[tilespmem:s0+$0xFFFFFF90] =	vst v9  }
0x30e: {  	v9 =	vmax.f32 v32, v20;
	v20 =	vld [tilespmem:s1+$0x20];
	[tilespmem:s0+$0xFFFFFFE0] =	vst v10;
	v10 =	vpack.i.f32.bf16 v13, v11;
	v11 =	vpack.i.f32.bf16 v16, v14  }
0x30f: {  	v13 =	vld [tilespmem:s10+$0xFFFFFFC0];
	v14 =	vmax.f32 v28, v15;
	v15 =	vmul.f32 $2.000000030e-01, v18;
	v16 =	vadd.f32 v29, v33;
	[tilespmem:s0+$0x30] =	vst v10  }
0x310: {  	v9 =	vmul.f32 $1.442695020e+00, v9;
	v10 =	vmul.f32 $1.442695020e+00, v14;
	v22 =	vld [tilespmem:s4+$0xFFFFFEE0];
	[tilespmem:s0+$0x80] =	vst v11;
	v11 =	vpack.i.f32.bf16 v12, v17  }
0x311: {  	v12 =	vmax.f32 v18, v15;
	v14 =	vmul.f32 $2.000000030e-01, v16;
	v15 =	vadd.f32 v21, v31;
	v17 =	vld [tilespmem:s4+$0xFFFFFEF0];
	[tilespmem:s0+$0xD0] =	vst v11;
	s0 =	smov.u32 s16  }
0x312: {  	v11 =	vmul.f32 $1.442695020e+00, v12;
	(erf) = vpow2.f32 v9;
	v18 =	vld [tilespmem:s4+$0xFFFFFF60]  }
0x313: {  	v12 =	vmax.f32 v16, v14;
	v14 =	vmul.f32 $2.000000030e-01, v15;
	v16 =	vadd.f32 v20, v19;
	v9 =	vld [tilespmem:s4+$0xFFFFFF70]  }
0x314: {  	v19 =	vadd.f32 v36, v13;
	v13 =	vmul.f32 $1.442695020e+00, v12;
	(erf) = vpow2.f32 v10;
	v10 =	vld [tilespmem:s4+$0xFFFFFFE0]  }
0x315: {  	v14 =	vmax.f32 v15, v14;
	v15 =	vmul.f32 $2.000000030e-01, v16;
	(erf) = vpow2.f32 v11;
	v12 =	vld [tilespmem:s4+$0xFFFFFFF0]  }
0x316: {  	v20 =	vmul.f32 $2.000000030e-01, v19;
	v14 =	vmul.f32 $1.442695020e+00, v14;
	v27 =	vpop (erf);
	v11 =	vld [tilespmem:s4+$0x60]  }
0x317: {  	s16 =	sadd.s32 $0x280, s16;
	v15 =	vmax.f32 v16, v15;
	v16 =	vpack.i.f32.bf16 v27, v27;
	(erf) = vpow2.f32 v13;
	v13 =	vld [tilespmem:s4+$0x70]  }
0x318: {  	s4 =	sadd.s32 $0x400, s4;
	v19 =	vmax.f32 v19, v20;
	v15 =	vmul.f32 $1.442695020e+00, v15;
	[tilespmem:s16+$0x130] =	vst v16;
	(erf) = vpow2.f32 v14;
	v14 =	vld [tilespmem:s5+$0xE0]  }
0x319: {  	v16 =	vmul.f32 $1.442695020e+00, v19;
	v20 =	vld [tilespmem:s4+$0x180];
	v19 =	vmul.f32 v22, v25  }
0x31a: {  	v22 =	vmul.f32 v17, v23;
	v21 =	vld [tilespmem:s4+$0x190];
	(erf) = vpow2.f32 v15  }
0x31b: {  	v15 =	vmul.f32 v18, v26;
	(erf) = vpow2.f32 v16;
	v23 =	vpop (erf);
	v16 =	vld [tilespmem:s5+$0xF0]  }
0x31c: {  	v18 =	vpack.i.f32.bf16 v23, v23;
	v25 =	vbroadcast v23, $0x0;
	v26 =	vbroadcast v23, $0x1;
	v17 =	vld [tilespmem:s5+$0x160]  }
0x31d: {  	v28 =	vbroadcast v27, $0x0;
	v29 =	vbroadcast v27, $0x1;
	v22 =	vpack.i.f32.bf16 v22, v19;
	[tilespmem:s16+$0xFFFFFF50] =	vst v18;
	v24 =	vpop (erf);
	v18 =	vld [tilespmem:s5+$0x170];
	s5 =	smov.u32 s4  }
0x31e: {  	v30 =	vld [tilespmem:s4+$0xFFFFFE80];
	v31 =	vpack.i.f32.bf16 v24, v24;
	v32 =	vbroadcast v24, $0x0;
	v33 =	vbroadcast v24, $0x1;
	v19 =	vpop (erf);
	[tilespmem:s0+$0xFFFFFF40] =	vst v22  }
0x31f: {  	v28 =	vmul.f32 v28, v20;
	v34 =	vld [tilespmem:s4+$0xFFFFFE90];
	[tilespmem:s16+$0xFFFFFFA0] =	vst v31;
	v22 =	vpack.i.f32.bf16 v19, v19;
	v38 =	vmul.f32 v29, v21  }
0x320: {  	v31 =	vbroadcast v19, $0x0;
	v35 =	vbroadcast v19, $0x1;
	v29 =	vld [tilespmem:s4+$0xFFFFFF00];
	[tilespmem:s16+$0xFFFFFFF0] =	vst v22;
	v20 =	vpop (erf)  }
0x321: {  	v36 =	vld [tilespmem:s4+$0xFFFFFF10];
	v43 =	vpack.i.f32.bf16 v20, v20;
	v37 =	vbroadcast v20, $0x0;
	v28 =	vpack.i.f32.bf16 v38, v28;
	v21 =	vpop (erf)  }
0x322: {  	v39 =	vbroadcast v20, $0x1;
	v38 =	vld [tilespmem:s4+$0xFFFFFF80];
	v40 =	vpack.i.f32.bf16 v21, v21;
	v41 =	vbroadcast v21, $0x0;
	[tilespmem:s16+$0xF0] =	vst v28  }
0x323: {  	v28 =	vmul.f32 v25, v30;
	[tilespmem:s16+$0x40] =	vst v43;
	v30 =	vbroadcast v21, $0x1;
	v42 =	vld [tilespmem:s4+$0x1A0];
	v22 =	vpop (erf)  }
0x324: {  	[tilespmem:s16+$0x90] =	vst v40;
	v40 =	vpack.i.f32.bf16 v22, v22;
	v43 =	vbroadcast v22, $0x0;
	v44 =	vbroadcast v22, $0x1;
	v45 =	vld [tilespmem:s4+$0x1B0];
	v25 =	vpop (erf)  }
0x325: {  	v46 =	vpack.i.f32.bf16 v25, v25;
	v47 =	vbroadcast v25, $0x0;
	v48 =	vbroadcast v25, $0x1;
	v49 =	vld [tilespmem:s4+$0xFFFFFF90];
	[tilespmem:s16+$0xE0] =	vst v40  }
0x326: {  	v26 =	vmul.f32 v26, v34;
	v29 =	vmul.f32 v32, v29;
	[tilespmem:s16+$0xFFFFFF00] =	vst v46;
	v32 =	vld [tilespmem:s4+$0x0]  }
0x327: {  	v40 =	vbroadcast v27, $0x2;
	v46 =	vbroadcast v27, $0x3;
	v34 =	vld [tilespmem:s4+$0xFFFFFE00]  }
0x328: {  	v26 =	vpack.i.f32.bf16 v26, v28;
	v28 =	vmul.f32 v33, v36;
	v31 =	vmul.f32 v31, v38;
	v50 =	vld [tilespmem:s4+$0xFFFFFE10]  }
0x329: {  	v33 =	vmul.f32 v42, v40;
	[tilespmem:s16+$0xFFFFFF10] =	vst v26;
	v26 =	vld [tilespmem:s4+$0x10];
	v36 =	vmul.f32 v45, v46  }
0x32a: {  	v38 =	vbroadcast v25, $0x2;
	v28 =	vpack.i.f32.bf16 v28, v29;
	v29 =	vmul.f32 v35, v49;
	v35 =	vld [tilespmem:s4+$0x80]  }
0x32b: {  	v40 =	vbroadcast v25, $0x3;
	[tilespmem:s16+$0xFFFFFF60] =	vst v28;
	v28 =	vmul.f32 v37, v32;
	v32 =	vld [tilespmem:s4+$0x90];
	v33 =	vpack.i.f32.bf16 v36, v33  }
0x32c: {  	v36 =	vbroadcast v23, $0x2;
	v34 =	vmul.f32 v47, v34;
	v29 =	vpack.i.f32.bf16 v29, v31;
	v31 =	vld [tilespmem:s4+$0x100];
	[tilespmem:s16+$0x100] =	vst v33  }
0x32d: {  	v37 =	vbroadcast v23, $0x3;
	v33 =	vmul.f32 v48, v50;
	[tilespmem:s16+$0xFFFFFFB0] =	vst v29;
	v29 =	vld [tilespmem:s4+$0x1C0]  }
0x32e: {  	v42 =	vbroadcast v24, $0x2;
	v26 =	vmul.f32 v39, v26;
	v39 =	vld [tilespmem:s4+$0x1D0]  }
0x32f: {  	v33 =	vpack.i.f32.bf16 v33, v34;
	v34 =	vbroadcast v24, $0x3;
	v35 =	vmul.f32 v41, v35;
	v41 =	vld [tilespmem:s4+$0x110]  }
0x330: {  	v45 =	vbroadcast v19, $0x2;
	[tilespmem:s16+$0xFFFFFEC0] =	vst v33;
	v33 =	vld [tilespmem:s4+$0xFFFFFEA0];
	v26 =	vpack.i.f32.bf16 v26, v28;
	v28 =	vmul.f32 v30, v32  }
0x331: {  	v32 =	vbroadcast v27, $0x5;
	v30 =	vld [tilespmem:s4+$0xFFFFFE20];
	[tilespmem:s16+$0x0] =	vst v26;
	v26 =	vbroadcast v27, $0x4  }
0x332: {  	v47 =	vbroadcast v19, $0x3;
	v31 =	vmul.f32 v43, v31;
	v46 =	vld [tilespmem:s4+$0xFFFFFE30];
	v28 =	vpack.i.f32.bf16 v28, v35  }
0x333: {  	v35 =	vld [tilespmem:s4+$0xFFFFFEB0];
	[tilespmem:s16+$0x50] =	vst v28;
	v26 =	vmul.f32 v29, v26;
	v28 =	vmul.f32 v39, v32  }
0x334: {  	v32 =	vbroadcast v20, $0x2;
	v29 =	vld [tilespmem:s4+$0xFFFFFF20];
	v39 =	vmul.f32 v44, v41  }
0x335: {  	v43 =	vbroadcast v20, $0x3;
	v44 =	vbroadcast v21, $0x2;
	v41 =	vld [tilespmem:s4+$0xFFFFFF30];
	v26 =	vpack.i.f32.bf16 v28, v26  }
0x336: {  	v48 =	vbroadcast v21, $0x3;
	v28 =	vld [tilespmem:s4+$0xFFFFFFA0];
	v31 =	vpack.i.f32.bf16 v39, v31;
	v39 =	vbroadcast v22, $0x2;
	[tilespmem:s16+$0x110] =	vst v26  }
0x337: {  	v26 =	vmul.f32 v30, v38;
	v30 =	vbroadcast v22, $0x3;
	[tilespmem:s16+$0xA0] =	vst v31;
	v31 =	vld [tilespmem:s4+$0x1E0]  }
0x338: {  	v33 =	vmul.f32 v33, v36;
	v38 =	vmul.f32 v46, v40;
	v36 =	vld [tilespmem:s4+$0x1F0]  }
0x339: {  	v35 =	vmul.f32 v35, v37;
	v29 =	vmul.f32 v29, v42;
	v37 =	vld [tilespmem:s4+$0xFFFFFFB0]  }
0x33a: {  	v26 =	vpack.i.f32.bf16 v38, v26;
	v38 =	vbroadcast v25, $0x4;
	v34 =	vmul.f32 v41, v34;
	v40 =	vld [tilespmem:s4+$0x20]  }
0x33b: {  	[tilespmem:s16+$0xFFFFFED0] =	vst v26;
	v26 =	vpack.i.f32.bf16 v35, v33;
	v33 =	vld [tilespmem:s4+$0x30];
	v35 =	vbroadcast v27, $0x6;
	v27 =	vbroadcast v27, $0x7  }
0x33c: {  	v41 =	vbroadcast v25, $0x5;
	v28 =	vmul.f32 v28, v45;
	[tilespmem:s16+$0xFFFFFF20] =	vst v26;
	v26 =	vpack.i.f32.bf16 v34, v29;
	v29 =	vld [tilespmem:s4+$0xA0]  }
0x33d: {  	[tilespmem:s16+$0xFFFFFF70] =	vst v26;
	v26 =	vld [tilespmem:s4+$0xB0];
	v31 =	vmul.f32 v31, v35;
	v27 =	vmul.f32 v36, v27  }
0x33e: {  	v34 =	vbroadcast v23, $0x4;
	v35 =	vmul.f32 v37, v47;
	v36 =	vld [tilespmem:s4+$0x120]  }
0x33f: {  	v37 =	vbroadcast v23, $0x5;
	v32 =	vmul.f32 v40, v32;
	v40 =	vld [tilespmem:s4+$0x130];
	v27 =	vpack.i.f32.bf16 v27, v31  }
0x340: {  	v42 =	vbroadcast v24, $0x4;
	v31 =	vld [tilespmem:s4+$0xFFFFFE40];
	v28 =	vpack.i.f32.bf16 v35, v28;
	v33 =	vmul.f32 v33, v43;
	[tilespmem:s16+$0x120] =	vst v27  }
0x341: {  	v35 =	vbroadcast v24, $0x5;
	v27 =	vld [tilespmem:s4+$0xFFFFFE50];
	[tilespmem:s16+$0xFFFFFFC0] =	vst v28;
	v28 =	vmul.f32 v29, v44  }
0x342: {  	v43 =	vbroadcast v19, $0x4;
	v29 =	vld [tilespmem:s4+$0xFFFFFEC0];
	v32 =	vpack.i.f32.bf16 v33, v32;
	v26 =	vmul.f32 v26, v48  }
0x343: {  	v45 =	vbroadcast v19, $0x5;
	v44 =	vld [tilespmem:s4+$0xFFFFFED0];
	[tilespmem:s16+$0x10] =	vst v32;
	v32 =	vmul.f32 v36, v39  }
0x344: {  	v39 =	vbroadcast v20, $0x4;
	v36 =	vld [tilespmem:s4+$0xFFFFFF40];
	v26 =	vpack.i.f32.bf16 v26, v28;
	v28 =	vmul.f32 v40, v30  }
0x345: {  	v46 =	vbroadcast v20, $0x5;
	v47 =	vbroadcast v21, $0x4;
	v40 =	vld [tilespmem:s4+$0xFFFFFF50];
	[tilespmem:s16+$0x60] =	vst v26  }
0x346: {  	v33 =	vbroadcast v21, $0x5;
	v26 =	vld [tilespmem:s4+$0xFFFFFFC0];
	v30 =	vpack.i.f32.bf16 v28, v32;
	v28 =	vbroadcast v22, $0x4  }
0x347: {  	v31 =	vmul.f32 v31, v38;
	v38 =	vld [tilespmem:s4+$0xFFFFFFD0];
	[tilespmem:s16+$0xB0] =	vst v30;
	v30 =	vbroadcast v22, $0x5  }
0x348: {  	v27 =	vmul.f32 v27, v41;
	v34 =	vmul.f32 v29, v34;
	v41 =	vld [tilespmem:s4+$0x40]  }
0x349: {  	v37 =	vmul.f32 v44, v37;
	v36 =	vmul.f32 v36, v42;
	v42 =	vld [tilespmem:s4+$0x50]  }
0x34a: {  	v32 =	vbroadcast v25, $0x6;
	v27 =	vpack.i.f32.bf16 v27, v31;
	v31 =	vmul.f32 v40, v35;
	v40 =	vld [tilespmem:s4+$0xC0]  }
.Ltmp3:
0x34b: {  	v29 =	vbroadcast v25, $0x7;
	v25 =	vpack.i.f32.bf16 v37, v34;
	[tilespmem:s16+$0xFFFFFEE0] =	vst v27;
	v27 =	vmul.f32 v26, v43;
	v35 =	vld [tilespmem:s4+$0xD0];
	(pc) =	sbr.rel @p0 .LBB2_8-.Ltmp3, $4  }
0x34c: {  	[tilespmem:s16+$0xFFFFFF30] =	vst v25;
	v25 =	vbroadcast v23, $0x6;
	v26 =	vpack.i.f32.bf16 v31, v36;
	v31 =	vmul.f32 v38, v45;
	v36 =	vld [tilespmem:s4+$0x140]  }
0x34d: {  	v23 =	vbroadcast v23, $0x7;
	[tilespmem:s16+$0xFFFFFF80] =	vst v26;
	v38 =	vmul.f32 v41, v39;
	v37 =	vld [tilespmem:s4+$0x150]  }
0x34e: {  	v26 =	vbroadcast v24, $0x6;
	v34 =	vld [tilespmem:s4+$0xFFFFFE60];
	v27 =	vpack.i.f32.bf16 v31, v27;
	v39 =	vmul.f32 v42, v46  }
0x34f: {  	s10 =	sadd.s32 $0x80, s10;
	v24 =	vbroadcast v24, $0x7;
	v31 =	vld [tilespmem:s4+$0xFFFFFE70];
	[tilespmem:s16+$0xFFFFFFD0] =	vst v27;
	v27 =	vmul.f32 v40, v47  }
0x350: {  	v40 =	vbroadcast v19, $0x6;
	v33 =	vmul.f32 v35, v33;
	v57 =	vld [tilespmem:s4+$0xFFFFFEE0]  }
0x351: {  	v19 =	vbroadcast v19, $0x7;
	v58 =	vld [tilespmem:s4+$0xFFFFFEF0];
	v41 =	vbroadcast v20, $0x6  }
0x352: {  	v59 =	vld [tilespmem:s4+$0xFFFFFF60];
	v60 =	vbroadcast v20, $0x7;
	v42 =	vbroadcast v21, $0x6  }
0x353: {  	v43 =	vld [tilespmem:s4+$0xFFFFFF70];
	v21 =	vbroadcast v21, $0x7;
	v0 =	vmul.f32 v9, v0  }
0x354: {  	v38 =	vpack.i.f32.bf16 v39, v38;
	v61 =	vld [tilespmem:s4+$0xFFFFFFE0];
	v1 =	vmul.f32 v10, v1;
	v3 =	vmul.f32 v12, v3  }
0x355: {  	v62 =	vld [tilespmem:s4+$0xFFFFFFF0];
	v2 =	vmul.f32 v11, v2;
	v4 =	vmul.f32 v13, v4;
	[tilespmem:s16+$0x20] =	vst v38;
	v27 =	vpack.i.f32.bf16 v33, v27  }
0x356: {  	v28 =	vmul.f32 v36, v28;
	v30 =	vmul.f32 v37, v30;
	v38 =	vld [tilespmem:s4+$0x60];
	v0 =	vpack.i.f32.bf16 v0, v15;
	[tilespmem:s16+$0x70] =	vst v27  }
0x357: {  	v6 =	vmul.f32 v14, v6;
	v5 =	vmul.f32 v16, v5;
	v44 =	vld [tilespmem:s4+$0x70];
	v1 =	vpack.i.f32.bf16 v3, v1;
	[tilespmem:s0+$0xFFFFFF90] =	vst v0  }
0x358: {  	v47 =	vmul.f32 v17, v7;
	v48 =	vmul.f32 v18, v8;
	[tilespmem:s0+$0xFFFFFFE0] =	vst v1;
	v63 =	vpack.i.f32.bf16 v30, v28;
	v45 =	vld [tilespmem:s5+$0xE0]  }
0x359: {  	v33 =	vbroadcast v22, $0x6;
	v49 =	vpack.i.f32.bf16 v4, v2;
	v32 =	vmul.f32 v34, v32;
	v46 =	vld [tilespmem:s5+$0xF0];
	[tilespmem:s16+$0xC0] =	vst v63  }
0x35a: {  	v51 =	vpack.i.f32.bf16 v5, v6;
	[tilespmem:s0+$0x30] =	vst v49;
	v29 =	vmul.f32 v31, v29;
	v30 =	vbroadcast v22, $0x7;
	v50 =	vld [tilespmem:s5+$0x160]  }
0x35b: {  	v3 =	vpack.i.f32.bf16 v48, v47;
	[tilespmem:s0+$0x80] =	vst v51;
	v52 =	vmul.f32 v57, v25;
	v53 =	vmul.f32 v58, v23;
	v54 =	vld [tilespmem:s5+$0x170]  }
0x35c: {  	[tilespmem:s0+$0xD0] =	vst v3;
	v55 =	vmul.f32 v59, v26;
	v56 =	vmul.f32 v43, v24;
	v39 =	vpack.i.f32.bf16 v29, v32  }
0x35d: {  	v57 =	vmul.f32 v61, v40;
	v58 =	vmul.f32 v62, v19;
	[tilespmem:s16+$0xFFFFFEF0] =	vst v39;
	v1 =	vpack.i.f32.bf16 v53, v52  }
0x35e: {  	v59 =	vmul.f32 v38, v41;
	v60 =	vmul.f32 v44, v60;
	v4 =	vpack.i.f32.bf16 v56, v55;
	[tilespmem:s16+$0xFFFFFF40] =	vst v1  }
0x35f: {  	v3 =	vpack.i.f32.bf16 v58, v57;
	[tilespmem:s16+$0xFFFFFF90] =	vst v4;
	v61 =	vmul.f32 v45, v42;
	v0 =	vmul.f32 v46, v21  }
0x360: {  	[tilespmem:s16+$0xFFFFFFE0] =	vst v3;
	v1 =	vpack.i.f32.bf16 v60, v59;
	v2 =	vmul.f32 v50, v33;
	v62 =	vmul.f32 v54, v30  }
0x361: {  	[tilespmem:s16+$0x30] =	vst v1;
	v0 =	vpack.i.f32.bf16 v0, v61  }
0x362: {  	[tilespmem:s16+$0x80] =	vst v0;
	v63 =	vpack.i.f32.bf16 v62, v2  }
0x363: {  	s31 =	simm.s32 $0x115D0;
	[tilespmem:s16+$0xD0] =	vst v63  }
0x364: {  	[spmem:s3] =	stream.indirect.scatter.add.bf16 [tilespmem:s25], [sflag:$0x3], $0x50, s31, s17, $0xb8;
	[tilespmem:$0x19320] =	vst v63  }
0x365: {  	_ =	swait.ge [sflag:s14], $0x1900  }
0x366: {  	s29 =	sadd.s32 $0x1, s29;
	[sflag:s14] =	ssyncset.done $0x0  }
0x367: {  	p0 =	sne.s32 s29, s12;
	[sflag:s14] =	ssyncadd.s32 $0xFFFFE700  }
.Ltmp4:
0x368: {  	[bflag:$0x0] =	sbarrier.arrive $0xFFFF;
	(pc) =	sbr.rel @p0 .LBB2_1-.Ltmp4, $4  }
0x369: {  	[hbm:s11], [sflag:s8] =	dma.local [spmem:s13], $0x1900  }
0x36a: {  	_ =	swait.ge [sflag:s14], $0x1900  }
0x36b: {  	[sflag:s14] =	ssyncset.done $0x0  }
0x36c: {  	[sflag:s14] =	ssyncadd.s32 $0xFFFFE700  }
0x36d: {  	_ =	sfence.sel $0x180000  }
0x36e: {  	[bflag:$0x0] =	sbarrier.arrive $0xFFFF  }
0x36f: {  	_ =	strace $0x90000047  }
0x370: {  	s0 =	stileid.u32;
	[bflag:$0x2] =	sbarrier.arrive $0xFFFF  }
0x371: {  	p0 =	sne.s32 s0, $0x0;
	s0 =	rddreg [dreg:$0x3]  }
0x372: {  	s0 =	sadd.s32 @!p0 $0x100000, s0  }
0x373: {  	[sflag:s0] =	ssyncadd.tile.s32 @!p0 $0x1;
	_ =	shalt  }
.Lfunc_end2:
_tile_overlayer_lowered:
.L_overlay_start_2:
0x374: {  	(tag) =	ssettag $0x2  }
0x375: {  	s0 =	rddreg [dreg:$0x0];
	s2 =	stileid.u32  }
0x376: {  	s1 =	rddreg [dreg:$0x1];
	p0 =	sne.s32 s2, $0x0  }
0x377: {  	s3 =	rddreg [dreg:$0x2];
	[bflag:$0x3] =	sbarrier.arrive $0xFFFF;
	s2 =	simm.s32 @!p0 $0x1C03  }
0x378: {  	[timem:s3], [sflag:s2] =	dma.local @!p0 [hbm:s0], s1  }
0x379: {  	s0 =	simm.s32 @!p0 $0x3  }
0x37a: {  	_ =	swait.ge @!p0 [sflag:s0], s1  }
0x37b: {  	s1 =	ssub.s32 @!p0 $0x0, s1;
	[sflag:s0] =	ssyncset.done @!p0 $0x0  }
0x37c: {  	[sflag:s0] =	ssyncadd.s32 @!p0 s1  }
0x37d: {  	[bflag:$0x3] =	sbarrier.arrive $0xFFFF  }
0x37e: {  	_ =	shalt  }

</sc_bundles>
